<compile_context>
chip_gen: v7x
topology: tpu7x:2x2x1
jax: 0.10.2.dev20260603
libtpu: 0.0.44.dev20260713+nightly
codegen_flags: <defaults>
</compile_context>

<pallas_src>
import functools

import jax
import jax.numpy as jnp
from jax import lax
from jax.experimental import pallas as pl
from jax.experimental.pallas import tpu as pltpu
from jax.experimental.pallas import tpu_sc as plsc

N = 10000
D = 128
E = 320000
G = 128
NC, NS = 2, 16
NW = NC * NS
CH = 128
EPT = E // NW
NCHUNK = 81
EPT_PAD = NCHUNK * CH
PAD_E = EPT_PAD - EPT
AGG_ROWS = 10040
WRT = 632
WRT_LAST = AGG_ROWS - 15 * WRT

RB = 2000
NBLK = N // RB



NBUF = 3


@functools.lru_cache(maxsize=None)
def _make_sc_agg():
    mesh = plsc.VectorSubcoreMesh(core_axis_name="c", subcore_axis_name="s")

    NG = NCHUNK // NBUF

    @functools.partial(
        pl.kernel,
        mesh=mesh,
        out_type=jax.ShapeDtypeStruct((NC, AGG_ROWS, D), jnp.float32),
        scratch_types=[
            pltpu.VMEM((2, NBUF, 2, CH), jnp.int32),
            pltpu.VMEM((CH, D), jnp.float32),
            pltpu.VMEM((CH, D), jnp.float32),
            pltpu.VMEM((CH, D), jnp.float32),
            pltpu.VMEM_SHARED((AGG_ROWS, D), jnp.float32),
            pltpu.SemaphoreType.DMA,
            pltpu.SemaphoreType.DMA,
            pltpu.SemaphoreType.DMA,
            pltpu.SemaphoreType.DMA,
            pltpu.SemaphoreType.DMA,
            pltpu.SemaphoreType.DMA,
            pltpu.SemaphoreType.DMA,
            pltpu.SemaphoreType.DMA,
        ],
    )
    def _sc_agg(h_hbm, epk_hbm, out_hbm,
                ebuf, r0, r1, r2, agg_sh, g0, g1, g2, s0, s1, s2, i0, i1):
        rbufs = [r0, r1, r2]
        gsems = [g0, g1, g2]
        ssems = [s0, s1, s2]
        isems = [i0, i1]
        c = lax.axis_index("c")
        s = lax.axis_index("s")
        wid = s * NC + c
        my_epk = epk_hbm.at[wid]
        my_h = h_hbm.at[c]
        icp = pltpu.async_copy(my_epk.at[pl.ds(0, NBUF)], ebuf.at[0],
                               isems[0])

        def zrow(r, carry):
            for cc in range(D // 16):
                r0[r, pl.ds(cc * 16, 16)] = jnp.zeros((16,), jnp.float32)
            return carry

        lax.fori_loop(0, CH, zrow, 0)
        zbase = s * WRT
        for k in range(4):
            pltpu.sync_copy(r0, agg_sh.at[pl.ds(zbase + k * CH, CH)])

        @pl.when(s < NS - 1)
        def _():
            pltpu.sync_copy(r0.at[pl.ds(0, WRT - 4 * CH)],
                            agg_sh.at[pl.ds(zbase + 4 * CH, WRT - 4 * CH)])

        @pl.when(s == NS - 1)
        def _():
            pltpu.sync_copy(r0.at[pl.ds(0, WRT_LAST - 4 * CH)],
                            agg_sh.at[pl.ds(zbase + 4 * CH,
                                            WRT_LAST - 4 * CH)])

        icp.wait()
        plsc.subcore_barrier()

        def body(g, carry):
            slot = lax.rem(g, 2)
            for ss in range(2):
                @pl.when(slot == ss)
                def _():
                    @pl.when(g > 0)
                    def _():
                        for b in range(NBUF):
                            pltpu.make_async_copy(
                                rbufs[b], agg_sh.at[ebuf.at[1 - ss, b, 1]],
                                ssems[b]).wait()

                    @pl.when(g + 1 < NG)
                    def _():
                        pltpu.async_copy(
                            my_epk.at[pl.ds((g + 1) * NBUF, NBUF)],
                            ebuf.at[1 - ss], isems[1 - ss])

                    for b in range(NBUF):
                        pltpu.async_copy(my_h.at[ebuf.at[ss, b, 0]],
                                         rbufs[b], gsems[b])

                    for b in range(NBUF):
                        pltpu.make_async_copy(my_h.at[ebuf.at[ss, b, 0]],
                                              rbufs[b], gsems[b]).wait()
                        pltpu.async_copy(rbufs[b],
                                         agg_sh.at[ebuf.at[ss, b, 1]],
                                         ssems[b], add=True)

                    @pl.when(g + 1 < NG)
                    def _():
                        pltpu.make_async_copy(
                            my_epk.at[pl.ds((g + 1) * NBUF, NBUF)],
                            ebuf.at[1 - ss], isems[1 - ss]).wait()
            return carry

        lax.fori_loop(0, NG, body, 0)
        for b in range(NBUF):
            pltpu.make_async_copy(rbufs[b], agg_sh.at[ebuf.at[0, b, 1]],
                                  ssems[b]).wait()
        plsc.subcore_barrier()

        @pl.when(s < NS - 1)
        def _():
            pltpu.sync_copy(agg_sh.at[pl.ds(s * WRT, WRT)],
                            out_hbm.at[c].at[pl.ds(s * WRT, WRT)])

        @pl.when(s == NS - 1)
        def _():
            pltpu.sync_copy(agg_sh.at[pl.ds((NS - 1) * WRT, WRT_LAST)],
                            out_hbm.at[c].at[pl.ds((NS - 1) * WRT, WRT_LAST)])

    return _sc_agg



def _tc_layer1_body(part, h, w1, b1, w2, b2, hout):
    agg = part[0] + part[1] + h[...]
    h1 = jnp.maximum(jnp.dot(agg, w1[...], preferred_element_type=jnp.float32)
                     + b1[...], 0.0)
    h2 = jnp.maximum(jnp.dot(h1, w2[...], preferred_element_type=jnp.float32)
                     + b2[...], 0.0)
    hout[...] = h2


def _tc_layer2_body(part, h, w1, b1, w2, b2, bat, wp1, bp1, wp2, bp2,
                    ph_out, out2, pacc1, pacc):
    i = pl.program_id(0)
    agg = part[0] + part[1] + h[...]
    h1 = jnp.maximum(jnp.dot(agg, w1[...], preferred_element_type=jnp.float32)
                     + b1[...], 0.0)
    h2 = jnp.maximum(jnp.dot(h1, w2[...], preferred_element_type=jnp.float32)
                     + b2[...], 0.0)
    oh = (bat[0] == lax.broadcasted_iota(jnp.int32, (G, RB), 0)
          ).astype(jnp.float32)
    contrib1 = jnp.dot(oh, h[...], preferred_element_type=jnp.float32)
    contrib = jnp.dot(oh, h2, preferred_element_type=jnp.float32)

    @pl.when(i == 0)
    def _init():
        pacc1[...] = jnp.zeros((G, G), jnp.float32)
        pacc[...] = jnp.zeros((G, G), jnp.float32)

    pacc1[...] += contrib1
    pacc[...] += contrib

    @pl.when(i == NBLK - 1)
    def _finish():
        ph = jnp.concatenate([pacc1[...], pacc[...]], axis=-1)
        p = jnp.maximum(jnp.dot(ph, wp1[...],
                                preferred_element_type=jnp.float32)
                        + bp1[...], 0.0)
        out2[...] = jnp.dot(p, wp2[...],
                            preferred_element_type=jnp.float32) + bp2[...]
        ph_out[...] = ph


def _tc_layer1(part, h, w1, b1, w2, b2):
    return pl.pallas_call(
        _tc_layer1_body,
        grid=(NBLK,),
        in_specs=[
            pl.BlockSpec((2, RB, D), lambda i: (0, i, 0)),
            pl.BlockSpec((RB, D), lambda i: (i, 0)),
            pl.BlockSpec((D, D), lambda i: (0, 0)),
            pl.BlockSpec((1, D), lambda i: (0, 0)),
            pl.BlockSpec((D, D), lambda i: (0, 0)),
            pl.BlockSpec((1, D), lambda i: (0, 0)),
        ],
        out_specs=pl.BlockSpec((RB, D), lambda i: (i, 0)),
        out_shape=jax.ShapeDtypeStruct((N, D), jnp.float32),
    )(part, h, w1, b1, w2, b2)


def _tc_layer2(part, h, w1, b1, w2, b2, bat3, wp1, bp1, wp2, bp2):
    return pl.pallas_call(
        _tc_layer2_body,
        grid=(NBLK,),
        in_specs=[
            pl.BlockSpec((2, RB, D), lambda i: (0, i, 0)),
            pl.BlockSpec((RB, D), lambda i: (i, 0)),
            pl.BlockSpec((D, D), lambda i: (0, 0)),
            pl.BlockSpec((1, D), lambda i: (0, 0)),
            pl.BlockSpec((D, D), lambda i: (0, 0)),
            pl.BlockSpec((1, D), lambda i: (0, 0)),
            pl.BlockSpec((1, 1, RB), lambda i: (i, 0, 0)),
            pl.BlockSpec((2 * D, D), lambda i: (0, 0)),
            pl.BlockSpec((1, D), lambda i: (0, 0)),
            pl.BlockSpec((D, D), lambda i: (0, 0)),
            pl.BlockSpec((1, D), lambda i: (0, 0)),
        ],
        out_specs=[
            pl.BlockSpec((G, 2 * D), lambda i: (0, 0)),
            pl.BlockSpec((G, D), lambda i: (0, 0)),
        ],
        out_shape=[
            jax.ShapeDtypeStruct((G, 2 * D), jnp.float32),
            jax.ShapeDtypeStruct((G, D), jnp.float32),
        ],
        scratch_shapes=[pltpu.VMEM((G, G), jnp.float32),
                        pltpu.VMEM((G, G), jnp.float32)],
    )(part, h, w1, b1, w2, b2, bat3, wp1, bp1, wp2, bp2)



def kernel(x, edge_index, batch, W1_0, b1_0, W2_0, b2_0, W1_1, b1_1,
           W2_1, b2_1, Wp1, bp1, Wp2, bp2):
    src = edge_index[0].astype(jnp.int32)
    dst = edge_index[1].astype(jnp.int32)

    ar = jnp.arange(PAD_E, dtype=jnp.int32)[None, :]
    w = jnp.arange(NW, dtype=jnp.int32)[:, None]
    pad_src = (w * 313 + ar) % N
    pad_dst = N + (w * 8 + ar) % (AGG_ROWS - N)
    srcp = jnp.concatenate([src.reshape(NW, EPT), pad_src],
                           axis=1).reshape(NW, NCHUNK, CH)
    dstp = jnp.concatenate([dst.reshape(NW, EPT), pad_dst],
                           axis=1).reshape(NW, NCHUNK, CH)
    epk = jnp.stack([srcp, dstp], axis=2)
    bat3 = batch.astype(jnp.int32).reshape(NBLK, 1, RB)

    b1_0r, b2_0r = b1_0.reshape(1, D), b2_0.reshape(1, D)
    b1_1r, b2_1r = b1_1.reshape(1, D), b2_1.reshape(1, D)
    bp1r, bp2r = bp1.reshape(1, D), bp2.reshape(1, D)

    sc_agg = _make_sc_agg()
    part1 = sc_agg(jnp.stack([x, x]), epk)
    h1 = _tc_layer1(part1, x, W1_0, b1_0r, W2_0, b2_0r)
    part2 = sc_agg(jnp.stack([h1, h1]), epk)
    pooled_h, pooled_h_p = _tc_layer2(part2, h1, W1_1, b1_1r, W2_1, b2_1r,
                                      bat3, Wp1, bp1r, Wp2, bp2r)
    return (pooled_h, pooled_h_p, x)

# --- scband reference (transcript-rebuilt; emitter-appended) ---
"""Pipeline reference for scband-model-8589934621 (READ-ONLY COPY).

The authoritative reference and input builder live on the scoring server;
editing this copy changes nothing except your own understanding.
"""

import jax, jax.numpy as jnp
import numpy as np

N_NODES = 10000
N_EDGES = 320000
D_FEAT = 128
HID = 128
NUM_GRAPHS = 128
NUM_GC_LAYERS = 3  # -> 2 GIN MLP layers


def setup_inputs(seed: int = 0) -> dict:
    key = jax.random.key(seed)
    ks = jax.random.split(key, 16)
    inp = {}
    inp['x'] = jax.random.normal(ks[0], (N_NODES, D_FEAT), dtype=jnp.float32)
    inp['edge_index'] = jax.random.randint(ks[1], (2, N_EDGES), 0, N_NODES, dtype=jnp.int64)
    inp['batch'] = jnp.sort(jax.random.randint(ks[2], (N_NODES,), 0, NUM_GRAPHS, dtype=jnp.int64))
    # GIN MLP params (2 layers of MLPs, each MLP = Linear(d,hid)->ReLU->Linear(hid,hid)->ReLU)
    s_in = 1.0 / np.sqrt(D_FEAT)
    s_h = 1.0 / np.sqrt(HID)
    inp['W1_0'] = jax.random.uniform(ks[3], (D_FEAT, HID), jnp.float32, -s_in, s_in)
    inp['b1_0'] = jnp.zeros((HID,), jnp.float32)
    inp['W2_0'] = jax.random.uniform(ks[4], (HID, HID), jnp.float32, -s_h, s_h)
    inp['b2_0'] = jnp.zeros((HID,), jnp.float32)
    inp['W1_1'] = jax.random.uniform(ks[5], (HID, HID), jnp.float32, -s_h, s_h)
    inp['b1_1'] = jnp.zeros((HID,), jnp.float32)
    inp['W2_1'] = jax.random.uniform(ks[6], (HID, HID), jnp.float32, -s_h, s_h)
    inp['b2_1'] = jnp.zeros((HID,), jnp.float32)
    # projection head: Linear((num_gc_layers-1)*hid, hid) -> ReLU -> Linear(hid, hid)
    s_p = 1.0 / np.sqrt((NUM_GC_LAYERS - 1) * HID)
    inp['Wp1'] = jax.random.uniform(ks[7], ((NUM_GC_LAYERS - 1) * HID, HID), jnp.float32, -s_p, s_p)
    inp['bp1'] = jnp.zeros((HID,), jnp.float32)
    inp['Wp2'] = jax.random.uniform(ks[8], (HID, HID), jnp.float32, -s_h, s_h)
    inp['bp2'] = jnp.zeros((HID,), jnp.float32)
    return inp


def reference(x, edge_index, batch, W1_0, b1_0, W2_0, b2_0, W1_1, b1_1, W2_1, b2_1, Wp1, bp1, Wp2, bp2):
    src = edge_index[0]
    dst = edge_index[1]
    h = x
    pooled = []
    layers = [(W1_0, b1_0, W2_0, b2_0), (W1_1, b1_1, W2_1, b2_1)]
    for (W1, b1, W2, b2) in layers:
        # GIN aggregation: (A + I) h  (eps=0), scatter-add messages from src to dst
        msgs = jnp.take(h, src, axis=0)
        agg = jax.ops.segment_sum(msgs, dst, num_segments=N_NODES) + h
        h = jax.nn.relu(agg @ W1 + b1)
        h = jax.nn.relu(h @ W2 + b2)
        # per-graph sum pooling of this layer's node embeddings
        pooled.append(jax.ops.segment_sum(h, batch, num_segments=NUM_GRAPHS))
    # pooled_h = cat(output_embeds[1:], -1)  (layer-0 = raw input pooled, skipped)
    pooled_h = jnp.concatenate(pooled, axis=-1)
    p = jax.nn.relu(pooled_h @ Wp1 + bp1)
    pooled_h_p = p @ Wp2 + bp2
    return (pooled_h, pooled_h_p, x)

if __name__ == "__main__":
    import jax
    _d = setup_inputs()
    print(jax.jit(kernel)(*tuple(_d.values())))

</pallas_src>

<mosaic_0001>
#map = affine_map<(d0, d1) -> (0, 0, 0)>
#map1 = affine_map<(d0, d1) -> (0, 0, 0, 0)>
module attributes {stable_mosaic.version = 14 : i64} {
  func.func @_sc_agg(%arg0: i32, %arg1: i32, %arg2: memref<2x10000x128xf32, #tpu.memory_space<hbm>>, %arg3: memref<32x81x2x128xi32, #tpu.memory_space<hbm>>, %arg4: memref<2x10040x128xf32, #tpu.memory_space<hbm>>, %arg5: memref<2x3x2x128xi32, #tpu.memory_space<vmem>>, %arg6: memref<128x128xf32, #tpu.memory_space<vmem>>, %arg7: memref<128x128xf32, #tpu.memory_space<vmem>>, %arg8: memref<128x128xf32, #tpu.memory_space<vmem>>, %arg9: memref<10040x128xf32, #tpu.memory_space<vmem_shared>>, %arg10: memref<!tpu.dma_semaphore, #tpu.memory_space<semaphore_mem>>, %arg11: memref<!tpu.dma_semaphore, #tpu.memory_space<semaphore_mem>>, %arg12: memref<!tpu.dma_semaphore, #tpu.memory_space<semaphore_mem>>, %arg13: memref<!tpu.dma_semaphore, #tpu.memory_space<semaphore_mem>>, %arg14: memref<!tpu.dma_semaphore, #tpu.memory_space<semaphore_mem>>, %arg15: memref<!tpu.dma_semaphore, #tpu.memory_space<semaphore_mem>>, %arg16: memref<!tpu.dma_semaphore, #tpu.memory_space<semaphore_mem>>, %arg17: memref<!tpu.dma_semaphore, #tpu.memory_space<semaphore_mem>>) attributes {dimension_semantics = [#tpu.dimension_semantics<core_parallel>, #tpu.dimension_semantics<subcore_parallel>], iteration_bounds = array<i64: 2, 16>, scalar_prefetch = 0 : i64, scratch_operands = 13 : i64, tpu.core_type = #tpu.core_type<sc_vector_subcore>, window_params = [{transform_indices = #map}, {transform_indices = #map1}, {transform_indices = #map}]} {
    %mul3A = arith.constant 2 : i32
    %mul3A_0 = arith.muli %arg1, %mul3A : i32
    %add3A = arith.addi %mul3A_0, %arg0 : i32
    %dma_start3A = arith.constant 0 : i32
    %dma_start3A_1 = arith.constant 0 : i32
    %dma_start3A_2 = arith.constant 0 : i32
    %dma_start3A_3 = arith.constant 0 : i32
    %dma_start3A_4 = tpu.memref_slice %arg5[%dma_start3A, %dma_start3A_1, %dma_start3A_2, %dma_start3A_3] : memref<2x3x2x128xi32, #tpu.memory_space<vmem>> -> memref<1x3x2x128xi32, #tpu.memory_space<vmem>>
    %dma_start3A_5 = tpu.memref_squeeze %dma_start3A_4 : memref<1x3x2x128xi32, #tpu.memory_space<vmem>> -> memref<3x2x128xi32, #tpu.memory_space<vmem>>
    %dma_start3A_6 = arith.constant 0 : i32
    %dma_start3A_7 = arith.constant 0 : i32
    %dma_start3A_8 = arith.constant 0 : i32
    %dma_start3A_9 = tpu.memref_slice %arg3[%add3A, %dma_start3A_6, %dma_start3A_7, %dma_start3A_8] : memref<32x81x2x128xi32, #tpu.memory_space<hbm>> -> memref<1x81x2x128xi32, #tpu.memory_space<hbm>>
    %dma_start3A_10 = tpu.memref_squeeze %dma_start3A_9 : memref<1x81x2x128xi32, #tpu.memory_space<hbm>> -> memref<81x2x128xi32, #tpu.memory_space<hbm>>
    %dma_start3A_11 = arith.constant 0 : i32
    %dma_start3A_12 = arith.constant 0 : i32
    %dma_start3A_13 = arith.constant 0 : i32
    %dma_start3A_14 = tpu.memref_slice %dma_start3A_10[%dma_start3A_11, %dma_start3A_12, %dma_start3A_13] : memref<81x2x128xi32, #tpu.memory_space<hbm>> -> memref<3x2x128xi32, #tpu.memory_space<hbm>>
    %dma_start3A_15 = arith.constant 0 : i32
    %dma_start3A_16 = arith.constant 0 : i32
    %dma_start3A_17 = arith.constant 0 : i32
    %dma_start3A_18 = tpu.memref_slice %arg5[%dma_start3A, %dma_start3A_15, %dma_start3A_16, %dma_start3A_17] : memref<2x3x2x128xi32, #tpu.memory_space<vmem>> -> memref<1x3x2x128xi32, #tpu.memory_space<vmem>>
    %dma_start3A_19 = tpu.memref_squeeze %dma_start3A_18 : memref<1x3x2x128xi32, #tpu.memory_space<vmem>> -> memref<3x2x128xi32, #tpu.memory_space<vmem>>
    %dma_start3A_20 = arith.constant 0 : i32
    %dma_start3A_21 = arith.constant 0 : i32
    %dma_start3A_22 = arith.constant 0 : i32
    %dma_start3A_23 = tpu.memref_slice %arg3[%add3A, %dma_start3A_20, %dma_start3A_21, %dma_start3A_22] : memref<32x81x2x128xi32, #tpu.memory_space<hbm>> -> memref<1x81x2x128xi32, #tpu.memory_space<hbm>>
    %dma_start3A_24 = tpu.memref_squeeze %dma_start3A_23 : memref<1x81x2x128xi32, #tpu.memory_space<hbm>> -> memref<81x2x128xi32, #tpu.memory_space<hbm>>
    %dma_start3A_25 = arith.constant 0 : i32
    %dma_start3A_26 = arith.constant 0 : i32
    %dma_start3A_27 = arith.constant 0 : i32
    %dma_start3A_28 = tpu.memref_slice %dma_start3A_24[%dma_start3A_25, %dma_start3A_26, %dma_start3A_27] : memref<81x2x128xi32, #tpu.memory_space<hbm>> -> memref<3x2x128xi32, #tpu.memory_space<hbm>>
    tpu.enqueue_dma source(%dma_start3A_28 : memref<3x2x128xi32, #tpu.memory_space<hbm>>) target(%dma_start3A_19 : memref<3x2x128xi32, #tpu.memory_space<vmem>>) target_semaphore(%arg16 : memref<!tpu.dma_semaphore, #tpu.memory_space<semaphore_mem>>)
    %scan3A = arith.constant 0 : i32
    %scan3A_29 = arith.constant 0 : i32
    %scan3A_30 = arith.constant 128 : i32
    %scan3A_31 = arith.addi %scan3A_29, %scan3A_30 : i32
    %scan3A_32 = arith.constant 1 : i32
    scf.for %scan3A_122 = %scan3A_29 to %scan3A_31 step %scan3A_32  : i32 {
      %broadcast_in_dim3A = arith.constant 0.000000e+00 : f32
      %broadcast_in_dim3A_123 = vector.broadcast %broadcast_in_dim3A : f32 to vector<16xf32>
      %swap3A = arith.index_cast %scan3A_122 : i32 to index
      %swap3A_124 = arith.constant 0 : index
      %swap3A_125 = tpu.vector_load %arg6[%swap3A, %swap3A_124] {strides = array<i32>} : memref<128x128xf32, #tpu.memory_space<vmem>>, vector<1x16xf32>,
      %swap3A_126 = vector.shape_cast %swap3A_125 : vector<1x16xf32> to vector<16xf32>
      %swap3A_127 = vector.shape_cast %broadcast_in_dim3A_123 : vector<16xf32> to vector<1x16xf32>
      tpu.vector_store %arg6[%swap3A, %swap3A_124], %swap3A_127 {strides = array<i32>} : memref<128x128xf32, #tpu.memory_space<vmem>>, vector<1x16xf32>,
      %broadcast_in_dim3A_128 = arith.constant 0.000000e+00 : f32
      %broadcast_in_dim3A_129 = vector.broadcast %broadcast_in_dim3A_128 : f32 to vector<16xf32>
      %swap3A_130 = arith.index_cast %scan3A_122 : i32 to index
      %swap3A_131 = arith.constant 16 : index
      %swap3A_132 = tpu.vector_load %arg6[%swap3A_130, %swap3A_131] {strides = array<i32>} : memref<128x128xf32, #tpu.memory_space<vmem>>, vector<1x16xf32>,
      %swap3A_133 = vector.shape_cast %swap3A_132 : vector<1x16xf32> to vector<16xf32>
      %swap3A_134 = vector.shape_cast %broadcast_in_dim3A_129 : vector<16xf32> to vector<1x16xf32>
      tpu.vector_store %arg6[%swap3A_130, %swap3A_131], %swap3A_134 {strides = array<i32>} : memref<128x128xf32, #tpu.memory_space<vmem>>, vector<1x16xf32>,
      %broadcast_in_dim3A_135 = arith.constant 0.000000e+00 : f32
      %broadcast_in_dim3A_136 = vector.broadcast %broadcast_in_dim3A_135 : f32 to vector<16xf32>
      %swap3A_137 = arith.index_cast %scan3A_122 : i32 to index
      %swap3A_138 = arith.constant 32 : index
      %swap3A_139 = tpu.vector_load %arg6[%swap3A_137, %swap3A_138] {strides = array<i32>} : memref<128x128xf32, #tpu.memory_space<vmem>>, vector<1x16xf32>,
      %swap3A_140 = vector.shape_cast %swap3A_139 : vector<1x16xf32> to vector<16xf32>
      %swap3A_141 = vector.shape_cast %broadcast_in_dim3A_136 : vector<16xf32> to vector<1x16xf32>
      tpu.vector_store %arg6[%swap3A_137, %swap3A_138], %swap3A_141 {strides = array<i32>} : memref<128x128xf32, #tpu.memory_space<vmem>>, vector<1x16xf32>,
      %broadcast_in_dim3A_142 = arith.constant 0.000000e+00 : f32
      %broadcast_in_dim3A_143 = vector.broadcast %broadcast_in_dim3A_142 : f32 to vector<16xf32>
      %swap3A_144 = arith.index_cast %scan3A_122 : i32 to index
      %swap3A_145 = arith.constant 48 : index
      %swap3A_146 = tpu.vector_load %arg6[%swap3A_144, %swap3A_145] {strides = array<i32>} : memref<128x128xf32, #tpu.memory_space<vmem>>, vector<1x16xf32>,
      %swap3A_147 = vector.shape_cast %swap3A_146 : vector<1x16xf32> to vector<16xf32>
      %swap3A_148 = vector.shape_cast %broadcast_in_dim3A_143 : vector<16xf32> to vector<1x16xf32>
      tpu.vector_store %arg6[%swap3A_144, %swap3A_145], %swap3A_148 {strides = array<i32>} : memref<128x128xf32, #tpu.memory_space<vmem>>, vector<1x16xf32>,
      %broadcast_in_dim3A_149 = arith.constant 0.000000e+00 : f32
      %broadcast_in_dim3A_150 = vector.broadcast %broadcast_in_dim3A_149 : f32 to vector<16xf32>
      %swap3A_151 = arith.index_cast %scan3A_122 : i32 to index
      %swap3A_152 = arith.constant 64 : index
      %swap3A_153 = tpu.vector_load %arg6[%swap3A_151, %swap3A_152] {strides = array<i32>} : memref<128x128xf32, #tpu.memory_space<vmem>>, vector<1x16xf32>,
      %swap3A_154 = vector.shape_cast %swap3A_153 : vector<1x16xf32> to vector<16xf32>
      %swap3A_155 = vector.shape_cast %broadcast_in_dim3A_150 : vector<16xf32> to vector<1x16xf32>
      tpu.vector_store %arg6[%swap3A_151, %swap3A_152], %swap3A_155 {strides = array<i32>} : memref<128x128xf32, #tpu.memory_space<vmem>>, vector<1x16xf32>,
      %broadcast_in_dim3A_156 = arith.constant 0.000000e+00 : f32
      %broadcast_in_dim3A_157 = vector.broadcast %broadcast_in_dim3A_156 : f32 to vector<16xf32>
      %swap3A_158 = arith.index_cast %scan3A_122 : i32 to index
      %swap3A_159 = arith.constant 80 : index
      %swap3A_160 = tpu.vector_load %arg6[%swap3A_158, %swap3A_159] {strides = array<i32>} : memref<128x128xf32, #tpu.memory_space<vmem>>, vector<1x16xf32>,
      %swap3A_161 = vector.shape_cast %swap3A_160 : vector<1x16xf32> to vector<16xf32>
      %swap3A_162 = vector.shape_cast %broadcast_in_dim3A_157 : vector<16xf32> to vector<1x16xf32>
      tpu.vector_store %arg6[%swap3A_158, %swap3A_159], %swap3A_162 {strides = array<i32>} : memref<128x128xf32, #tpu.memory_space<vmem>>, vector<1x16xf32>,
      %broadcast_in_dim3A_163 = arith.constant 0.000000e+00 : f32
      %broadcast_in_dim3A_164 = vector.broadcast %broadcast_in_dim3A_163 : f32 to vector<16xf32>
      %swap3A_165 = arith.index_cast %scan3A_122 : i32 to index
      %swap3A_166 = arith.constant 96 : index
      %swap3A_167 = tpu.vector_load %arg6[%swap3A_165, %swap3A_166] {strides = array<i32>} : memref<128x128xf32, #tpu.memory_space<vmem>>, vector<1x16xf32>,
      %swap3A_168 = vector.shape_cast %swap3A_167 : vector<1x16xf32> to vector<16xf32>
      %swap3A_169 = vector.shape_cast %broadcast_in_dim3A_164 : vector<16xf32> to vector<1x16xf32>
      tpu.vector_store %arg6[%swap3A_165, %swap3A_166], %swap3A_169 {strides = array<i32>} : memref<128x128xf32, #tpu.memory_space<vmem>>, vector<1x16xf32>,
      %broadcast_in_dim3A_170 = arith.constant 0.000000e+00 : f32
      %broadcast_in_dim3A_171 = vector.broadcast %broadcast_in_dim3A_170 : f32 to vector<16xf32>
      %swap3A_172 = arith.index_cast %scan3A_122 : i32 to index
      %swap3A_173 = arith.constant 112 : index
      %swap3A_174 = tpu.vector_load %arg6[%swap3A_172, %swap3A_173] {strides = array<i32>} : memref<128x128xf32, #tpu.memory_space<vmem>>, vector<1x16xf32>,
      %swap3A_175 = vector.shape_cast %swap3A_174 : vector<1x16xf32> to vector<16xf32>
      %swap3A_176 = vector.shape_cast %broadcast_in_dim3A_171 : vector<16xf32> to vector<1x16xf32>
      tpu.vector_store %arg6[%swap3A_172, %swap3A_173], %swap3A_176 {strides = array<i32>} : memref<128x128xf32, #tpu.memory_space<vmem>>, vector<1x16xf32>,
    }
    %scan3A_33 = arith.constant 128 : i32
    %mul3A_34 = arith.constant 632 : i32
    %mul3A_35 = arith.muli %arg1, %mul3A_34 : i32
    %add3A_36 = arith.constant 0 : i32
    %add3A_37 = arith.addi %mul3A_35, %add3A_36 : i32
    "tpu.region"() ({
      %run_scoped3A = tpu.sem_alloc : memref<!tpu.dma_semaphore, #tpu.memory_space<semaphore_mem>>
      %dma_start3A_122 = arith.constant 0 : i32
      %dma_start3A_123 = tpu.memref_slice %arg9[%add3A_37, %dma_start3A_122] : memref<10040x128xf32, #tpu.memory_space<vmem_shared>> -> memref<128x128xf32, #tpu.memory_space<vmem_shared>>
      %dma_start3A_124 = arith.constant 0 : i32
      %dma_start3A_125 = tpu.memref_slice %arg9[%add3A_37, %dma_start3A_124] : memref<10040x128xf32, #tpu.memory_space<vmem_shared>> -> memref<128x128xf32, #tpu.memory_space<vmem_shared>>
      tpu.enqueue_dma source(%arg6 : memref<128x128xf32, #tpu.memory_space<vmem>>) target(%dma_start3A_125 : memref<128x128xf32, #tpu.memory_space<vmem_shared>>) target_semaphore(%run_scoped3A : memref<!tpu.dma_semaphore, #tpu.memory_space<semaphore_mem>>)
      %dma_wait3A_126 = arith.constant 0 : i32
      %dma_wait3A_127 = tpu.memref_slice %arg9[%add3A_37, %dma_wait3A_126] : memref<10040x128xf32, #tpu.memory_space<vmem_shared>> -> memref<128x128xf32, #tpu.memory_space<vmem_shared>>
      %dma_wait3A_128 = arith.constant 0 : i32
      %dma_wait3A_129 = tpu.memref_slice %arg9[%add3A_37, %dma_wait3A_128] : memref<10040x128xf32, #tpu.memory_space<vmem_shared>> -> memref<128x128xf32, #tpu.memory_space<vmem_shared>>
      tpu.wait_dma2 semaphore(%run_scoped3A : memref<!tpu.dma_semaphore, #tpu.memory_space<semaphore_mem>>) src(%arg6 : memref<128x128xf32, #tpu.memory_space<vmem>>) dst(%dma_wait3A_129 : memref<128x128xf32, #tpu.memory_space<vmem_shared>>)
      tpu.yield
    }) : () -> ()
    %add3A_38 = arith.constant 128 : i32
    %add3A_39 = arith.addi %mul3A_35, %add3A_38 : i32
    "tpu.region"() ({
      %run_scoped3A = tpu.sem_alloc : memref<!tpu.dma_semaphore, #tpu.memory_space<semaphore_mem>>
      %dma_start3A_122 = arith.constant 0 : i32
      %dma_start3A_123 = tpu.memref_slice %arg9[%add3A_39, %dma_start3A_122] : memref<10040x128xf32, #tpu.memory_space<vmem_shared>> -> memref<128x128xf32, #tpu.memory_space<vmem_shared>>
      %dma_start3A_124 = arith.constant 0 : i32
      %dma_start3A_125 = tpu.memref_slice %arg9[%add3A_39, %dma_start3A_124] : memref<10040x128xf32, #tpu.memory_space<vmem_shared>> -> memref<128x128xf32, #tpu.memory_space<vmem_shared>>
      tpu.enqueue_dma source(%arg6 : memref<128x128xf32, #tpu.memory_space<vmem>>) target(%dma_start3A_125 : memref<128x128xf32, #tpu.memory_space<vmem_shared>>) target_semaphore(%run_scoped3A : memref<!tpu.dma_semaphore, #tpu.memory_space<semaphore_mem>>)
      %dma_wait3A_126 = arith.constant 0 : i32
      %dma_wait3A_127 = tpu.memref_slice %arg9[%add3A_39, %dma_wait3A_126] : memref<10040x128xf32, #tpu.memory_space<vmem_shared>> -> memref<128x128xf32, #tpu.memory_space<vmem_shared>>
      %dma_wait3A_128 = arith.constant 0 : i32
      %dma_wait3A_129 = tpu.memref_slice %arg9[%add3A_39, %dma_wait3A_128] : memref<10040x128xf32, #tpu.memory_space<vmem_shared>> -> memref<128x128xf32, #tpu.memory_space<vmem_shared>>
      tpu.wait_dma2 semaphore(%run_scoped3A : memref<!tpu.dma_semaphore, #tpu.memory_space<semaphore_mem>>) src(%arg6 : memref<128x128xf32, #tpu.memory_space<vmem>>) dst(%dma_wait3A_129 : memref<128x128xf32, #tpu.memory_space<vmem_shared>>)
      tpu.yield
    }) : () -> ()
    %add3A_40 = arith.constant 256 : i32
    %add3A_41 = arith.addi %mul3A_35, %add3A_40 : i32
    "tpu.region"() ({
      %run_scoped3A = tpu.sem_alloc : memref<!tpu.dma_semaphore, #tpu.memory_space<semaphore_mem>>
      %dma_start3A_122 = arith.constant 0 : i32
      %dma_start3A_123 = tpu.memref_slice %arg9[%add3A_41, %dma_start3A_122] : memref<10040x128xf32, #tpu.memory_space<vmem_shared>> -> memref<128x128xf32, #tpu.memory_space<vmem_shared>>
      %dma_start3A_124 = arith.constant 0 : i32
      %dma_start3A_125 = tpu.memref_slice %arg9[%add3A_41, %dma_start3A_124] : memref<10040x128xf32, #tpu.memory_space<vmem_shared>> -> memref<128x128xf32, #tpu.memory_space<vmem_shared>>
      tpu.enqueue_dma source(%arg6 : memref<128x128xf32, #tpu.memory_space<vmem>>) target(%dma_start3A_125 : memref<128x128xf32, #tpu.memory_space<vmem_shared>>) target_semaphore(%run_scoped3A : memref<!tpu.dma_semaphore, #tpu.memory_space<semaphore_mem>>)
      %dma_wait3A_126 = arith.constant 0 : i32
      %dma_wait3A_127 = tpu.memref_slice %arg9[%add3A_41, %dma_wait3A_126] : memref<10040x128xf32, #tpu.memory_space<vmem_shared>> -> memref<128x128xf32, #tpu.memory_space<vmem_shared>>
      %dma_wait3A_128 = arith.constant 0 : i32
      %dma_wait3A_129 = tpu.memref_slice %arg9[%add3A_41, %dma_wait3A_128] : memref<10040x128xf32, #tpu.memory_space<vmem_shared>> -> memref<128x128xf32, #tpu.memory_space<vmem_shared>>
      tpu.wait_dma2 semaphore(%run_scoped3A : memref<!tpu.dma_semaphore, #tpu.memory_space<semaphore_mem>>) src(%arg6 : memref<128x128xf32, #tpu.memory_space<vmem>>) dst(%dma_wait3A_129 : memref<128x128xf32, #tpu.memory_space<vmem_shared>>)
      tpu.yield
    }) : () -> ()
    %add3A_42 = arith.constant 384 : i32
    %add3A_43 = arith.addi %mul3A_35, %add3A_42 : i32
    "tpu.region"() ({
      %run_scoped3A = tpu.sem_alloc : memref<!tpu.dma_semaphore, #tpu.memory_space<semaphore_mem>>
      %dma_start3A_122 = arith.constant 0 : i32
      %dma_start3A_123 = tpu.memref_slice %arg9[%add3A_43, %dma_start3A_122] : memref<10040x128xf32, #tpu.memory_space<vmem_shared>> -> memref<128x128xf32, #tpu.memory_space<vmem_shared>>
      %dma_start3A_124 = arith.constant 0 : i32
      %dma_start3A_125 = tpu.memref_slice %arg9[%add3A_43, %dma_start3A_124] : memref<10040x128xf32, #tpu.memory_space<vmem_shared>> -> memref<128x128xf32, #tpu.memory_space<vmem_shared>>
      tpu.enqueue_dma source(%arg6 : memref<128x128xf32, #tpu.memory_space<vmem>>) target(%dma_start3A_125 : memref<128x128xf32, #tpu.memory_space<vmem_shared>>) target_semaphore(%run_scoped3A : memref<!tpu.dma_semaphore, #tpu.memory_space<semaphore_mem>>)
      %dma_wait3A_126 = arith.constant 0 : i32
      %dma_wait3A_127 = tpu.memref_slice %arg9[%add3A_43, %dma_wait3A_126] : memref<10040x128xf32, #tpu.memory_space<vmem_shared>> -> memref<128x128xf32, #tpu.memory_space<vmem_shared>>
      %dma_wait3A_128 = arith.constant 0 : i32
      %dma_wait3A_129 = tpu.memref_slice %arg9[%add3A_43, %dma_wait3A_128] : memref<10040x128xf32, #tpu.memory_space<vmem_shared>> -> memref<128x128xf32, #tpu.memory_space<vmem_shared>>
      tpu.wait_dma2 semaphore(%run_scoped3A : memref<!tpu.dma_semaphore, #tpu.memory_space<semaphore_mem>>) src(%arg6 : memref<128x128xf32, #tpu.memory_space<vmem>>) dst(%dma_wait3A_129 : memref<128x128xf32, #tpu.memory_space<vmem_shared>>)
      tpu.yield
    }) : () -> ()
    %lt3A = arith.constant 15 : i32
    %lt3A_44 = arith.cmpi slt, %arg1, %lt3A : i32
    %convert_element_type3A = arith.extui %lt3A_44 : i1 to i32
    %cond3A = arith.constant 0 : i32
    %cond3A_45 = arith.cmpi ne, %convert_element_type3A, %cond3A : i32
    scf.if %cond3A_45 {
      %add3A_122 = arith.constant 512 : i32
      %add3A_123 = arith.addi %mul3A_35, %add3A_122 : i32
      "tpu.region"() ({
        %run_scoped3A = tpu.sem_alloc : memref<!tpu.dma_semaphore, #tpu.memory_space<semaphore_mem>>
        %dma_start3A_124 = arith.constant 0 : i32
        %dma_start3A_125 = arith.constant 0 : i32
        %dma_start3A_126 = tpu.memref_slice %arg6[%dma_start3A_124, %dma_start3A_125] : memref<128x128xf32, #tpu.memory_space<vmem>> -> memref<120x128xf32, #tpu.memory_space<vmem>>
        %dma_start3A_127 = arith.constant 0 : i32
        %dma_start3A_128 = tpu.memref_slice %arg9[%add3A_123, %dma_start3A_127] : memref<10040x128xf32, #tpu.memory_space<vmem_shared>> -> memref<120x128xf32, #tpu.memory_space<vmem_shared>>
        %dma_start3A_129 = arith.constant 0 : i32
        %dma_start3A_130 = tpu.memref_slice %arg9[%add3A_123, %dma_start3A_129] : memref<10040x128xf32, #tpu.memory_space<vmem_shared>> -> memref<120x128xf32, #tpu.memory_space<vmem_shared>>
        %dma_start3A_131 = arith.constant 0 : i32
        %dma_start3A_132 = arith.constant 0 : i32
        %dma_start3A_133 = tpu.memref_slice %arg6[%dma_start3A_131, %dma_start3A_132] : memref<128x128xf32, #tpu.memory_space<vmem>> -> memref<120x128xf32, #tpu.memory_space<vmem>>
        tpu.enqueue_dma source(%dma_start3A_133 : memref<120x128xf32, #tpu.memory_space<vmem>>) target(%dma_start3A_130 : memref<120x128xf32, #tpu.memory_space<vmem_shared>>) target_semaphore(%run_scoped3A : memref<!tpu.dma_semaphore, #tpu.memory_space<semaphore_mem>>)
        %dma_wait3A_134 = arith.constant 0 : i32
        %dma_wait3A_135 = arith.constant 0 : i32
        %dma_wait3A_136 = tpu.memref_slice %arg6[%dma_wait3A_134, %dma_wait3A_135] : memref<128x128xf32, #tpu.memory_space<vmem>> -> memref<120x128xf32, #tpu.memory_space<vmem>>
        %dma_wait3A_137 = arith.constant 0 : i32
        %dma_wait3A_138 = tpu.memref_slice %arg9[%add3A_123, %dma_wait3A_137] : memref<10040x128xf32, #tpu.memory_space<vmem_shared>> -> memref<120x128xf32, #tpu.memory_space<vmem_shared>>
        %dma_wait3A_139 = arith.constant 0 : i32
        %dma_wait3A_140 = tpu.memref_slice %arg9[%add3A_123, %dma_wait3A_139] : memref<10040x128xf32, #tpu.memory_space<vmem_shared>> -> memref<120x128xf32, #tpu.memory_space<vmem_shared>>
        %dma_wait3A_141 = arith.constant 0 : i32
        %dma_wait3A_142 = arith.constant 0 : i32
        %dma_wait3A_143 = tpu.memref_slice %arg6[%dma_wait3A_141, %dma_wait3A_142] : memref<128x128xf32, #tpu.memory_space<vmem>> -> memref<120x128xf32, #tpu.memory_space<vmem>>
        tpu.wait_dma2 semaphore(%run_scoped3A : memref<!tpu.dma_semaphore, #tpu.memory_space<semaphore_mem>>) src(%dma_wait3A_143 : memref<120x128xf32, #tpu.memory_space<vmem>>) dst(%dma_wait3A_140 : memref<120x128xf32, #tpu.memory_space<vmem_shared>>)
        tpu.yield
      }) : () -> ()
    } else {
    }
    %eq3A = arith.constant 15 : i32
    %eq3A_46 = arith.cmpi eq, %arg1, %eq3A : i32
    %convert_element_type3A_47 = arith.extui %eq3A_46 : i1 to i32
    %cond3A_48 = arith.constant 0 : i32
    %cond3A_49 = arith.cmpi ne, %convert_element_type3A_47, %cond3A_48 : i32
    scf.if %cond3A_49 {
      %add3A_122 = arith.constant 512 : i32
      %add3A_123 = arith.addi %mul3A_35, %add3A_122 : i32
      "tpu.region"() ({
        %run_scoped3A = tpu.sem_alloc : memref<!tpu.dma_semaphore, #tpu.memory_space<semaphore_mem>>
        %dma_start3A_124 = arith.constant 0 : i32
        %dma_start3A_125 = arith.constant 0 : i32
        %dma_start3A_126 = tpu.memref_slice %arg6[%dma_start3A_124, %dma_start3A_125] : memref<128x128xf32, #tpu.memory_space<vmem>> -> memref<48x128xf32, #tpu.memory_space<vmem>>
        %dma_start3A_127 = arith.constant 0 : i32
        %dma_start3A_128 = tpu.memref_slice %arg9[%add3A_123, %dma_start3A_127] : memref<10040x128xf32, #tpu.memory_space<vmem_shared>> -> memref<48x128xf32, #tpu.memory_space<vmem_shared>>
        %dma_start3A_129 = arith.constant 0 : i32
        %dma_start3A_130 = tpu.memref_slice %arg9[%add3A_123, %dma_start3A_129] : memref<10040x128xf32, #tpu.memory_space<vmem_shared>> -> memref<48x128xf32, #tpu.memory_space<vmem_shared>>
        %dma_start3A_131 = arith.constant 0 : i32
        %dma_start3A_132 = arith.constant 0 : i32
        %dma_start3A_133 = tpu.memref_slice %arg6[%dma_start3A_131, %dma_start3A_132] : memref<128x128xf32, #tpu.memory_space<vmem>> -> memref<48x128xf32, #tpu.memory_space<vmem>>
        tpu.enqueue_dma source(%dma_start3A_133 : memref<48x128xf32, #tpu.memory_space<vmem>>) target(%dma_start3A_130 : memref<48x128xf32, #tpu.memory_space<vmem_shared>>) target_semaphore(%run_scoped3A : memref<!tpu.dma_semaphore, #tpu.memory_space<semaphore_mem>>)
        %dma_wait3A_134 = arith.constant 0 : i32
        %dma_wait3A_135 = arith.constant 0 : i32
        %dma_wait3A_136 = tpu.memref_slice %arg6[%dma_wait3A_134, %dma_wait3A_135] : memref<128x128xf32, #tpu.memory_space<vmem>> -> memref<48x128xf32, #tpu.memory_space<vmem>>
        %dma_wait3A_137 = arith.constant 0 : i32
        %dma_wait3A_138 = tpu.memref_slice %arg9[%add3A_123, %dma_wait3A_137] : memref<10040x128xf32, #tpu.memory_space<vmem_shared>> -> memref<48x128xf32, #tpu.memory_space<vmem_shared>>
        %dma_wait3A_139 = arith.constant 0 : i32
        %dma_wait3A_140 = tpu.memref_slice %arg9[%add3A_123, %dma_wait3A_139] : memref<10040x128xf32, #tpu.memory_space<vmem_shared>> -> memref<48x128xf32, #tpu.memory_space<vmem_shared>>
        %dma_wait3A_141 = arith.constant 0 : i32
        %dma_wait3A_142 = arith.constant 0 : i32
        %dma_wait3A_143 = tpu.memref_slice %arg6[%dma_wait3A_141, %dma_wait3A_142] : memref<128x128xf32, #tpu.memory_space<vmem>> -> memref<48x128xf32, #tpu.memory_space<vmem>>
        tpu.wait_dma2 semaphore(%run_scoped3A : memref<!tpu.dma_semaphore, #tpu.memory_space<semaphore_mem>>) src(%dma_wait3A_143 : memref<48x128xf32, #tpu.memory_space<vmem>>) dst(%dma_wait3A_140 : memref<48x128xf32, #tpu.memory_space<vmem_shared>>)
        tpu.yield
      }) : () -> ()
    } else {
    }
    %dma_wait3A = arith.constant 0 : i32
    %dma_wait3A_50 = arith.constant 0 : i32
    %dma_wait3A_51 = arith.constant 0 : i32
    %dma_wait3A_52 = arith.constant 0 : i32
    %dma_wait3A_53 = tpu.memref_slice %arg5[%dma_wait3A, %dma_wait3A_50, %dma_wait3A_51, %dma_wait3A_52] : memref<2x3x2x128xi32, #tpu.memory_space<vmem>> -> memref<1x3x2x128xi32, #tpu.memory_space<vmem>>
    %dma_wait3A_54 = tpu.memref_squeeze %dma_wait3A_53 : memref<1x3x2x128xi32, #tpu.memory_space<vmem>> -> memref<3x2x128xi32, #tpu.memory_space<vmem>>
    %dma_wait3A_55 = arith.constant 0 : i32
    %dma_wait3A_56 = arith.constant 0 : i32
    %dma_wait3A_57 = arith.constant 0 : i32
    %dma_wait3A_58 = tpu.memref_slice %arg3[%add3A, %dma_wait3A_55, %dma_wait3A_56, %dma_wait3A_57] : memref<32x81x2x128xi32, #tpu.memory_space<hbm>> -> memref<1x81x2x128xi32, #tpu.memory_space<hbm>>
    %dma_wait3A_59 = tpu.memref_squeeze %dma_wait3A_58 : memref<1x81x2x128xi32, #tpu.memory_space<hbm>> -> memref<81x2x128xi32, #tpu.memory_space<hbm>>
    %dma_wait3A_60 = arith.constant 0 : i32
    %dma_wait3A_61 = arith.constant 0 : i32
    %dma_wait3A_62 = arith.constant 0 : i32
    %dma_wait3A_63 = tpu.memref_slice %dma_wait3A_59[%dma_wait3A_60, %dma_wait3A_61, %dma_wait3A_62] : memref<81x2x128xi32, #tpu.memory_space<hbm>> -> memref<3x2x128xi32, #tpu.memory_space<hbm>>
    %dma_wait3A_64 = arith.constant 0 : i32
    %dma_wait3A_65 = arith.constant 0 : i32
    %dma_wait3A_66 = arith.constant 0 : i32
    %dma_wait3A_67 = tpu.memref_slice %arg5[%dma_wait3A, %dma_wait3A_64, %dma_wait3A_65, %dma_wait3A_66] : memref<2x3x2x128xi32, #tpu.memory_space<vmem>> -> memref<1x3x2x128xi32, #tpu.memory_space<vmem>>
    %dma_wait3A_68 = tpu.memref_squeeze %dma_wait3A_67 : memref<1x3x2x128xi32, #tpu.memory_space<vmem>> -> memref<3x2x128xi32, #tpu.memory_space<vmem>>
    %dma_wait3A_69 = arith.constant 0 : i32
    %dma_wait3A_70 = arith.constant 0 : i32
    %dma_wait3A_71 = arith.constant 0 : i32
    %dma_wait3A_72 = tpu.memref_slice %arg3[%add3A, %dma_wait3A_69, %dma_wait3A_70, %dma_wait3A_71] : memref<32x81x2x128xi32, #tpu.memory_space<hbm>> -> memref<1x81x2x128xi32, #tpu.memory_space<hbm>>
    %dma_wait3A_73 = tpu.memref_squeeze %dma_wait3A_72 : memref<1x81x2x128xi32, #tpu.memory_space<hbm>> -> memref<81x2x128xi32, #tpu.memory_space<hbm>>
    %dma_wait3A_74 = arith.constant 0 : i32
    %dma_wait3A_75 = arith.constant 0 : i32
    %dma_wait3A_76 = arith.constant 0 : i32
    %dma_wait3A_77 = tpu.memref_slice %dma_wait3A_73[%dma_wait3A_74, %dma_wait3A_75, %dma_wait3A_76] : memref<81x2x128xi32, #tpu.memory_space<hbm>> -> memref<3x2x128xi32, #tpu.memory_space<hbm>>
    tpu.wait_dma2 semaphore(%arg16 : memref<!tpu.dma_semaphore, #tpu.memory_space<semaphore_mem>>) src(%dma_wait3A_77 : memref<3x2x128xi32, #tpu.memory_space<hbm>>) dst(%dma_wait3A_68 : memref<3x2x128xi32, #tpu.memory_space<vmem>>)
    %barrier3A = arith.constant 0 : index
    tpu.barrier barrier_id(%barrier3A)
    %scan3A_78 = arith.constant 0 : i32
    %scan3A_79 = arith.constant 0 : i32
    %scan3A_80 = arith.constant 27 : i32
    %scan3A_81 = arith.addi %scan3A_79, %scan3A_80 : i32
    %scan3A_82 = arith.constant 1 : i32
    scf.for %scan3A_122 = %scan3A_79 to %scan3A_81 step %scan3A_82  : i32 {
      %rem3A = arith.constant 2 : i32
      %rem3A_123 = arith.remsi %scan3A_122, %rem3A : i32
      %eq3A_124 = arith.constant 0 : i32
      %eq3A_125 = arith.cmpi eq, %rem3A_123, %eq3A_124 : i32
      %convert_element_type3A_126 = arith.extui %eq3A_125 : i1 to i32
      %cond3A_127 = arith.constant 0 : i32
      %cond3A_128 = arith.cmpi ne, %convert_element_type3A_126, %cond3A_127 : i32
      scf.if %cond3A_128 {
        %gt3A = arith.constant 0 : i32
        %gt3A_134 = arith.cmpi sgt, %scan3A_122, %gt3A : i32
        %convert_element_type3A_135 = arith.extui %gt3A_134 : i1 to i32
        %cond3A_136 = arith.constant 0 : i32
        %cond3A_137 = arith.cmpi ne, %convert_element_type3A_135, %cond3A_136 : i32
        scf.if %cond3A_137 {
          %dma_wait3A_257 = arith.constant 1 : i32
          %dma_wait3A_258 = arith.constant 0 : i32
          %dma_wait3A_259 = arith.constant 1 : i32
          %dma_wait3A_260 = arith.constant 0 : i32
          %dma_wait3A_261 = tpu.memref_slice %arg5[%dma_wait3A_257, %dma_wait3A_258, %dma_wait3A_259, %dma_wait3A_260] : memref<2x3x2x128xi32, #tpu.memory_space<vmem>> -> memref<1x1x1x128xi32, #tpu.memory_space<vmem>>
          %dma_wait3A_262 = tpu.memref_squeeze %dma_wait3A_261 : memref<1x1x1x128xi32, #tpu.memory_space<vmem>> -> memref<128xi32, #tpu.memory_space<vmem>>
          %dma_wait3A_263 = arith.constant 0 : i32
          %dma_wait3A_264 = arith.constant 0 : i32
          %dma_wait3A_265 = tpu.memref_slice %arg9[%dma_wait3A_263, %dma_wait3A_264] : memref<10040x128xf32, #tpu.memory_space<vmem_shared>> -> memref<10040x128xf32, #tpu.memory_space<vmem_shared>>
          tpu.wait_indirect_dma semaphore(%arg13 : memref<!tpu.dma_semaphore, #tpu.memory_space<semaphore_mem>>) src(%arg6 : memref<128x128xf32, #tpu.memory_space<vmem>>) dst(%dma_wait3A_265 : memref<10040x128xf32, #tpu.memory_space<vmem_shared>>)
          %dma_wait3A_266 = arith.constant 1 : i32
          %dma_wait3A_267 = arith.constant 1 : i32
          %dma_wait3A_268 = arith.constant 1 : i32
          %dma_wait3A_269 = arith.constant 0 : i32
          %dma_wait3A_270 = tpu.memref_slice %arg5[%dma_wait3A_266, %dma_wait3A_267, %dma_wait3A_268, %dma_wait3A_269] : memref<2x3x2x128xi32, #tpu.memory_space<vmem>> -> memref<1x1x1x128xi32, #tpu.memory_space<vmem>>
          %dma_wait3A_271 = tpu.memref_squeeze %dma_wait3A_270 : memref<1x1x1x128xi32, #tpu.memory_space<vmem>> -> memref<128xi32, #tpu.memory_space<vmem>>
          %dma_wait3A_272 = arith.constant 0 : i32
          %dma_wait3A_273 = arith.constant 0 : i32
          %dma_wait3A_274 = tpu.memref_slice %arg9[%dma_wait3A_272, %dma_wait3A_273] : memref<10040x128xf32, #tpu.memory_space<vmem_shared>> -> memref<10040x128xf32, #tpu.memory_space<vmem_shared>>
          tpu.wait_indirect_dma semaphore(%arg14 : memref<!tpu.dma_semaphore, #tpu.memory_space<semaphore_mem>>) src(%arg7 : memref<128x128xf32, #tpu.memory_space<vmem>>) dst(%dma_wait3A_274 : memref<10040x128xf32, #tpu.memory_space<vmem_shared>>)
          %dma_wait3A_275 = arith.constant 1 : i32
          %dma_wait3A_276 = arith.constant 2 : i32
          %dma_wait3A_277 = arith.constant 1 : i32
          %dma_wait3A_278 = arith.constant 0 : i32
          %dma_wait3A_279 = tpu.memref_slice %arg5[%dma_wait3A_275, %dma_wait3A_276, %dma_wait3A_277, %dma_wait3A_278] : memref<2x3x2x128xi32, #tpu.memory_space<vmem>> -> memref<1x1x1x128xi32, #tpu.memory_space<vmem>>
          %dma_wait3A_280 = tpu.memref_squeeze %dma_wait3A_279 : memref<1x1x1x128xi32, #tpu.memory_space<vmem>> -> memref<128xi32, #tpu.memory_space<vmem>>
          %dma_wait3A_281 = arith.constant 0 : i32
          %dma_wait3A_282 = arith.constant 0 : i32
          %dma_wait3A_283 = tpu.memref_slice %arg9[%dma_wait3A_281, %dma_wait3A_282] : memref<10040x128xf32, #tpu.memory_space<vmem_shared>> -> memref<10040x128xf32, #tpu.memory_space<vmem_shared>>
          tpu.wait_indirect_dma semaphore(%arg15 : memref<!tpu.dma_semaphore, #tpu.memory_space<semaphore_mem>>) src(%arg8 : memref<128x128xf32, #tpu.memory_space<vmem>>) dst(%dma_wait3A_283 : memref<10040x128xf32, #tpu.memory_space<vmem_shared>>)
        } else {
        }
        %add3A_138 = arith.constant 1 : i32
        %add3A_139 = arith.addi %scan3A_122, %add3A_138 : i32
        %lt3A_140 = arith.constant 27 : i32
        %lt3A_141 = arith.cmpi slt, %add3A_139, %lt3A_140 : i32
        %convert_element_type3A_142 = arith.extui %lt3A_141 : i1 to i32
        %cond3A_143 = arith.constant 0 : i32
        %cond3A_144 = arith.cmpi ne, %convert_element_type3A_142, %cond3A_143 : i32
        scf.if %cond3A_144 {
          %add3A_257 = arith.constant 1 : i32
          %add3A_258 = arith.addi %scan3A_122, %add3A_257 : i32
          %mul3A_259 = arith.constant 3 : i32
          %mul3A_260 = arith.muli %add3A_258, %mul3A_259 : i32
          %dma_start3A_261 = arith.constant 1 : i32
          %dma_start3A_262 = arith.constant 0 : i32
          %dma_start3A_263 = arith.constant 0 : i32
          %dma_start3A_264 = arith.constant 0 : i32
          %dma_start3A_265 = tpu.memref_slice %arg5[%dma_start3A_261, %dma_start3A_262, %dma_start3A_263, %dma_start3A_264] : memref<2x3x2x128xi32, #tpu.memory_space<vmem>> -> memref<1x3x2x128xi32, #tpu.memory_space<vmem>>
          %dma_start3A_266 = tpu.memref_squeeze %dma_start3A_265 : memref<1x3x2x128xi32, #tpu.memory_space<vmem>> -> memref<3x2x128xi32, #tpu.memory_space<vmem>>
          %dma_start3A_267 = arith.constant 0 : i32
          %dma_start3A_268 = arith.constant 0 : i32
          %dma_start3A_269 = arith.constant 0 : i32
          %dma_start3A_270 = tpu.memref_slice %arg3[%add3A, %dma_start3A_267, %dma_start3A_268, %dma_start3A_269] : memref<32x81x2x128xi32, #tpu.memory_space<hbm>> -> memref<1x81x2x128xi32, #tpu.memory_space<hbm>>
          %dma_start3A_271 = tpu.memref_squeeze %dma_start3A_270 : memref<1x81x2x128xi32, #tpu.memory_space<hbm>> -> memref<81x2x128xi32, #tpu.memory_space<hbm>>
          %dma_start3A_272 = arith.constant 0 : i32
          %dma_start3A_273 = arith.constant 0 : i32
          %dma_start3A_274 = tpu.memref_slice %dma_start3A_271[%mul3A_260, %dma_start3A_272, %dma_start3A_273] : memref<81x2x128xi32, #tpu.memory_space<hbm>> -> memref<3x2x128xi32, #tpu.memory_space<hbm>>
          %dma_start3A_275 = arith.constant 0 : i32
          %dma_start3A_276 = arith.constant 0 : i32
          %dma_start3A_277 = arith.constant 0 : i32
          %dma_start3A_278 = tpu.memref_slice %arg5[%dma_start3A_261, %dma_start3A_275, %dma_start3A_276, %dma_start3A_277] : memref<2x3x2x128xi32, #tpu.memory_space<vmem>> -> memref<1x3x2x128xi32, #tpu.memory_space<vmem>>
          %dma_start3A_279 = tpu.memref_squeeze %dma_start3A_278 : memref<1x3x2x128xi32, #tpu.memory_space<vmem>> -> memref<3x2x128xi32, #tpu.memory_space<vmem>>
          %dma_start3A_280 = arith.constant 0 : i32
          %dma_start3A_281 = arith.constant 0 : i32
          %dma_start3A_282 = arith.constant 0 : i32
          %dma_start3A_283 = tpu.memref_slice %arg3[%add3A, %dma_start3A_280, %dma_start3A_281, %dma_start3A_282] : memref<32x81x2x128xi32, #tpu.memory_space<hbm>> -> memref<1x81x2x128xi32, #tpu.memory_space<hbm>>
          %dma_start3A_284 = tpu.memref_squeeze %dma_start3A_283 : memref<1x81x2x128xi32, #tpu.memory_space<hbm>> -> memref<81x2x128xi32, #tpu.memory_space<hbm>>
          %dma_start3A_285 = arith.constant 0 : i32
          %dma_start3A_286 = arith.constant 0 : i32
          %dma_start3A_287 = tpu.memref_slice %dma_start3A_284[%mul3A_260, %dma_start3A_285, %dma_start3A_286] : memref<81x2x128xi32, #tpu.memory_space<hbm>> -> memref<3x2x128xi32, #tpu.memory_space<hbm>>
          tpu.enqueue_dma source(%dma_start3A_287 : memref<3x2x128xi32, #tpu.memory_space<hbm>>) target(%dma_start3A_279 : memref<3x2x128xi32, #tpu.memory_space<vmem>>) target_semaphore(%arg17 : memref<!tpu.dma_semaphore, #tpu.memory_space<semaphore_mem>>)
        } else {
        }
        %dma_start3A_145 = arith.constant 0 : i32
        %dma_start3A_146 = arith.constant 0 : i32
        %dma_start3A_147 = arith.constant 0 : i32
        %dma_start3A_148 = arith.constant 0 : i32
        %dma_start3A_149 = tpu.memref_slice %arg5[%dma_start3A_145, %dma_start3A_146, %dma_start3A_147, %dma_start3A_148] : memref<2x3x2x128xi32, #tpu.memory_space<vmem>> -> memref<1x1x1x128xi32, #tpu.memory_space<vmem>>
        %dma_start3A_150 = tpu.memref_squeeze %dma_start3A_149 : memref<1x1x1x128xi32, #tpu.memory_space<vmem>> -> memref<128xi32, #tpu.memory_space<vmem>>
        %dma_start3A_151 = arith.constant 0 : i32
        %dma_start3A_152 = arith.constant 0 : i32
        %dma_start3A_153 = tpu.memref_slice %arg2[%arg0, %dma_start3A_151, %dma_start3A_152] : memref<2x10000x128xf32, #tpu.memory_space<hbm>> -> memref<1x10000x128xf32, #tpu.memory_space<hbm>>
        %dma_start3A_154 = tpu.memref_squeeze %dma_start3A_153 : memref<1x10000x128xf32, #tpu.memory_space<hbm>> -> memref<10000x128xf32, #tpu.memory_space<hbm>>
        %dma_start3A_155 = arith.constant 0 : i32
        %dma_start3A_156 = arith.constant 0 : i32
        %dma_start3A_157 = tpu.memref_slice %dma_start3A_154[%dma_start3A_155, %dma_start3A_156] : memref<10000x128xf32, #tpu.memory_space<hbm>> -> memref<10000x128xf32, #tpu.memory_space<hbm>>
        tpu.enqueue_indirect_dma source(%dma_start3A_157 : memref<10000x128xf32, #tpu.memory_space<hbm>>) target(%arg6 : memref<128x128xf32, #tpu.memory_space<vmem>>) offsets(%dma_start3A_150 : memref<128xi32, #tpu.memory_space<vmem>>) semaphore(%arg10 : memref<!tpu.dma_semaphore, #tpu.memory_space<semaphore_mem>>)
        %dma_start3A_158 = arith.constant 0 : i32
        %dma_start3A_159 = arith.constant 1 : i32
        %dma_start3A_160 = arith.constant 0 : i32
        %dma_start3A_161 = arith.constant 0 : i32
        %dma_start3A_162 = tpu.memref_slice %arg5[%dma_start3A_158, %dma_start3A_159, %dma_start3A_160, %dma_start3A_161] : memref<2x3x2x128xi32, #tpu.memory_space<vmem>> -> memref<1x1x1x128xi32, #tpu.memory_space<vmem>>
        %dma_start3A_163 = tpu.memref_squeeze %dma_start3A_162 : memref<1x1x1x128xi32, #tpu.memory_space<vmem>> -> memref<128xi32, #tpu.memory_space<vmem>>
        %dma_start3A_164 = arith.constant 0 : i32
        %dma_start3A_165 = arith.constant 0 : i32
        %dma_start3A_166 = tpu.memref_slice %arg2[%arg0, %dma_start3A_164, %dma_start3A_165] : memref<2x10000x128xf32, #tpu.memory_space<hbm>> -> memref<1x10000x128xf32, #tpu.memory_space<hbm>>
        %dma_start3A_167 = tpu.memref_squeeze %dma_start3A_166 : memref<1x10000x128xf32, #tpu.memory_space<hbm>> -> memref<10000x128xf32, #tpu.memory_space<hbm>>
        %dma_start3A_168 = arith.constant 0 : i32
        %dma_start3A_169 = arith.constant 0 : i32
        %dma_start3A_170 = tpu.memref_slice %dma_start3A_167[%dma_start3A_168, %dma_start3A_169] : memref<10000x128xf32, #tpu.memory_space<hbm>> -> memref<10000x128xf32, #tpu.memory_space<hbm>>
        tpu.enqueue_indirect_dma source(%dma_start3A_170 : memref<10000x128xf32, #tpu.memory_space<hbm>>) target(%arg7 : memref<128x128xf32, #tpu.memory_space<vmem>>) offsets(%dma_start3A_163 : memref<128xi32, #tpu.memory_space<vmem>>) semaphore(%arg11 : memref<!tpu.dma_semaphore, #tpu.memory_space<semaphore_mem>>)
        %dma_start3A_171 = arith.constant 0 : i32
        %dma_start3A_172 = arith.constant 2 : i32
        %dma_start3A_173 = arith.constant 0 : i32
        %dma_start3A_174 = arith.constant 0 : i32
        %dma_start3A_175 = tpu.memref_slice %arg5[%dma_start3A_171, %dma_start3A_172, %dma_start3A_173, %dma_start3A_174] : memref<2x3x2x128xi32, #tpu.memory_space<vmem>> -> memref<1x1x1x128xi32, #tpu.memory_space<vmem>>
        %dma_start3A_176 = tpu.memref_squeeze %dma_start3A_175 : memref<1x1x1x128xi32, #tpu.memory_space<vmem>> -> memref<128xi32, #tpu.memory_space<vmem>>
        %dma_start3A_177 = arith.constant 0 : i32
        %dma_start3A_178 = arith.constant 0 : i32
        %dma_start3A_179 = tpu.memref_slice %arg2[%arg0, %dma_start3A_177, %dma_start3A_178] : memref<2x10000x128xf32, #tpu.memory_space<hbm>> -> memref<1x10000x128xf32, #tpu.memory_space<hbm>>
        %dma_start3A_180 = tpu.memref_squeeze %dma_start3A_179 : memref<1x10000x128xf32, #tpu.memory_space<hbm>> -> memref<10000x128xf32, #tpu.memory_space<hbm>>
        %dma_start3A_181 = arith.constant 0 : i32
        %dma_start3A_182 = arith.constant 0 : i32
        %dma_start3A_183 = tpu.memref_slice %dma_start3A_180[%dma_start3A_181, %dma_start3A_182] : memref<10000x128xf32, #tpu.memory_space<hbm>> -> memref<10000x128xf32, #tpu.memory_space<hbm>>
        tpu.enqueue_indirect_dma source(%dma_start3A_183 : memref<10000x128xf32, #tpu.memory_space<hbm>>) target(%arg8 : memref<128x128xf32, #tpu.memory_space<vmem>>) offsets(%dma_start3A_176 : memref<128xi32, #tpu.memory_space<vmem>>) semaphore(%arg12 : memref<!tpu.dma_semaphore, #tpu.memory_space<semaphore_mem>>)
        %dma_wait3A_184 = arith.constant 0 : i32
        %dma_wait3A_185 = arith.constant 0 : i32
        %dma_wait3A_186 = arith.constant 0 : i32
        %dma_wait3A_187 = arith.constant 0 : i32
        %dma_wait3A_188 = tpu.memref_slice %arg5[%dma_wait3A_184, %dma_wait3A_185, %dma_wait3A_186, %dma_wait3A_187] : memref<2x3x2x128xi32, #tpu.memory_space<vmem>> -> memref<1x1x1x128xi32, #tpu.memory_space<vmem>>
        %dma_wait3A_189 = tpu.memref_squeeze %dma_wait3A_188 : memref<1x1x1x128xi32, #tpu.memory_space<vmem>> -> memref<128xi32, #tpu.memory_space<vmem>>
        %dma_wait3A_190 = arith.constant 0 : i32
        %dma_wait3A_191 = arith.constant 0 : i32
        %dma_wait3A_192 = tpu.memref_slice %arg2[%arg0, %dma_wait3A_190, %dma_wait3A_191] : memref<2x10000x128xf32, #tpu.memory_space<hbm>> -> memref<1x10000x128xf32, #tpu.memory_space<hbm>>
        %dma_wait3A_193 = tpu.memref_squeeze %dma_wait3A_192 : memref<1x10000x128xf32, #tpu.memory_space<hbm>> -> memref<10000x128xf32, #tpu.memory_space<hbm>>
        %dma_wait3A_194 = arith.constant 0 : i32
        %dma_wait3A_195 = arith.constant 0 : i32
        %dma_wait3A_196 = tpu.memref_slice %dma_wait3A_193[%dma_wait3A_194, %dma_wait3A_195] : memref<10000x128xf32, #tpu.memory_space<hbm>> -> memref<10000x128xf32, #tpu.memory_space<hbm>>
        tpu.wait_indirect_dma semaphore(%arg10 : memref<!tpu.dma_semaphore, #tpu.memory_space<semaphore_mem>>) src(%dma_wait3A_196 : memref<10000x128xf32, #tpu.memory_space<hbm>>) dst(%arg6 : memref<128x128xf32, #tpu.memory_space<vmem>>)
        %dma_start3A_197 = arith.constant 0 : i32
        %dma_start3A_198 = arith.constant 0 : i32
        %dma_start3A_199 = arith.constant 1 : i32
        %dma_start3A_200 = arith.constant 0 : i32
        %dma_start3A_201 = tpu.memref_slice %arg5[%dma_start3A_197, %dma_start3A_198, %dma_start3A_199, %dma_start3A_200] : memref<2x3x2x128xi32, #tpu.memory_space<vmem>> -> memref<1x1x1x128xi32, #tpu.memory_space<vmem>>
        %dma_start3A_202 = tpu.memref_squeeze %dma_start3A_201 : memref<1x1x1x128xi32, #tpu.memory_space<vmem>> -> memref<128xi32, #tpu.memory_space<vmem>>
        %dma_start3A_203 = arith.constant 0 : i32
        %dma_start3A_204 = arith.constant 0 : i32
        %dma_start3A_205 = tpu.memref_slice %arg9[%dma_start3A_203, %dma_start3A_204] : memref<10040x128xf32, #tpu.memory_space<vmem_shared>> -> memref<10040x128xf32, #tpu.memory_space<vmem_shared>>
        tpu.enqueue_indirect_dma source(%arg6 : memref<128x128xf32, #tpu.memory_space<vmem>>) target(%dma_start3A_205 : memref<10040x128xf32, #tpu.memory_space<vmem_shared>>) offsets(%dma_start3A_202 : memref<128xi32, #tpu.memory_space<vmem>>) semaphore(%arg13 : memref<!tpu.dma_semaphore, #tpu.memory_space<semaphore_mem>>) {add = true}
        %dma_wait3A_206 = arith.constant 0 : i32
        %dma_wait3A_207 = arith.constant 1 : i32
        %dma_wait3A_208 = arith.constant 0 : i32
        %dma_wait3A_209 = arith.constant 0 : i32
        %dma_wait3A_210 = tpu.memref_slice %arg5[%dma_wait3A_206, %dma_wait3A_207, %dma_wait3A_208, %dma_wait3A_209] : memref<2x3x2x128xi32, #tpu.memory_space<vmem>> -> memref<1x1x1x128xi32, #tpu.memory_space<vmem>>
        %dma_wait3A_211 = tpu.memref_squeeze %dma_wait3A_210 : memref<1x1x1x128xi32, #tpu.memory_space<vmem>> -> memref<128xi32, #tpu.memory_space<vmem>>
        %dma_wait3A_212 = arith.constant 0 : i32
        %dma_wait3A_213 = arith.constant 0 : i32
        %dma_wait3A_214 = tpu.memref_slice %arg2[%arg0, %dma_wait3A_212, %dma_wait3A_213] : memref<2x10000x128xf32, #tpu.memory_space<hbm>> -> memref<1x10000x128xf32, #tpu.memory_space<hbm>>
        %dma_wait3A_215 = tpu.memref_squeeze %dma_wait3A_214 : memref<1x10000x128xf32, #tpu.memory_space<hbm>> -> memref<10000x128xf32, #tpu.memory_space<hbm>>
        %dma_wait3A_216 = arith.constant 0 : i32
        %dma_wait3A_217 = arith.constant 0 : i32
        %dma_wait3A_218 = tpu.memref_slice %dma_wait3A_215[%dma_wait3A_216, %dma_wait3A_217] : memref<10000x128xf32, #tpu.memory_space<hbm>> -> memref<10000x128xf32, #tpu.memory_space<hbm>>
        tpu.wait_indirect_dma semaphore(%arg11 : memref<!tpu.dma_semaphore, #tpu.memory_space<semaphore_mem>>) src(%dma_wait3A_218 : memref<10000x128xf32, #tpu.memory_space<hbm>>) dst(%arg7 : memref<128x128xf32, #tpu.memory_space<vmem>>)
        %dma_start3A_219 = arith.constant 0 : i32
        %dma_start3A_220 = arith.constant 1 : i32
        %dma_start3A_221 = arith.constant 1 : i32
        %dma_start3A_222 = arith.constant 0 : i32
        %dma_start3A_223 = tpu.memref_slice %arg5[%dma_start3A_219, %dma_start3A_220, %dma_start3A_221, %dma_start3A_222] : memref<2x3x2x128xi32, #tpu.memory_space<vmem>> -> memref<1x1x1x128xi32, #tpu.memory_space<vmem>>
        %dma_start3A_224 = tpu.memref_squeeze %dma_start3A_223 : memref<1x1x1x128xi32, #tpu.memory_space<vmem>> -> memref<128xi32, #tpu.memory_space<vmem>>
        %dma_start3A_225 = arith.constant 0 : i32
        %dma_start3A_226 = arith.constant 0 : i32
        %dma_start3A_227 = tpu.memref_slice %arg9[%dma_start3A_225, %dma_start3A_226] : memref<10040x128xf32, #tpu.memory_space<vmem_shared>> -> memref<10040x128xf32, #tpu.memory_space<vmem_shared>>
        tpu.enqueue_indirect_dma source(%arg7 : memref<128x128xf32, #tpu.memory_space<vmem>>) target(%dma_start3A_227 : memref<10040x128xf32, #tpu.memory_space<vmem_shared>>) offsets(%dma_start3A_224 : memref<128xi32, #tpu.memory_space<vmem>>) semaphore(%arg14 : memref<!tpu.dma_semaphore, #tpu.memory_space<semaphore_mem>>) {add = true}
        %dma_wait3A_228 = arith.constant 0 : i32
        %dma_wait3A_229 = arith.constant 2 : i32
        %dma_wait3A_230 = arith.constant 0 : i32
        %dma_wait3A_231 = arith.constant 0 : i32
        %dma_wait3A_232 = tpu.memref_slice %arg5[%dma_wait3A_228, %dma_wait3A_229, %dma_wait3A_230, %dma_wait3A_231] : memref<2x3x2x128xi32, #tpu.memory_space<vmem>> -> memref<1x1x1x128xi32, #tpu.memory_space<vmem>>
        %dma_wait3A_233 = tpu.memref_squeeze %dma_wait3A_232 : memref<1x1x1x128xi32, #tpu.memory_space<vmem>> -> memref<128xi32, #tpu.memory_space<vmem>>
        %dma_wait3A_234 = arith.constant 0 : i32
        %dma_wait3A_235 = arith.constant 0 : i32
        %dma_wait3A_236 = tpu.memref_slice %arg2[%arg0, %dma_wait3A_234, %dma_wait3A_235] : memref<2x10000x128xf32, #tpu.memory_space<hbm>> -> memref<1x10000x128xf32, #tpu.memory_space<hbm>>
        %dma_wait3A_237 = tpu.memref_squeeze %dma_wait3A_236 : memref<1x10000x128xf32, #tpu.memory_space<hbm>> -> memref<10000x128xf32, #tpu.memory_space<hbm>>
        %dma_wait3A_238 = arith.constant 0 : i32
        %dma_wait3A_239 = arith.constant 0 : i32
        %dma_wait3A_240 = tpu.memref_slice %dma_wait3A_237[%dma_wait3A_238, %dma_wait3A_239] : memref<10000x128xf32, #tpu.memory_space<hbm>> -> memref<10000x128xf32, #tpu.memory_space<hbm>>
        tpu.wait_indirect_dma semaphore(%arg12 : memref<!tpu.dma_semaphore, #tpu.memory_space<semaphore_mem>>) src(%dma_wait3A_240 : memref<10000x128xf32, #tpu.memory_space<hbm>>) dst(%arg8 : memref<128x128xf32, #tpu.memory_space<vmem>>)
        %dma_start3A_241 = arith.constant 0 : i32
        %dma_start3A_242 = arith.constant 2 : i32
        %dma_start3A_243 = arith.constant 1 : i32
        %dma_start3A_244 = arith.constant 0 : i32
        %dma_start3A_245 = tpu.memref_slice %arg5[%dma_start3A_241, %dma_start3A_242, %dma_start3A_243, %dma_start3A_244] : memref<2x3x2x128xi32, #tpu.memory_space<vmem>> -> memref<1x1x1x128xi32, #tpu.memory_space<vmem>>
        %dma_start3A_246 = tpu.memref_squeeze %dma_start3A_245 : memref<1x1x1x128xi32, #tpu.memory_space<vmem>> -> memref<128xi32, #tpu.memory_space<vmem>>
        %dma_start3A_247 = arith.constant 0 : i32
        %dma_start3A_248 = arith.constant 0 : i32
        %dma_start3A_249 = tpu.memref_slice %arg9[%dma_start3A_247, %dma_start3A_248] : memref<10040x128xf32, #tpu.memory_space<vmem_shared>> -> memref<10040x128xf32, #tpu.memory_space<vmem_shared>>
        tpu.enqueue_indirect_dma source(%arg8 : memref<128x128xf32, #tpu.memory_space<vmem>>) target(%dma_start3A_249 : memref<10040x128xf32, #tpu.memory_space<vmem_shared>>) offsets(%dma_start3A_246 : memref<128xi32, #tpu.memory_space<vmem>>) semaphore(%arg15 : memref<!tpu.dma_semaphore, #tpu.memory_space<semaphore_mem>>) {add = true}
        %add3A_250 = arith.constant 1 : i32
        %add3A_251 = arith.addi %scan3A_122, %add3A_250 : i32
        %lt3A_252 = arith.constant 27 : i32
        %lt3A_253 = arith.cmpi slt, %add3A_251, %lt3A_252 : i32
        %convert_element_type3A_254 = arith.extui %lt3A_253 : i1 to i32
        %cond3A_255 = arith.constant 0 : i32
        %cond3A_256 = arith.cmpi ne, %convert_element_type3A_254, %cond3A_255 : i32
        scf.if %cond3A_256 {
          %add3A_257 = arith.constant 1 : i32
          %add3A_258 = arith.addi %scan3A_122, %add3A_257 : i32
          %mul3A_259 = arith.constant 3 : i32
          %mul3A_260 = arith.muli %add3A_258, %mul3A_259 : i32
          %dma_wait3A_261 = arith.constant 1 : i32
          %dma_wait3A_262 = arith.constant 0 : i32
          %dma_wait3A_263 = arith.constant 0 : i32
          %dma_wait3A_264 = arith.constant 0 : i32
          %dma_wait3A_265 = tpu.memref_slice %arg5[%dma_wait3A_261, %dma_wait3A_262, %dma_wait3A_263, %dma_wait3A_264] : memref<2x3x2x128xi32, #tpu.memory_space<vmem>> -> memref<1x3x2x128xi32, #tpu.memory_space<vmem>>
          %dma_wait3A_266 = tpu.memref_squeeze %dma_wait3A_265 : memref<1x3x2x128xi32, #tpu.memory_space<vmem>> -> memref<3x2x128xi32, #tpu.memory_space<vmem>>
          %dma_wait3A_267 = arith.constant 0 : i32
          %dma_wait3A_268 = arith.constant 0 : i32
          %dma_wait3A_269 = arith.constant 0 : i32
          %dma_wait3A_270 = tpu.memref_slice %arg3[%add3A, %dma_wait3A_267, %dma_wait3A_268, %dma_wait3A_269] : memref<32x81x2x128xi32, #tpu.memory_space<hbm>> -> memref<1x81x2x128xi32, #tpu.memory_space<hbm>>
          %dma_wait3A_271 = tpu.memref_squeeze %dma_wait3A_270 : memref<1x81x2x128xi32, #tpu.memory_space<hbm>> -> memref<81x2x128xi32, #tpu.memory_space<hbm>>
          %dma_wait3A_272 = arith.constant 0 : i32
          %dma_wait3A_273 = arith.constant 0 : i32
          %dma_wait3A_274 = tpu.memref_slice %dma_wait3A_271[%mul3A_260, %dma_wait3A_272, %dma_wait3A_273] : memref<81x2x128xi32, #tpu.memory_space<hbm>> -> memref<3x2x128xi32, #tpu.memory_space<hbm>>
          %dma_wait3A_275 = arith.constant 0 : i32
          %dma_wait3A_276 = arith.constant 0 : i32
          %dma_wait3A_277 = arith.constant 0 : i32
          %dma_wait3A_278 = tpu.memref_slice %arg5[%dma_wait3A_261, %dma_wait3A_275, %dma_wait3A_276, %dma_wait3A_277] : memref<2x3x2x128xi32, #tpu.memory_space<vmem>> -> memref<1x3x2x128xi32, #tpu.memory_space<vmem>>
          %dma_wait3A_279 = tpu.memref_squeeze %dma_wait3A_278 : memref<1x3x2x128xi32, #tpu.memory_space<vmem>> -> memref<3x2x128xi32, #tpu.memory_space<vmem>>
          %dma_wait3A_280 = arith.constant 0 : i32
          %dma_wait3A_281 = arith.constant 0 : i32
          %dma_wait3A_282 = arith.constant 0 : i32
          %dma_wait3A_283 = tpu.memref_slice %arg3[%add3A, %dma_wait3A_280, %dma_wait3A_281, %dma_wait3A_282] : memref<32x81x2x128xi32, #tpu.memory_space<hbm>> -> memref<1x81x2x128xi32, #tpu.memory_space<hbm>>
          %dma_wait3A_284 = tpu.memref_squeeze %dma_wait3A_283 : memref<1x81x2x128xi32, #tpu.memory_space<hbm>> -> memref<81x2x128xi32, #tpu.memory_space<hbm>>
          %dma_wait3A_285 = arith.constant 0 : i32
          %dma_wait3A_286 = arith.constant 0 : i32
          %dma_wait3A_287 = tpu.memref_slice %dma_wait3A_284[%mul3A_260, %dma_wait3A_285, %dma_wait3A_286] : memref<81x2x128xi32, #tpu.memory_space<hbm>> -> memref<3x2x128xi32, #tpu.memory_space<hbm>>
          tpu.wait_dma2 semaphore(%arg17 : memref<!tpu.dma_semaphore, #tpu.memory_space<semaphore_mem>>) src(%dma_wait3A_287 : memref<3x2x128xi32, #tpu.memory_space<hbm>>) dst(%dma_wait3A_279 : memref<3x2x128xi32, #tpu.memory_space<vmem>>)
        } else {
        }
      } else {
      }
      %eq3A_129 = arith.constant 1 : i32
      %eq3A_130 = arith.cmpi eq, %rem3A_123, %eq3A_129 : i32
      %convert_element_type3A_131 = arith.extui %eq3A_130 : i1 to i32
      %cond3A_132 = arith.constant 0 : i32
      %cond3A_133 = arith.cmpi ne, %convert_element_type3A_131, %cond3A_132 : i32
      scf.if %cond3A_133 {
        %gt3A = arith.constant 0 : i32
        %gt3A_134 = arith.cmpi sgt, %scan3A_122, %gt3A : i32
        %convert_element_type3A_135 = arith.extui %gt3A_134 : i1 to i32
        %cond3A_136 = arith.constant 0 : i32
        %cond3A_137 = arith.cmpi ne, %convert_element_type3A_135, %cond3A_136 : i32
        scf.if %cond3A_137 {
          %dma_wait3A_257 = arith.constant 0 : i32
          %dma_wait3A_258 = arith.constant 0 : i32
          %dma_wait3A_259 = arith.constant 1 : i32
          %dma_wait3A_260 = arith.constant 0 : i32
          %dma_wait3A_261 = tpu.memref_slice %arg5[%dma_wait3A_257, %dma_wait3A_258, %dma_wait3A_259, %dma_wait3A_260] : memref<2x3x2x128xi32, #tpu.memory_space<vmem>> -> memref<1x1x1x128xi32, #tpu.memory_space<vmem>>
          %dma_wait3A_262 = tpu.memref_squeeze %dma_wait3A_261 : memref<1x1x1x128xi32, #tpu.memory_space<vmem>> -> memref<128xi32, #tpu.memory_space<vmem>>
          %dma_wait3A_263 = arith.constant 0 : i32
          %dma_wait3A_264 = arith.constant 0 : i32
          %dma_wait3A_265 = tpu.memref_slice %arg9[%dma_wait3A_263, %dma_wait3A_264] : memref<10040x128xf32, #tpu.memory_space<vmem_shared>> -> memref<10040x128xf32, #tpu.memory_space<vmem_shared>>
          tpu.wait_indirect_dma semaphore(%arg13 : memref<!tpu.dma_semaphore, #tpu.memory_space<semaphore_mem>>) src(%arg6 : memref<128x128xf32, #tpu.memory_space<vmem>>) dst(%dma_wait3A_265 : memref<10040x128xf32, #tpu.memory_space<vmem_shared>>)
          %dma_wait3A_266 = arith.constant 0 : i32
          %dma_wait3A_267 = arith.constant 1 : i32
          %dma_wait3A_268 = arith.constant 1 : i32
          %dma_wait3A_269 = arith.constant 0 : i32
          %dma_wait3A_270 = tpu.memref_slice %arg5[%dma_wait3A_266, %dma_wait3A_267, %dma_wait3A_268, %dma_wait3A_269] : memref<2x3x2x128xi32, #tpu.memory_space<vmem>> -> memref<1x1x1x128xi32, #tpu.memory_space<vmem>>
          %dma_wait3A_271 = tpu.memref_squeeze %dma_wait3A_270 : memref<1x1x1x128xi32, #tpu.memory_space<vmem>> -> memref<128xi32, #tpu.memory_space<vmem>>
          %dma_wait3A_272 = arith.constant 0 : i32
          %dma_wait3A_273 = arith.constant 0 : i32
          %dma_wait3A_274 = tpu.memref_slice %arg9[%dma_wait3A_272, %dma_wait3A_273] : memref<10040x128xf32, #tpu.memory_space<vmem_shared>> -> memref<10040x128xf32, #tpu.memory_space<vmem_shared>>
          tpu.wait_indirect_dma semaphore(%arg14 : memref<!tpu.dma_semaphore, #tpu.memory_space<semaphore_mem>>) src(%arg7 : memref<128x128xf32, #tpu.memory_space<vmem>>) dst(%dma_wait3A_274 : memref<10040x128xf32, #tpu.memory_space<vmem_shared>>)
          %dma_wait3A_275 = arith.constant 0 : i32
          %dma_wait3A_276 = arith.constant 2 : i32
          %dma_wait3A_277 = arith.constant 1 : i32
          %dma_wait3A_278 = arith.constant 0 : i32
          %dma_wait3A_279 = tpu.memref_slice %arg5[%dma_wait3A_275, %dma_wait3A_276, %dma_wait3A_277, %dma_wait3A_278] : memref<2x3x2x128xi32, #tpu.memory_space<vmem>> -> memref<1x1x1x128xi32, #tpu.memory_space<vmem>>
          %dma_wait3A_280 = tpu.memref_squeeze %dma_wait3A_279 : memref<1x1x1x128xi32, #tpu.memory_space<vmem>> -> memref<128xi32, #tpu.memory_space<vmem>>
          %dma_wait3A_281 = arith.constant 0 : i32
          %dma_wait3A_282 = arith.constant 0 : i32
          %dma_wait3A_283 = tpu.memref_slice %arg9[%dma_wait3A_281, %dma_wait3A_282] : memref<10040x128xf32, #tpu.memory_space<vmem_shared>> -> memref<10040x128xf32, #tpu.memory_space<vmem_shared>>
          tpu.wait_indirect_dma semaphore(%arg15 : memref<!tpu.dma_semaphore, #tpu.memory_space<semaphore_mem>>) src(%arg8 : memref<128x128xf32, #tpu.memory_space<vmem>>) dst(%dma_wait3A_283 : memref<10040x128xf32, #tpu.memory_space<vmem_shared>>)
        } else {
        }
        %add3A_138 = arith.constant 1 : i32
        %add3A_139 = arith.addi %scan3A_122, %add3A_138 : i32
        %lt3A_140 = arith.constant 27 : i32
        %lt3A_141 = arith.cmpi slt, %add3A_139, %lt3A_140 : i32
        %convert_element_type3A_142 = arith.extui %lt3A_141 : i1 to i32
        %cond3A_143 = arith.constant 0 : i32
        %cond3A_144 = arith.cmpi ne, %convert_element_type3A_142, %cond3A_143 : i32
        scf.if %cond3A_144 {
          %add3A_257 = arith.constant 1 : i32
          %add3A_258 = arith.addi %scan3A_122, %add3A_257 : i32
          %mul3A_259 = arith.constant 3 : i32
          %mul3A_260 = arith.muli %add3A_258, %mul3A_259 : i32
          %dma_start3A_261 = arith.constant 0 : i32
          %dma_start3A_262 = arith.constant 0 : i32
          %dma_start3A_263 = arith.constant 0 : i32
          %dma_start3A_264 = arith.constant 0 : i32
          %dma_start3A_265 = tpu.memref_slice %arg5[%dma_start3A_261, %dma_start3A_262, %dma_start3A_263, %dma_start3A_264] : memref<2x3x2x128xi32, #tpu.memory_space<vmem>> -> memref<1x3x2x128xi32, #tpu.memory_space<vmem>>
          %dma_start3A_266 = tpu.memref_squeeze %dma_start3A_265 : memref<1x3x2x128xi32, #tpu.memory_space<vmem>> -> memref<3x2x128xi32, #tpu.memory_space<vmem>>
          %dma_start3A_267 = arith.constant 0 : i32
          %dma_start3A_268 = arith.constant 0 : i32
          %dma_start3A_269 = arith.constant 0 : i32
          %dma_start3A_270 = tpu.memref_slice %arg3[%add3A, %dma_start3A_267, %dma_start3A_268, %dma_start3A_269] : memref<32x81x2x128xi32, #tpu.memory_space<hbm>> -> memref<1x81x2x128xi32, #tpu.memory_space<hbm>>
          %dma_start3A_271 = tpu.memref_squeeze %dma_start3A_270 : memref<1x81x2x128xi32, #tpu.memory_space<hbm>> -> memref<81x2x128xi32, #tpu.memory_space<hbm>>
          %dma_start3A_272 = arith.constant 0 : i32
          %dma_start3A_273 = arith.constant 0 : i32
          %dma_start3A_274 = tpu.memref_slice %dma_start3A_271[%mul3A_260, %dma_start3A_272, %dma_start3A_273] : memref<81x2x128xi32, #tpu.memory_space<hbm>> -> memref<3x2x128xi32, #tpu.memory_space<hbm>>
          %dma_start3A_275 = arith.constant 0 : i32
          %dma_start3A_276 = arith.constant 0 : i32
          %dma_start3A_277 = arith.constant 0 : i32
          %dma_start3A_278 = tpu.memref_slice %arg5[%dma_start3A_261, %dma_start3A_275, %dma_start3A_276, %dma_start3A_277] : memref<2x3x2x128xi32, #tpu.memory_space<vmem>> -> memref<1x3x2x128xi32, #tpu.memory_space<vmem>>
          %dma_start3A_279 = tpu.memref_squeeze %dma_start3A_278 : memref<1x3x2x128xi32, #tpu.memory_space<vmem>> -> memref<3x2x128xi32, #tpu.memory_space<vmem>>
          %dma_start3A_280 = arith.constant 0 : i32
          %dma_start3A_281 = arith.constant 0 : i32
          %dma_start3A_282 = arith.constant 0 : i32
          %dma_start3A_283 = tpu.memref_slice %arg3[%add3A, %dma_start3A_280, %dma_start3A_281, %dma_start3A_282] : memref<32x81x2x128xi32, #tpu.memory_space<hbm>> -> memref<1x81x2x128xi32, #tpu.memory_space<hbm>>
          %dma_start3A_284 = tpu.memref_squeeze %dma_start3A_283 : memref<1x81x2x128xi32, #tpu.memory_space<hbm>> -> memref<81x2x128xi32, #tpu.memory_space<hbm>>
          %dma_start3A_285 = arith.constant 0 : i32
          %dma_start3A_286 = arith.constant 0 : i32
          %dma_start3A_287 = tpu.memref_slice %dma_start3A_284[%mul3A_260, %dma_start3A_285, %dma_start3A_286] : memref<81x2x128xi32, #tpu.memory_space<hbm>> -> memref<3x2x128xi32, #tpu.memory_space<hbm>>
          tpu.enqueue_dma source(%dma_start3A_287 : memref<3x2x128xi32, #tpu.memory_space<hbm>>) target(%dma_start3A_279 : memref<3x2x128xi32, #tpu.memory_space<vmem>>) target_semaphore(%arg16 : memref<!tpu.dma_semaphore, #tpu.memory_space<semaphore_mem>>)
        } else {
        }
        %dma_start3A_145 = arith.constant 1 : i32
        %dma_start3A_146 = arith.constant 0 : i32
        %dma_start3A_147 = arith.constant 0 : i32
        %dma_start3A_148 = arith.constant 0 : i32
        %dma_start3A_149 = tpu.memref_slice %arg5[%dma_start3A_145, %dma_start3A_146, %dma_start3A_147, %dma_start3A_148] : memref<2x3x2x128xi32, #tpu.memory_space<vmem>> -> memref<1x1x1x128xi32, #tpu.memory_space<vmem>>
        %dma_start3A_150 = tpu.memref_squeeze %dma_start3A_149 : memref<1x1x1x128xi32, #tpu.memory_space<vmem>> -> memref<128xi32, #tpu.memory_space<vmem>>
        %dma_start3A_151 = arith.constant 0 : i32
        %dma_start3A_152 = arith.constant 0 : i32
        %dma_start3A_153 = tpu.memref_slice %arg2[%arg0, %dma_start3A_151, %dma_start3A_152] : memref<2x10000x128xf32, #tpu.memory_space<hbm>> -> memref<1x10000x128xf32, #tpu.memory_space<hbm>>
        %dma_start3A_154 = tpu.memref_squeeze %dma_start3A_153 : memref<1x10000x128xf32, #tpu.memory_space<hbm>> -> memref<10000x128xf32, #tpu.memory_space<hbm>>
        %dma_start3A_155 = arith.constant 0 : i32
        %dma_start3A_156 = arith.constant 0 : i32
        %dma_start3A_157 = tpu.memref_slice %dma_start3A_154[%dma_start3A_155, %dma_start3A_156] : memref<10000x128xf32, #tpu.memory_space<hbm>> -> memref<10000x128xf32, #tpu.memory_space<hbm>>
        tpu.enqueue_indirect_dma source(%dma_start3A_157 : memref<10000x128xf32, #tpu.memory_space<hbm>>) target(%arg6 : memref<128x128xf32, #tpu.memory_space<vmem>>) offsets(%dma_start3A_150 : memref<128xi32, #tpu.memory_space<vmem>>) semaphore(%arg10 : memref<!tpu.dma_semaphore, #tpu.memory_space<semaphore_mem>>)
        %dma_start3A_158 = arith.constant 1 : i32
        %dma_start3A_159 = arith.constant 1 : i32
        %dma_start3A_160 = arith.constant 0 : i32
        %dma_start3A_161 = arith.constant 0 : i32
        %dma_start3A_162 = tpu.memref_slice %arg5[%dma_start3A_158, %dma_start3A_159, %dma_start3A_160, %dma_start3A_161] : memref<2x3x2x128xi32, #tpu.memory_space<vmem>> -> memref<1x1x1x128xi32, #tpu.memory_space<vmem>>
        %dma_start3A_163 = tpu.memref_squeeze %dma_start3A_162 : memref<1x1x1x128xi32, #tpu.memory_space<vmem>> -> memref<128xi32, #tpu.memory_space<vmem>>
        %dma_start3A_164 = arith.constant 0 : i32
        %dma_start3A_165 = arith.constant 0 : i32
        %dma_start3A_166 = tpu.memref_slice %arg2[%arg0, %dma_start3A_164, %dma_start3A_165] : memref<2x10000x128xf32, #tpu.memory_space<hbm>> -> memref<1x10000x128xf32, #tpu.memory_space<hbm>>
        %dma_start3A_167 = tpu.memref_squeeze %dma_start3A_166 : memref<1x10000x128xf32, #tpu.memory_space<hbm>> -> memref<10000x128xf32, #tpu.memory_space<hbm>>
        %dma_start3A_168 = arith.constant 0 : i32
        %dma_start3A_169 = arith.constant 0 : i32
        %dma_start3A_170 = tpu.memref_slice %dma_start3A_167[%dma_start3A_168, %dma_start3A_169] : memref<10000x128xf32, #tpu.memory_space<hbm>> -> memref<10000x128xf32, #tpu.memory_space<hbm>>
        tpu.enqueue_indirect_dma source(%dma_start3A_170 : memref<10000x128xf32, #tpu.memory_space<hbm>>) target(%arg7 : memref<128x128xf32, #tpu.memory_space<vmem>>) offsets(%dma_start3A_163 : memref<128xi32, #tpu.memory_space<vmem>>) semaphore(%arg11 : memref<!tpu.dma_semaphore, #tpu.memory_space<semaphore_mem>>)
        %dma_start3A_171 = arith.constant 1 : i32
        %dma_start3A_172 = arith.constant 2 : i32
        %dma_start3A_173 = arith.constant 0 : i32
        %dma_start3A_174 = arith.constant 0 : i32
        %dma_start3A_175 = tpu.memref_slice %arg5[%dma_start3A_171, %dma_start3A_172, %dma_start3A_173, %dma_start3A_174] : memref<2x3x2x128xi32, #tpu.memory_space<vmem>> -> memref<1x1x1x128xi32, #tpu.memory_space<vmem>>
        %dma_start3A_176 = tpu.memref_squeeze %dma_start3A_175 : memref<1x1x1x128xi32, #tpu.memory_space<vmem>> -> memref<128xi32, #tpu.memory_space<vmem>>
        %dma_start3A_177 = arith.constant 0 : i32
        %dma_start3A_178 = arith.constant 0 : i32
        %dma_start3A_179 = tpu.memref_slice %arg2[%arg0, %dma_start3A_177, %dma_start3A_178] : memref<2x10000x128xf32, #tpu.memory_space<hbm>> -> memref<1x10000x128xf32, #tpu.memory_space<hbm>>
        %dma_start3A_180 = tpu.memref_squeeze %dma_start3A_179 : memref<1x10000x128xf32, #tpu.memory_space<hbm>> -> memref<10000x128xf32, #tpu.memory_space<hbm>>
        %dma_start3A_181 = arith.constant 0 : i32
        %dma_start3A_182 = arith.constant 0 : i32
        %dma_start3A_183 = tpu.memref_slice %dma_start3A_180[%dma_start3A_181, %dma_start3A_182] : memref<10000x128xf32, #tpu.memory_space<hbm>> -> memref<10000x128xf32, #tpu.memory_space<hbm>>
        tpu.enqueue_indirect_dma source(%dma_start3A_183 : memref<10000x128xf32, #tpu.memory_space<hbm>>) target(%arg8 : memref<128x128xf32, #tpu.memory_space<vmem>>) offsets(%dma_start3A_176 : memref<128xi32, #tpu.memory_space<vmem>>) semaphore(%arg12 : memref<!tpu.dma_semaphore, #tpu.memory_space<semaphore_mem>>)
        %dma_wait3A_184 = arith.constant 1 : i32
        %dma_wait3A_185 = arith.constant 0 : i32
        %dma_wait3A_186 = arith.constant 0 : i32
        %dma_wait3A_187 = arith.constant 0 : i32
        %dma_wait3A_188 = tpu.memref_slice %arg5[%dma_wait3A_184, %dma_wait3A_185, %dma_wait3A_186, %dma_wait3A_187] : memref<2x3x2x128xi32, #tpu.memory_space<vmem>> -> memref<1x1x1x128xi32, #tpu.memory_space<vmem>>
        %dma_wait3A_189 = tpu.memref_squeeze %dma_wait3A_188 : memref<1x1x1x128xi32, #tpu.memory_space<vmem>> -> memref<128xi32, #tpu.memory_space<vmem>>
        %dma_wait3A_190 = arith.constant 0 : i32
        %dma_wait3A_191 = arith.constant 0 : i32
        %dma_wait3A_192 = tpu.memref_slice %arg2[%arg0, %dma_wait3A_190, %dma_wait3A_191] : memref<2x10000x128xf32, #tpu.memory_space<hbm>> -> memref<1x10000x128xf32, #tpu.memory_space<hbm>>
        %dma_wait3A_193 = tpu.memref_squeeze %dma_wait3A_192 : memref<1x10000x128xf32, #tpu.memory_space<hbm>> -> memref<10000x128xf32, #tpu.memory_space<hbm>>
        %dma_wait3A_194 = arith.constant 0 : i32
        %dma_wait3A_195 = arith.constant 0 : i32
        %dma_wait3A_196 = tpu.memref_slice %dma_wait3A_193[%dma_wait3A_194, %dma_wait3A_195] : memref<10000x128xf32, #tpu.memory_space<hbm>> -> memref<10000x128xf32, #tpu.memory_space<hbm>>
        tpu.wait_indirect_dma semaphore(%arg10 : memref<!tpu.dma_semaphore, #tpu.memory_space<semaphore_mem>>) src(%dma_wait3A_196 : memref<10000x128xf32, #tpu.memory_space<hbm>>) dst(%arg6 : memref<128x128xf32, #tpu.memory_space<vmem>>)
        %dma_start3A_197 = arith.constant 1 : i32
        %dma_start3A_198 = arith.constant 0 : i32
        %dma_start3A_199 = arith.constant 1 : i32
        %dma_start3A_200 = arith.constant 0 : i32
        %dma_start3A_201 = tpu.memref_slice %arg5[%dma_start3A_197, %dma_start3A_198, %dma_start3A_199, %dma_start3A_200] : memref<2x3x2x128xi32, #tpu.memory_space<vmem>> -> memref<1x1x1x128xi32, #tpu.memory_space<vmem>>
        %dma_start3A_202 = tpu.memref_squeeze %dma_start3A_201 : memref<1x1x1x128xi32, #tpu.memory_space<vmem>> -> memref<128xi32, #tpu.memory_space<vmem>>
        %dma_start3A_203 = arith.constant 0 : i32
        %dma_start3A_204 = arith.constant 0 : i32
        %dma_start3A_205 = tpu.memref_slice %arg9[%dma_start3A_203, %dma_start3A_204] : memref<10040x128xf32, #tpu.memory_space<vmem_shared>> -> memref<10040x128xf32, #tpu.memory_space<vmem_shared>>
        tpu.enqueue_indirect_dma source(%arg6 : memref<128x128xf32, #tpu.memory_space<vmem>>) target(%dma_start3A_205 : memref<10040x128xf32, #tpu.memory_space<vmem_shared>>) offsets(%dma_start3A_202 : memref<128xi32, #tpu.memory_space<vmem>>) semaphore(%arg13 : memref<!tpu.dma_semaphore, #tpu.memory_space<semaphore_mem>>) {add = true}
        %dma_wait3A_206 = arith.constant 1 : i32
        %dma_wait3A_207 = arith.constant 1 : i32
        %dma_wait3A_208 = arith.constant 0 : i32
        %dma_wait3A_209 = arith.constant 0 : i32
        %dma_wait3A_210 = tpu.memref_slice %arg5[%dma_wait3A_206, %dma_wait3A_207, %dma_wait3A_208, %dma_wait3A_209] : memref<2x3x2x128xi32, #tpu.memory_space<vmem>> -> memref<1x1x1x128xi32, #tpu.memory_space<vmem>>
        %dma_wait3A_211 = tpu.memref_squeeze %dma_wait3A_210 : memref<1x1x1x128xi32, #tpu.memory_space<vmem>> -> memref<128xi32, #tpu.memory_space<vmem>>
        %dma_wait3A_212 = arith.constant 0 : i32
        %dma_wait3A_213 = arith.constant 0 : i32
        %dma_wait3A_214 = tpu.memref_slice %arg2[%arg0, %dma_wait3A_212, %dma_wait3A_213] : memref<2x10000x128xf32, #tpu.memory_space<hbm>> -> memref<1x10000x128xf32, #tpu.memory_space<hbm>>
        %dma_wait3A_215 = tpu.memref_squeeze %dma_wait3A_214 : memref<1x10000x128xf32, #tpu.memory_space<hbm>> -> memref<10000x128xf32, #tpu.memory_space<hbm>>
        %dma_wait3A_216 = arith.constant 0 : i32
        %dma_wait3A_217 = arith.constant 0 : i32
        %dma_wait3A_218 = tpu.memref_slice %dma_wait3A_215[%dma_wait3A_216, %dma_wait3A_217] : memref<10000x128xf32, #tpu.memory_space<hbm>> -> memref<10000x128xf32, #tpu.memory_space<hbm>>
        tpu.wait_indirect_dma semaphore(%arg11 : memref<!tpu.dma_semaphore, #tpu.memory_space<semaphore_mem>>) src(%dma_wait3A_218 : memref<10000x128xf32, #tpu.memory_space<hbm>>) dst(%arg7 : memref<128x128xf32, #tpu.memory_space<vmem>>)
        %dma_start3A_219 = arith.constant 1 : i32
        %dma_start3A_220 = arith.constant 1 : i32
        %dma_start3A_221 = arith.constant 1 : i32
        %dma_start3A_222 = arith.constant 0 : i32
        %dma_start3A_223 = tpu.memref_slice %arg5[%dma_start3A_219, %dma_start3A_220, %dma_start3A_221, %dma_start3A_222] : memref<2x3x2x128xi32, #tpu.memory_space<vmem>> -> memref<1x1x1x128xi32, #tpu.memory_space<vmem>>
        %dma_start3A_224 = tpu.memref_squeeze %dma_start3A_223 : memref<1x1x1x128xi32, #tpu.memory_space<vmem>> -> memref<128xi32, #tpu.memory_space<vmem>>
        %dma_start3A_225 = arith.constant 0 : i32
        %dma_start3A_226 = arith.constant 0 : i32
        %dma_start3A_227 = tpu.memref_slice %arg9[%dma_start3A_225, %dma_start3A_226] : memref<10040x128xf32, #tpu.memory_space<vmem_shared>> -> memref<10040x128xf32, #tpu.memory_space<vmem_shared>>
        tpu.enqueue_indirect_dma source(%arg7 : memref<128x128xf32, #tpu.memory_space<vmem>>) target(%dma_start3A_227 : memref<10040x128xf32, #tpu.memory_space<vmem_shared>>) offsets(%dma_start3A_224 : memref<128xi32, #tpu.memory_space<vmem>>) semaphore(%arg14 : memref<!tpu.dma_semaphore, #tpu.memory_space<semaphore_mem>>) {add = true}
        %dma_wait3A_228 = arith.constant 1 : i32
        %dma_wait3A_229 = arith.constant 2 : i32
        %dma_wait3A_230 = arith.constant 0 : i32
        %dma_wait3A_231 = arith.constant 0 : i32
        %dma_wait3A_232 = tpu.memref_slice %arg5[%dma_wait3A_228, %dma_wait3A_229, %dma_wait3A_230, %dma_wait3A_231] : memref<2x3x2x128xi32, #tpu.memory_space<vmem>> -> memref<1x1x1x128xi32, #tpu.memory_space<vmem>>
        %dma_wait3A_233 = tpu.memref_squeeze %dma_wait3A_232 : memref<1x1x1x128xi32, #tpu.memory_space<vmem>> -> memref<128xi32, #tpu.memory_space<vmem>>
        %dma_wait3A_234 = arith.constant 0 : i32
        %dma_wait3A_235 = arith.constant 0 : i32
        %dma_wait3A_236 = tpu.memref_slice %arg2[%arg0, %dma_wait3A_234, %dma_wait3A_235] : memref<2x10000x128xf32, #tpu.memory_space<hbm>> -> memref<1x10000x128xf32, #tpu.memory_space<hbm>>
        %dma_wait3A_237 = tpu.memref_squeeze %dma_wait3A_236 : memref<1x10000x128xf32, #tpu.memory_space<hbm>> -> memref<10000x128xf32, #tpu.memory_space<hbm>>
        %dma_wait3A_238 = arith.constant 0 : i32
        %dma_wait3A_239 = arith.constant 0 : i32
        %dma_wait3A_240 = tpu.memref_slice %dma_wait3A_237[%dma_wait3A_238, %dma_wait3A_239] : memref<10000x128xf32, #tpu.memory_space<hbm>> -> memref<10000x128xf32, #tpu.memory_space<hbm>>
        tpu.wait_indirect_dma semaphore(%arg12 : memref<!tpu.dma_semaphore, #tpu.memory_space<semaphore_mem>>) src(%dma_wait3A_240 : memref<10000x128xf32, #tpu.memory_space<hbm>>) dst(%arg8 : memref<128x128xf32, #tpu.memory_space<vmem>>)
        %dma_start3A_241 = arith.constant 1 : i32
        %dma_start3A_242 = arith.constant 2 : i32
        %dma_start3A_243 = arith.constant 1 : i32
        %dma_start3A_244 = arith.constant 0 : i32
        %dma_start3A_245 = tpu.memref_slice %arg5[%dma_start3A_241, %dma_start3A_242, %dma_start3A_243, %dma_start3A_244] : memref<2x3x2x128xi32, #tpu.memory_space<vmem>> -> memref<1x1x1x128xi32, #tpu.memory_space<vmem>>
        %dma_start3A_246 = tpu.memref_squeeze %dma_start3A_245 : memref<1x1x1x128xi32, #tpu.memory_space<vmem>> -> memref<128xi32, #tpu.memory_space<vmem>>
        %dma_start3A_247 = arith.constant 0 : i32
        %dma_start3A_248 = arith.constant 0 : i32
        %dma_start3A_249 = tpu.memref_slice %arg9[%dma_start3A_247, %dma_start3A_248] : memref<10040x128xf32, #tpu.memory_space<vmem_shared>> -> memref<10040x128xf32, #tpu.memory_space<vmem_shared>>
        tpu.enqueue_indirect_dma source(%arg8 : memref<128x128xf32, #tpu.memory_space<vmem>>) target(%dma_start3A_249 : memref<10040x128xf32, #tpu.memory_space<vmem_shared>>) offsets(%dma_start3A_246 : memref<128xi32, #tpu.memory_space<vmem>>) semaphore(%arg15 : memref<!tpu.dma_semaphore, #tpu.memory_space<semaphore_mem>>) {add = true}
        %add3A_250 = arith.constant 1 : i32
        %add3A_251 = arith.addi %scan3A_122, %add3A_250 : i32
        %lt3A_252 = arith.constant 27 : i32
        %lt3A_253 = arith.cmpi slt, %add3A_251, %lt3A_252 : i32
        %convert_element_type3A_254 = arith.extui %lt3A_253 : i1 to i32
        %cond3A_255 = arith.constant 0 : i32
        %cond3A_256 = arith.cmpi ne, %convert_element_type3A_254, %cond3A_255 : i32
        scf.if %cond3A_256 {
          %add3A_257 = arith.constant 1 : i32
          %add3A_258 = arith.addi %scan3A_122, %add3A_257 : i32
          %mul3A_259 = arith.constant 3 : i32
          %mul3A_260 = arith.muli %add3A_258, %mul3A_259 : i32
          %dma_wait3A_261 = arith.constant 0 : i32
          %dma_wait3A_262 = arith.constant 0 : i32
          %dma_wait3A_263 = arith.constant 0 : i32
          %dma_wait3A_264 = arith.constant 0 : i32
          %dma_wait3A_265 = tpu.memref_slice %arg5[%dma_wait3A_261, %dma_wait3A_262, %dma_wait3A_263, %dma_wait3A_264] : memref<2x3x2x128xi32, #tpu.memory_space<vmem>> -> memref<1x3x2x128xi32, #tpu.memory_space<vmem>>
          %dma_wait3A_266 = tpu.memref_squeeze %dma_wait3A_265 : memref<1x3x2x128xi32, #tpu.memory_space<vmem>> -> memref<3x2x128xi32, #tpu.memory_space<vmem>>
          %dma_wait3A_267 = arith.constant 0 : i32
          %dma_wait3A_268 = arith.constant 0 : i32
          %dma_wait3A_269 = arith.constant 0 : i32
          %dma_wait3A_270 = tpu.memref_slice %arg3[%add3A, %dma_wait3A_267, %dma_wait3A_268, %dma_wait3A_269] : memref<32x81x2x128xi32, #tpu.memory_space<hbm>> -> memref<1x81x2x128xi32, #tpu.memory_space<hbm>>
          %dma_wait3A_271 = tpu.memref_squeeze %dma_wait3A_270 : memref<1x81x2x128xi32, #tpu.memory_space<hbm>> -> memref<81x2x128xi32, #tpu.memory_space<hbm>>
          %dma_wait3A_272 = arith.constant 0 : i32
          %dma_wait3A_273 = arith.constant 0 : i32
          %dma_wait3A_274 = tpu.memref_slice %dma_wait3A_271[%mul3A_260, %dma_wait3A_272, %dma_wait3A_273] : memref<81x2x128xi32, #tpu.memory_space<hbm>> -> memref<3x2x128xi32, #tpu.memory_space<hbm>>
          %dma_wait3A_275 = arith.constant 0 : i32
          %dma_wait3A_276 = arith.constant 0 : i32
          %dma_wait3A_277 = arith.constant 0 : i32
          %dma_wait3A_278 = tpu.memref_slice %arg5[%dma_wait3A_261, %dma_wait3A_275, %dma_wait3A_276, %dma_wait3A_277] : memref<2x3x2x128xi32, #tpu.memory_space<vmem>> -> memref<1x3x2x128xi32, #tpu.memory_space<vmem>>
          %dma_wait3A_279 = tpu.memref_squeeze %dma_wait3A_278 : memref<1x3x2x128xi32, #tpu.memory_space<vmem>> -> memref<3x2x128xi32, #tpu.memory_space<vmem>>
          %dma_wait3A_280 = arith.constant 0 : i32
          %dma_wait3A_281 = arith.constant 0 : i32
          %dma_wait3A_282 = arith.constant 0 : i32
          %dma_wait3A_283 = tpu.memref_slice %arg3[%add3A, %dma_wait3A_280, %dma_wait3A_281, %dma_wait3A_282] : memref<32x81x2x128xi32, #tpu.memory_space<hbm>> -> memref<1x81x2x128xi32, #tpu.memory_space<hbm>>
          %dma_wait3A_284 = tpu.memref_squeeze %dma_wait3A_283 : memref<1x81x2x128xi32, #tpu.memory_space<hbm>> -> memref<81x2x128xi32, #tpu.memory_space<hbm>>
          %dma_wait3A_285 = arith.constant 0 : i32
          %dma_wait3A_286 = arith.constant 0 : i32
          %dma_wait3A_287 = tpu.memref_slice %dma_wait3A_284[%mul3A_260, %dma_wait3A_285, %dma_wait3A_286] : memref<81x2x128xi32, #tpu.memory_space<hbm>> -> memref<3x2x128xi32, #tpu.memory_space<hbm>>
          tpu.wait_dma2 semaphore(%arg16 : memref<!tpu.dma_semaphore, #tpu.memory_space<semaphore_mem>>) src(%dma_wait3A_287 : memref<3x2x128xi32, #tpu.memory_space<hbm>>) dst(%dma_wait3A_279 : memref<3x2x128xi32, #tpu.memory_space<vmem>>)
        } else {
        }
      } else {
      }
    }
    %scan3A_83 = arith.constant 27 : i32
    %dma_wait3A_84 = arith.constant 0 : i32
    %dma_wait3A_85 = arith.constant 0 : i32
    %dma_wait3A_86 = arith.constant 1 : i32
    %dma_wait3A_87 = arith.constant 0 : i32
    %dma_wait3A_88 = tpu.memref_slice %arg5[%dma_wait3A_84, %dma_wait3A_85, %dma_wait3A_86, %dma_wait3A_87] : memref<2x3x2x128xi32, #tpu.memory_space<vmem>> -> memref<1x1x1x128xi32, #tpu.memory_space<vmem>>
    %dma_wait3A_89 = tpu.memref_squeeze %dma_wait3A_88 : memref<1x1x1x128xi32, #tpu.memory_space<vmem>> -> memref<128xi32, #tpu.memory_space<vmem>>
    %dma_wait3A_90 = arith.constant 0 : i32
    %dma_wait3A_91 = arith.constant 0 : i32
    %dma_wait3A_92 = tpu.memref_slice %arg9[%dma_wait3A_90, %dma_wait3A_91] : memref<10040x128xf32, #tpu.memory_space<vmem_shared>> -> memref<10040x128xf32, #tpu.memory_space<vmem_shared>>
    tpu.wait_indirect_dma semaphore(%arg13 : memref<!tpu.dma_semaphore, #tpu.memory_space<semaphore_mem>>) src(%arg6 : memref<128x128xf32, #tpu.memory_space<vmem>>) dst(%dma_wait3A_92 : memref<10040x128xf32, #tpu.memory_space<vmem_shared>>)
    %dma_wait3A_93 = arith.constant 0 : i32
    %dma_wait3A_94 = arith.constant 1 : i32
    %dma_wait3A_95 = arith.constant 1 : i32
    %dma_wait3A_96 = arith.constant 0 : i32
    %dma_wait3A_97 = tpu.memref_slice %arg5[%dma_wait3A_93, %dma_wait3A_94, %dma_wait3A_95, %dma_wait3A_96] : memref<2x3x2x128xi32, #tpu.memory_space<vmem>> -> memref<1x1x1x128xi32, #tpu.memory_space<vmem>>
    %dma_wait3A_98 = tpu.memref_squeeze %dma_wait3A_97 : memref<1x1x1x128xi32, #tpu.memory_space<vmem>> -> memref<128xi32, #tpu.memory_space<vmem>>
    %dma_wait3A_99 = arith.constant 0 : i32
    %dma_wait3A_100 = arith.constant 0 : i32
    %dma_wait3A_101 = tpu.memref_slice %arg9[%dma_wait3A_99, %dma_wait3A_100] : memref<10040x128xf32, #tpu.memory_space<vmem_shared>> -> memref<10040x128xf32, #tpu.memory_space<vmem_shared>>
    tpu.wait_indirect_dma semaphore(%arg14 : memref<!tpu.dma_semaphore, #tpu.memory_space<semaphore_mem>>) src(%arg7 : memref<128x128xf32, #tpu.memory_space<vmem>>) dst(%dma_wait3A_101 : memref<10040x128xf32, #tpu.memory_space<vmem_shared>>)
    %dma_wait3A_102 = arith.constant 0 : i32
    %dma_wait3A_103 = arith.constant 2 : i32
    %dma_wait3A_104 = arith.constant 1 : i32
    %dma_wait3A_105 = arith.constant 0 : i32
    %dma_wait3A_106 = tpu.memref_slice %arg5[%dma_wait3A_102, %dma_wait3A_103, %dma_wait3A_104, %dma_wait3A_105] : memref<2x3x2x128xi32, #tpu.memory_space<vmem>> -> memref<1x1x1x128xi32, #tpu.memory_space<vmem>>
    %dma_wait3A_107 = tpu.memref_squeeze %dma_wait3A_106 : memref<1x1x1x128xi32, #tpu.memory_space<vmem>> -> memref<128xi32, #tpu.memory_space<vmem>>
    %dma_wait3A_108 = arith.constant 0 : i32
    %dma_wait3A_109 = arith.constant 0 : i32
    %dma_wait3A_110 = tpu.memref_slice %arg9[%dma_wait3A_108, %dma_wait3A_109] : memref<10040x128xf32, #tpu.memory_space<vmem_shared>> -> memref<10040x128xf32, #tpu.memory_space<vmem_shared>>
    tpu.wait_indirect_dma semaphore(%arg15 : memref<!tpu.dma_semaphore, #tpu.memory_space<semaphore_mem>>) src(%arg8 : memref<128x128xf32, #tpu.memory_space<vmem>>) dst(%dma_wait3A_110 : memref<10040x128xf32, #tpu.memory_space<vmem_shared>>)
    %barrier3A_111 = arith.constant 0 : index
    tpu.barrier barrier_id(%barrier3A_111)
    %lt3A_112 = arith.constant 15 : i32
    %lt3A_113 = arith.cmpi slt, %arg1, %lt3A_112 : i32
    %convert_element_type3A_114 = arith.extui %lt3A_113 : i1 to i32
    %cond3A_115 = arith.constant 0 : i32
    %cond3A_116 = arith.cmpi ne, %convert_element_type3A_114, %cond3A_115 : i32
    scf.if %cond3A_116 {
      %mul3A_122 = arith.constant 632 : i32
      %mul3A_123 = arith.muli %arg1, %mul3A_122 : i32
      %mul3A_124 = arith.constant 632 : i32
      %mul3A_125 = arith.muli %arg1, %mul3A_124 : i32
      "tpu.region"() ({
        %run_scoped3A = tpu.sem_alloc : memref<!tpu.dma_semaphore, #tpu.memory_space<semaphore_mem>>
        %dma_start3A_126 = arith.constant 0 : i32
        %dma_start3A_127 = arith.constant 0 : i32
        %dma_start3A_128 = tpu.memref_slice %arg4[%arg0, %dma_start3A_126, %dma_start3A_127] : memref<2x10040x128xf32, #tpu.memory_space<hbm>> -> memref<1x10040x128xf32, #tpu.memory_space<hbm>>
        %dma_start3A_129 = tpu.memref_squeeze %dma_start3A_128 : memref<1x10040x128xf32, #tpu.memory_space<hbm>> -> memref<10040x128xf32, #tpu.memory_space<hbm>>
        %dma_start3A_130 = arith.constant 0 : i32
        %dma_start3A_131 = tpu.memref_slice %dma_start3A_129[%mul3A_125, %dma_start3A_130] : memref<10040x128xf32, #tpu.memory_space<hbm>> -> memref<632x128xf32, #tpu.memory_space<hbm>>
        %dma_start3A_132 = arith.constant 0 : i32
        %dma_start3A_133 = tpu.memref_slice %arg9[%mul3A_123, %dma_start3A_132] : memref<10040x128xf32, #tpu.memory_space<vmem_shared>> -> memref<632x128xf32, #tpu.memory_space<vmem_shared>>
        tpu.enqueue_dma source(%dma_start3A_133 : memref<632x128xf32, #tpu.memory_space<vmem_shared>>) target(%dma_start3A_131 : memref<632x128xf32, #tpu.memory_space<hbm>>) target_semaphore(%run_scoped3A : memref<!tpu.dma_semaphore, #tpu.memory_space<semaphore_mem>>)
        %dma_wait3A_134 = arith.constant 0 : i32
        %dma_wait3A_135 = arith.constant 0 : i32
        %dma_wait3A_136 = tpu.memref_slice %arg4[%arg0, %dma_wait3A_134, %dma_wait3A_135] : memref<2x10040x128xf32, #tpu.memory_space<hbm>> -> memref<1x10040x128xf32, #tpu.memory_space<hbm>>
        %dma_wait3A_137 = tpu.memref_squeeze %dma_wait3A_136 : memref<1x10040x128xf32, #tpu.memory_space<hbm>> -> memref<10040x128xf32, #tpu.memory_space<hbm>>
        %dma_wait3A_138 = arith.constant 0 : i32
        %dma_wait3A_139 = tpu.memref_slice %dma_wait3A_137[%mul3A_125, %dma_wait3A_138] : memref<10040x128xf32, #tpu.memory_space<hbm>> -> memref<632x128xf32, #tpu.memory_space<hbm>>
        %dma_wait3A_140 = arith.constant 0 : i32
        %dma_wait3A_141 = tpu.memref_slice %arg9[%mul3A_123, %dma_wait3A_140] : memref<10040x128xf32, #tpu.memory_space<vmem_shared>> -> memref<632x128xf32, #tpu.memory_space<vmem_shared>>
        tpu.wait_dma2 semaphore(%run_scoped3A : memref<!tpu.dma_semaphore, #tpu.memory_space<semaphore_mem>>) src(%dma_wait3A_141 : memref<632x128xf32, #tpu.memory_space<vmem_shared>>) dst(%dma_wait3A_139 : memref<632x128xf32, #tpu.memory_space<hbm>>)
        tpu.yield
      }) : () -> ()
    } else {
    }
    %eq3A_117 = arith.constant 15 : i32
    %eq3A_118 = arith.cmpi eq, %arg1, %eq3A_117 : i32
    %convert_element_type3A_119 = arith.extui %eq3A_118 : i1 to i32
    %cond3A_120 = arith.constant 0 : i32
    %cond3A_121 = arith.cmpi ne, %convert_element_type3A_119, %cond3A_120 : i32
    scf.if %cond3A_121 {
      "tpu.region"() ({
        %run_scoped3A = tpu.sem_alloc : memref<!tpu.dma_semaphore, #tpu.memory_space<semaphore_mem>>
        %dma_start3A_122 = arith.constant 0 : i32
        %dma_start3A_123 = arith.constant 0 : i32
        %dma_start3A_124 = tpu.memref_slice %arg4[%arg0, %dma_start3A_122, %dma_start3A_123] : memref<2x10040x128xf32, #tpu.memory_space<hbm>> -> memref<1x10040x128xf32, #tpu.memory_space<hbm>>
        %dma_start3A_125 = tpu.memref_squeeze %dma_start3A_124 : memref<1x10040x128xf32, #tpu.memory_space<hbm>> -> memref<10040x128xf32, #tpu.memory_space<hbm>>
        %dma_start3A_126 = arith.constant 9480 : i32
        %dma_start3A_127 = arith.constant 0 : i32
        %dma_start3A_128 = tpu.memref_slice %dma_start3A_125[%dma_start3A_126, %dma_start3A_127] : memref<10040x128xf32, #tpu.memory_space<hbm>> -> memref<560x128xf32, #tpu.memory_space<hbm>>
        %dma_start3A_129 = arith.constant 9480 : i32
        %dma_start3A_130 = arith.constant 0 : i32
        %dma_start3A_131 = tpu.memref_slice %arg9[%dma_start3A_129, %dma_start3A_130] : memref<10040x128xf32, #tpu.memory_space<vmem_shared>> -> memref<560x128xf32, #tpu.memory_space<vmem_shared>>
        tpu.enqueue_dma source(%dma_start3A_131 : memref<560x128xf32, #tpu.memory_space<vmem_shared>>) target(%dma_start3A_128 : memref<560x128xf32, #tpu.memory_space<hbm>>) target_semaphore(%run_scoped3A : memref<!tpu.dma_semaphore, #tpu.memory_space<semaphore_mem>>)
        %dma_wait3A_132 = arith.constant 0 : i32
        %dma_wait3A_133 = arith.constant 0 : i32
        %dma_wait3A_134 = tpu.memref_slice %arg4[%arg0, %dma_wait3A_132, %dma_wait3A_133] : memref<2x10040x128xf32, #tpu.memory_space<hbm>> -> memref<1x10040x128xf32, #tpu.memory_space<hbm>>
        %dma_wait3A_135 = tpu.memref_squeeze %dma_wait3A_134 : memref<1x10040x128xf32, #tpu.memory_space<hbm>> -> memref<10040x128xf32, #tpu.memory_space<hbm>>
        %dma_wait3A_136 = arith.constant 9480 : i32
        %dma_wait3A_137 = arith.constant 0 : i32
        %dma_wait3A_138 = tpu.memref_slice %dma_wait3A_135[%dma_wait3A_136, %dma_wait3A_137] : memref<10040x128xf32, #tpu.memory_space<hbm>> -> memref<560x128xf32, #tpu.memory_space<hbm>>
        %dma_wait3A_139 = arith.constant 9480 : i32
        %dma_wait3A_140 = arith.constant 0 : i32
        %dma_wait3A_141 = tpu.memref_slice %arg9[%dma_wait3A_139, %dma_wait3A_140] : memref<10040x128xf32, #tpu.memory_space<vmem_shared>> -> memref<560x128xf32, #tpu.memory_space<vmem_shared>>
        tpu.wait_dma2 semaphore(%run_scoped3A : memref<!tpu.dma_semaphore, #tpu.memory_space<semaphore_mem>>) src(%dma_wait3A_141 : memref<560x128xf32, #tpu.memory_space<vmem_shared>>) dst(%dma_wait3A_138 : memref<560x128xf32, #tpu.memory_space<hbm>>)
        tpu.yield
      }) : () -> ()
    } else {
    }
    return
  }
}

#map = affine_map<(d0, d1) -> (0, 0, 0)>
#map1 = affine_map<(d0, d1) -> (0, 0, 0, 0)>
module attributes {stable_mosaic.version = 14 : i64} {
  func.func @_sc_agg(%arg0: i32, %arg1: i32, %arg2: memref<2x10000x128xf32, #tpu.memory_space<hbm>>, %arg3: memref<32x81x2x128xi32, #tpu.memory_space<hbm>>, %arg4: memref<2x10040x128xf32, #tpu.memory_space<hbm>>, %arg5: memref<2x3x2x128xi32, #tpu.memory_space<vmem>>, %arg6: memref<128x128xf32, #tpu.memory_space<vmem>>, %arg7: memref<128x128xf32, #tpu.memory_space<vmem>>, %arg8: memref<128x128xf32, #tpu.memory_space<vmem>>, %arg9: memref<10040x128xf32, #tpu.memory_space<vmem_shared>>, %arg10: memref<!tpu.dma_semaphore, #tpu.memory_space<semaphore_mem>>, %arg11: memref<!tpu.dma_semaphore, #tpu.memory_space<semaphore_mem>>, %arg12: memref<!tpu.dma_semaphore, #tpu.memory_space<semaphore_mem>>, %arg13: memref<!tpu.dma_semaphore, #tpu.memory_space<semaphore_mem>>, %arg14: memref<!tpu.dma_semaphore, #tpu.memory_space<semaphore_mem>>, %arg15: memref<!tpu.dma_semaphore, #tpu.memory_space<semaphore_mem>>, %arg16: memref<!tpu.dma_semaphore, #tpu.memory_space<semaphore_mem>>, %arg17: memref<!tpu.dma_semaphore, #tpu.memory_space<semaphore_mem>>) attributes {dimension_semantics = [#tpu.dimension_semantics<core_parallel>, #tpu.dimension_semantics<subcore_parallel>], iteration_bounds = array<i64: 2, 16>, scalar_prefetch = 0 : i64, scratch_operands = 13 : i64, tpu.core_type = #tpu.core_type<sc_vector_subcore>, window_params = [{transform_indices = #map}, {transform_indices = #map1}, {transform_indices = #map}]} {
    %mul3A = arith.constant 2 : i32
    %mul3A_0 = arith.muli %arg1, %mul3A : i32
    %add3A = arith.addi %mul3A_0, %arg0 : i32
    %dma_start3A = arith.constant 0 : i32
    %dma_start3A_1 = arith.constant 0 : i32
    %dma_start3A_2 = arith.constant 0 : i32
    %dma_start3A_3 = arith.constant 0 : i32
    %dma_start3A_4 = tpu.memref_slice %arg5[%dma_start3A, %dma_start3A_1, %dma_start3A_2, %dma_start3A_3] : memref<2x3x2x128xi32, #tpu.memory_space<vmem>> -> memref<1x3x2x128xi32, #tpu.memory_space<vmem>>
    %dma_start3A_5 = tpu.memref_squeeze %dma_start3A_4 : memref<1x3x2x128xi32, #tpu.memory_space<vmem>> -> memref<3x2x128xi32, #tpu.memory_space<vmem>>
    %dma_start3A_6 = arith.constant 0 : i32
    %dma_start3A_7 = arith.constant 0 : i32
    %dma_start3A_8 = arith.constant 0 : i32
    %dma_start3A_9 = tpu.memref_slice %arg3[%add3A, %dma_start3A_6, %dma_start3A_7, %dma_start3A_8] : memref<32x81x2x128xi32, #tpu.memory_space<hbm>> -> memref<1x81x2x128xi32, #tpu.memory_space<hbm>>
    %dma_start3A_10 = tpu.memref_squeeze %dma_start3A_9 : memref<1x81x2x128xi32, #tpu.memory_space<hbm>> -> memref<81x2x128xi32, #tpu.memory_space<hbm>>
    %dma_start3A_11 = arith.constant 0 : i32
    %dma_start3A_12 = arith.constant 0 : i32
    %dma_start3A_13 = arith.constant 0 : i32
    %dma_start3A_14 = tpu.memref_slice %dma_start3A_10[%dma_start3A_11, %dma_start3A_12, %dma_start3A_13] : memref<81x2x128xi32, #tpu.memory_space<hbm>> -> memref<3x2x128xi32, #tpu.memory_space<hbm>>
    %dma_start3A_15 = arith.constant 0 : i32
    %dma_start3A_16 = arith.constant 0 : i32
    %dma_start3A_17 = arith.constant 0 : i32
    %dma_start3A_18 = tpu.memref_slice %arg5[%dma_start3A, %dma_start3A_15, %dma_start3A_16, %dma_start3A_17] : memref<2x3x2x128xi32, #tpu.memory_space<vmem>> -> memref<1x3x2x128xi32, #tpu.memory_space<vmem>>
    %dma_start3A_19 = tpu.memref_squeeze %dma_start3A_18 : memref<1x3x2x128xi32, #tpu.memory_space<vmem>> -> memref<3x2x128xi32, #tpu.memory_space<vmem>>
    %dma_start3A_20 = arith.constant 0 : i32
    %dma_start3A_21 = arith.constant 0 : i32
    %dma_start3A_22 = arith.constant 0 : i32
    %dma_start3A_23 = tpu.memref_slice %arg3[%add3A, %dma_start3A_20, %dma_start3A_21, %dma_start3A_22] : memref<32x81x2x128xi32, #tpu.memory_space<hbm>> -> memref<1x81x2x128xi32, #tpu.memory_space<hbm>>
    %dma_start3A_24 = tpu.memref_squeeze %dma_start3A_23 : memref<1x81x2x128xi32, #tpu.memory_space<hbm>> -> memref<81x2x128xi32, #tpu.memory_space<hbm>>
    %dma_start3A_25 = arith.constant 0 : i32
    %dma_start3A_26 = arith.constant 0 : i32
    %dma_start3A_27 = arith.constant 0 : i32
    %dma_start3A_28 = tpu.memref_slice %dma_start3A_24[%dma_start3A_25, %dma_start3A_26, %dma_start3A_27] : memref<81x2x128xi32, #tpu.memory_space<hbm>> -> memref<3x2x128xi32, #tpu.memory_space<hbm>>
    tpu.enqueue_dma source(%dma_start3A_28 : memref<3x2x128xi32, #tpu.memory_space<hbm>>) target(%dma_start3A_19 : memref<3x2x128xi32, #tpu.memory_space<vmem>>) target_semaphore(%arg16 : memref<!tpu.dma_semaphore, #tpu.memory_space<semaphore_mem>>)
    %scan3A = arith.constant 0 : i32
    %scan3A_29 = arith.constant 0 : i32
    %scan3A_30 = arith.constant 128 : i32
    %scan3A_31 = arith.addi %scan3A_29, %scan3A_30 : i32
    %scan3A_32 = arith.constant 1 : i32
    scf.for %scan3A_122 = %scan3A_29 to %scan3A_31 step %scan3A_32  : i32 {
      %broadcast_in_dim3A = arith.constant 0.000000e+00 : f32
      %broadcast_in_dim3A_123 = vector.broadcast %broadcast_in_dim3A : f32 to vector<16xf32>
      %swap3A = arith.index_cast %scan3A_122 : i32 to index
      %swap3A_124 = arith.constant 0 : index
      %swap3A_125 = tpu.vector_load %arg6[%swap3A, %swap3A_124] {strides = array<i32>} : memref<128x128xf32, #tpu.memory_space<vmem>>, vector<1x16xf32>,
      %swap3A_126 = vector.shape_cast %swap3A_125 : vector<1x16xf32> to vector<16xf32>
      %swap3A_127 = vector.shape_cast %broadcast_in_dim3A_123 : vector<16xf32> to vector<1x16xf32>
      tpu.vector_store %arg6[%swap3A, %swap3A_124], %swap3A_127 {strides = array<i32>} : memref<128x128xf32, #tpu.memory_space<vmem>>, vector<1x16xf32>,
      %broadcast_in_dim3A_128 = arith.constant 0.000000e+00 : f32
      %broadcast_in_dim3A_129 = vector.broadcast %broadcast_in_dim3A_128 : f32 to vector<16xf32>
      %swap3A_130 = arith.index_cast %scan3A_122 : i32 to index
      %swap3A_131 = arith.constant 16 : index
      %swap3A_132 = tpu.vector_load %arg6[%swap3A_130, %swap3A_131] {strides = array<i32>} : memref<128x128xf32, #tpu.memory_space<vmem>>, vector<1x16xf32>,
      %swap3A_133 = vector.shape_cast %swap3A_132 : vector<1x16xf32> to vector<16xf32>
      %swap3A_134 = vector.shape_cast %broadcast_in_dim3A_129 : vector<16xf32> to vector<1x16xf32>
      tpu.vector_store %arg6[%swap3A_130, %swap3A_131], %swap3A_134 {strides = array<i32>} : memref<128x128xf32, #tpu.memory_space<vmem>>, vector<1x16xf32>,
      %broadcast_in_dim3A_135 = arith.constant 0.000000e+00 : f32
      %broadcast_in_dim3A_136 = vector.broadcast %broadcast_in_dim3A_135 : f32 to vector<16xf32>
      %swap3A_137 = arith.index_cast %scan3A_122 : i32 to index
      %swap3A_138 = arith.constant 32 : index
      %swap3A_139 = tpu.vector_load %arg6[%swap3A_137, %swap3A_138] {strides = array<i32>} : memref<128x128xf32, #tpu.memory_space<vmem>>, vector<1x16xf32>,
      %swap3A_140 = vector.shape_cast %swap3A_139 : vector<1x16xf32> to vector<16xf32>
      %swap3A_141 = vector.shape_cast %broadcast_in_dim3A_136 : vector<16xf32> to vector<1x16xf32>
      tpu.vector_store %arg6[%swap3A_137, %swap3A_138], %swap3A_141 {strides = array<i32>} : memref<128x128xf32, #tpu.memory_space<vmem>>, vector<1x16xf32>,
      %broadcast_in_dim3A_142 = arith.constant 0.000000e+00 : f32
      %broadcast_in_dim3A_143 = vector.broadcast %broadcast_in_dim3A_142 : f32 to vector<16xf32>
      %swap3A_144 = arith.index_cast %scan3A_122 : i32 to index
      %swap3A_145 = arith.constant 48 : index
      %swap3A_146 = tpu.vector_load %arg6[%swap3A_144, %swap3A_145] {strides = array<i32>} : memref<128x128xf32, #tpu.memory_space<vmem>>, vector<1x16xf32>,
      %swap3A_147 = vector.shape_cast %swap3A_146 : vector<1x16xf32> to vector<16xf32>
      %swap3A_148 = vector.shape_cast %broadcast_in_dim3A_143 : vector<16xf32> to vector<1x16xf32>
      tpu.vector_store %arg6[%swap3A_144, %swap3A_145], %swap3A_148 {strides = array<i32>} : memref<128x128xf32, #tpu.memory_space<vmem>>, vector<1x16xf32>,
      %broadcast_in_dim3A_149 = arith.constant 0.000000e+00 : f32
      %broadcast_in_dim3A_150 = vector.broadcast %broadcast_in_dim3A_149 : f32 to vector<16xf32>
      %swap3A_151 = arith.index_cast %scan3A_122 : i32 to index
      %swap3A_152 = arith.constant 64 : index
      %swap3A_153 = tpu.vector_load %arg6[%swap3A_151, %swap3A_152] {strides = array<i32>} : memref<128x128xf32, #tpu.memory_space<vmem>>, vector<1x16xf32>,
      %swap3A_154 = vector.shape_cast %swap3A_153 : vector<1x16xf32> to vector<16xf32>
      %swap3A_155 = vector.shape_cast %broadcast_in_dim3A_150 : vector<16xf32> to vector<1x16xf32>
      tpu.vector_store %arg6[%swap3A_151, %swap3A_152], %swap3A_155 {strides = array<i32>} : memref<128x128xf32, #tpu.memory_space<vmem>>, vector<1x16xf32>,
      %broadcast_in_dim3A_156 = arith.constant 0.000000e+00 : f32
      %broadcast_in_dim3A_157 = vector.broadcast %broadcast_in_dim3A_156 : f32 to vector<16xf32>
      %swap3A_158 = arith.index_cast %scan3A_122 : i32 to index
      %swap3A_159 = arith.constant 80 : index
      %swap3A_160 = tpu.vector_load %arg6[%swap3A_158, %swap3A_159] {strides = array<i32>} : memref<128x128xf32, #tpu.memory_space<vmem>>, vector<1x16xf32>,
      %swap3A_161 = vector.shape_cast %swap3A_160 : vector<1x16xf32> to vector<16xf32>
      %swap3A_162 = vector.shape_cast %broadcast_in_dim3A_157 : vector<16xf32> to vector<1x16xf32>
      tpu.vector_store %arg6[%swap3A_158, %swap3A_159], %swap3A_162 {strides = array<i32>} : memref<128x128xf32, #tpu.memory_space<vmem>>, vector<1x16xf32>,
      %broadcast_in_dim3A_163 = arith.constant 0.000000e+00 : f32
      %broadcast_in_dim3A_164 = vector.broadcast %broadcast_in_dim3A_163 : f32 to vector<16xf32>
      %swap3A_165 = arith.index_cast %scan3A_122 : i32 to index
      %swap3A_166 = arith.constant 96 : index
      %swap3A_167 = tpu.vector_load %arg6[%swap3A_165, %swap3A_166] {strides = array<i32>} : memref<128x128xf32, #tpu.memory_space<vmem>>, vector<1x16xf32>,
      %swap3A_168 = vector.shape_cast %swap3A_167 : vector<1x16xf32> to vector<16xf32>
      %swap3A_169 = vector.shape_cast %broadcast_in_dim3A_164 : vector<16xf32> to vector<1x16xf32>
      tpu.vector_store %arg6[%swap3A_165, %swap3A_166], %swap3A_169 {strides = array<i32>} : memref<128x128xf32, #tpu.memory_space<vmem>>, vector<1x16xf32>,
      %broadcast_in_dim3A_170 = arith.constant 0.000000e+00 : f32
      %broadcast_in_dim3A_171 = vector.broadcast %broadcast_in_dim3A_170 : f32 to vector<16xf32>
      %swap3A_172 = arith.index_cast %scan3A_122 : i32 to index
      %swap3A_173 = arith.constant 112 : index
      %swap3A_174 = tpu.vector_load %arg6[%swap3A_172, %swap3A_173] {strides = array<i32>} : memref<128x128xf32, #tpu.memory_space<vmem>>, vector<1x16xf32>,
      %swap3A_175 = vector.shape_cast %swap3A_174 : vector<1x16xf32> to vector<16xf32>
      %swap3A_176 = vector.shape_cast %broadcast_in_dim3A_171 : vector<16xf32> to vector<1x16xf32>
      tpu.vector_store %arg6[%swap3A_172, %swap3A_173], %swap3A_176 {strides = array<i32>} : memref<128x128xf32, #tpu.memory_space<vmem>>, vector<1x16xf32>,
    }
    %scan3A_33 = arith.constant 128 : i32
    %mul3A_34 = arith.constant 632 : i32
    %mul3A_35 = arith.muli %arg1, %mul3A_34 : i32
    %add3A_36 = arith.constant 0 : i32
    %add3A_37 = arith.addi %mul3A_35, %add3A_36 : i32
    "tpu.region"() ({
      %run_scoped3A = tpu.sem_alloc : memref<!tpu.dma_semaphore, #tpu.memory_space<semaphore_mem>>
      %dma_start3A_122 = arith.constant 0 : i32
      %dma_start3A_123 = tpu.memref_slice %arg9[%add3A_37, %dma_start3A_122] : memref<10040x128xf32, #tpu.memory_space<vmem_shared>> -> memref<128x128xf32, #tpu.memory_space<vmem_shared>>
      %dma_start3A_124 = arith.constant 0 : i32
      %dma_start3A_125 = tpu.memref_slice %arg9[%add3A_37, %dma_start3A_124] : memref<10040x128xf32, #tpu.memory_space<vmem_shared>> -> memref<128x128xf32, #tpu.memory_space<vmem_shared>>
      tpu.enqueue_dma source(%arg6 : memref<128x128xf32, #tpu.memory_space<vmem>>) target(%dma_start3A_125 : memref<128x128xf32, #tpu.memory_space<vmem_shared>>) target_semaphore(%run_scoped3A : memref<!tpu.dma_semaphore, #tpu.memory_space<semaphore_mem>>)
      %dma_wait3A_126 = arith.constant 0 : i32
      %dma_wait3A_127 = tpu.memref_slice %arg9[%add3A_37, %dma_wait3A_126] : memref<10040x128xf32, #tpu.memory_space<vmem_shared>> -> memref<128x128xf32, #tpu.memory_space<vmem_shared>>
      %dma_wait3A_128 = arith.constant 0 : i32
      %dma_wait3A_129 = tpu.memref_slice %arg9[%add3A_37, %dma_wait3A_128] : memref<10040x128xf32, #tpu.memory_space<vmem_shared>> -> memref<128x128xf32, #tpu.memory_space<vmem_shared>>
      tpu.wait_dma2 semaphore(%run_scoped3A : memref<!tpu.dma_semaphore, #tpu.memory_space<semaphore_mem>>) src(%arg6 : memref<128x128xf32, #tpu.memory_space<vmem>>) dst(%dma_wait3A_129 : memref<128x128xf32, #tpu.memory_space<vmem_shared>>)
      tpu.yield
    }) : () -> ()
    %add3A_38 = arith.constant 128 : i32
    %add3A_39 = arith.addi %mul3A_35, %add3A_38 : i32
    "tpu.region"() ({
      %run_scoped3A = tpu.sem_alloc : memref<!tpu.dma_semaphore, #tpu.memory_space<semaphore_mem>>
      %dma_start3A_122 = arith.constant 0 : i32
      %dma_start3A_123 = tpu.memref_slice %arg9[%add3A_39, %dma_start3A_122] : memref<10040x128xf32, #tpu.memory_space<vmem_shared>> -> memref<128x128xf32, #tpu.memory_space<vmem_shared>>
      %dma_start3A_124 = arith.constant 0 : i32
      %dma_start3A_125 = tpu.memref_slice %arg9[%add3A_39, %dma_start3A_124] : memref<10040x128xf32, #tpu.memory_space<vmem_shared>> -> memref<128x128xf32, #tpu.memory_space<vmem_shared>>
      tpu.enqueue_dma source(%arg6 : memref<128x128xf32, #tpu.memory_space<vmem>>) target(%dma_start3A_125 : memref<128x128xf32, #tpu.memory_space<vmem_shared>>) target_semaphore(%run_scoped3A : memref<!tpu.dma_semaphore, #tpu.memory_space<semaphore_mem>>)
      %dma_wait3A_126 = arith.constant 0 : i32
      %dma_wait3A_127 = tpu.memref_slice %arg9[%add3A_39, %dma_wait3A_126] : memref<10040x128xf32, #tpu.memory_space<vmem_shared>> -> memref<128x128xf32, #tpu.memory_space<vmem_shared>>
      %dma_wait3A_128 = arith.constant 0 : i32
      %dma_wait3A_129 = tpu.memref_slice %arg9[%add3A_39, %dma_wait3A_128] : memref<10040x128xf32, #tpu.memory_space<vmem_shared>> -> memref<128x128xf32, #tpu.memory_space<vmem_shared>>
      tpu.wait_dma2 semaphore(%run_scoped3A : memref<!tpu.dma_semaphore, #tpu.memory_space<semaphore_mem>>) src(%arg6 : memref<128x128xf32, #tpu.memory_space<vmem>>) dst(%dma_wait3A_129 : memref<128x128xf32, #tpu.memory_space<vmem_shared>>)
      tpu.yield
    }) : () -> ()
    %add3A_40 = arith.constant 256 : i32
    %add3A_41 = arith.addi %mul3A_35, %add3A_40 : i32
    "tpu.region"() ({
      %run_scoped3A = tpu.sem_alloc : memref<!tpu.dma_semaphore, #tpu.memory_space<semaphore_mem>>
      %dma_start3A_122 = arith.constant 0 : i32
      %dma_start3A_123 = tpu.memref_slice %arg9[%add3A_41, %dma_start3A_122] : memref<10040x128xf32, #tpu.memory_space<vmem_shared>> -> memref<128x128xf32, #tpu.memory_space<vmem_shared>>
      %dma_start3A_124 = arith.constant 0 : i32
      %dma_start3A_125 = tpu.memref_slice %arg9[%add3A_41, %dma_start3A_124] : memref<10040x128xf32, #tpu.memory_space<vmem_shared>> -> memref<128x128xf32, #tpu.memory_space<vmem_shared>>
      tpu.enqueue_dma source(%arg6 : memref<128x128xf32, #tpu.memory_space<vmem>>) target(%dma_start3A_125 : memref<128x128xf32, #tpu.memory_space<vmem_shared>>) target_semaphore(%run_scoped3A : memref<!tpu.dma_semaphore, #tpu.memory_space<semaphore_mem>>)
      %dma_wait3A_126 = arith.constant 0 : i32
      %dma_wait3A_127 = tpu.memref_slice %arg9[%add3A_41, %dma_wait3A_126] : memref<10040x128xf32, #tpu.memory_space<vmem_shared>> -> memref<128x128xf32, #tpu.memory_space<vmem_shared>>
      %dma_wait3A_128 = arith.constant 0 : i32
      %dma_wait3A_129 = tpu.memref_slice %arg9[%add3A_41, %dma_wait3A_128] : memref<10040x128xf32, #tpu.memory_space<vmem_shared>> -> memref<128x128xf32, #tpu.memory_space<vmem_shared>>
      tpu.wait_dma2 semaphore(%run_scoped3A : memref<!tpu.dma_semaphore, #tpu.memory_space<semaphore_mem>>) src(%arg6 : memref<128x128xf32, #tpu.memory_space<vmem>>) dst(%dma_wait3A_129 : memref<128x128xf32, #tpu.memory_space<vmem_shared>>)
      tpu.yield
    }) : () -> ()
    %add3A_42 = arith.constant 384 : i32
    %add3A_43 = arith.addi %mul3A_35, %add3A_42 : i32
    "tpu.region"() ({
      %run_scoped3A = tpu.sem_alloc : memref<!tpu.dma_semaphore, #tpu.memory_space<semaphore_mem>>
      %dma_start3A_122 = arith.constant 0 : i32
      %dma_start3A_123 = tpu.memref_slice %arg9[%add3A_43, %dma_start3A_122] : memref<10040x128xf32, #tpu.memory_space<vmem_shared>> -> memref<128x128xf32, #tpu.memory_space<vmem_shared>>
      %dma_start3A_124 = arith.constant 0 : i32
      %dma_start3A_125 = tpu.memref_slice %arg9[%add3A_43, %dma_start3A_124] : memref<10040x128xf32, #tpu.memory_space<vmem_shared>> -> memref<128x128xf32, #tpu.memory_space<vmem_shared>>
      tpu.enqueue_dma source(%arg6 : memref<128x128xf32, #tpu.memory_space<vmem>>) target(%dma_start3A_125 : memref<128x128xf32, #tpu.memory_space<vmem_shared>>) target_semaphore(%run_scoped3A : memref<!tpu.dma_semaphore, #tpu.memory_space<semaphore_mem>>)
      %dma_wait3A_126 = arith.constant 0 : i32
      %dma_wait3A_127 = tpu.memref_slice %arg9[%add3A_43, %dma_wait3A_126] : memref<10040x128xf32, #tpu.memory_space<vmem_shared>> -> memref<128x128xf32, #tpu.memory_space<vmem_shared>>
      %dma_wait3A_128 = arith.constant 0 : i32
      %dma_wait3A_129 = tpu.memref_slice %arg9[%add3A_43, %dma_wait3A_128] : memref<10040x128xf32, #tpu.memory_space<vmem_shared>> -> memref<128x128xf32, #tpu.memory_space<vmem_shared>>
      tpu.wait_dma2 semaphore(%run_scoped3A : memref<!tpu.dma_semaphore, #tpu.memory_space<semaphore_mem>>) src(%arg6 : memref<128x128xf32, #tpu.memory_space<vmem>>) dst(%dma_wait3A_129 : memref<128x128xf32, #tpu.memory_space<vmem_shared>>)
      tpu.yield
    }) : () -> ()
    %lt3A = arith.constant 15 : i32
    %lt3A_44 = arith.cmpi slt, %arg1, %lt3A : i32
    %convert_element_type3A = arith.extui %lt3A_44 : i1 to i32
    %cond3A = arith.constant 0 : i32
    %cond3A_45 = arith.cmpi ne, %convert_element_type3A, %cond3A : i32
    scf.if %cond3A_45 {
      %add3A_122 = arith.constant 512 : i32
      %add3A_123 = arith.addi %mul3A_35, %add3A_122 : i32
      "tpu.region"() ({
        %run_scoped3A = tpu.sem_alloc : memref<!tpu.dma_semaphore, #tpu.memory_space<semaphore_mem>>
        %dma_start3A_124 = arith.constant 0 : i32
        %dma_start3A_125 = arith.constant 0 : i32
        %dma_start3A_126 = tpu.memref_slice %arg6[%dma_start3A_124, %dma_start3A_125] : memref<128x128xf32, #tpu.memory_space<vmem>> -> memref<120x128xf32, #tpu.memory_space<vmem>>
        %dma_start3A_127 = arith.constant 0 : i32
        %dma_start3A_128 = tpu.memref_slice %arg9[%add3A_123, %dma_start3A_127] : memref<10040x128xf32, #tpu.memory_space<vmem_shared>> -> memref<120x128xf32, #tpu.memory_space<vmem_shared>>
        %dma_start3A_129 = arith.constant 0 : i32
        %dma_start3A_130 = tpu.memref_slice %arg9[%add3A_123, %dma_start3A_129] : memref<10040x128xf32, #tpu.memory_space<vmem_shared>> -> memref<120x128xf32, #tpu.memory_space<vmem_shared>>
        %dma_start3A_131 = arith.constant 0 : i32
        %dma_start3A_132 = arith.constant 0 : i32
        %dma_start3A_133 = tpu.memref_slice %arg6[%dma_start3A_131, %dma_start3A_132] : memref<128x128xf32, #tpu.memory_space<vmem>> -> memref<120x128xf32, #tpu.memory_space<vmem>>
        tpu.enqueue_dma source(%dma_start3A_133 : memref<120x128xf32, #tpu.memory_space<vmem>>) target(%dma_start3A_130 : memref<120x128xf32, #tpu.memory_space<vmem_shared>>) target_semaphore(%run_scoped3A : memref<!tpu.dma_semaphore, #tpu.memory_space<semaphore_mem>>)
        %dma_wait3A_134 = arith.constant 0 : i32
        %dma_wait3A_135 = arith.constant 0 : i32
        %dma_wait3A_136 = tpu.memref_slice %arg6[%dma_wait3A_134, %dma_wait3A_135] : memref<128x128xf32, #tpu.memory_space<vmem>> -> memref<120x128xf32, #tpu.memory_space<vmem>>
        %dma_wait3A_137 = arith.constant 0 : i32
        %dma_wait3A_138 = tpu.memref_slice %arg9[%add3A_123, %dma_wait3A_137] : memref<10040x128xf32, #tpu.memory_space<vmem_shared>> -> memref<120x128xf32, #tpu.memory_space<vmem_shared>>
        %dma_wait3A_139 = arith.constant 0 : i32
        %dma_wait3A_140 = tpu.memref_slice %arg9[%add3A_123, %dma_wait3A_139] : memref<10040x128xf32, #tpu.memory_space<vmem_shared>> -> memref<120x128xf32, #tpu.memory_space<vmem_shared>>
        %dma_wait3A_141 = arith.constant 0 : i32
        %dma_wait3A_142 = arith.constant 0 : i32
        %dma_wait3A_143 = tpu.memref_slice %arg6[%dma_wait3A_141, %dma_wait3A_142] : memref<128x128xf32, #tpu.memory_space<vmem>> -> memref<120x128xf32, #tpu.memory_space<vmem>>
        tpu.wait_dma2 semaphore(%run_scoped3A : memref<!tpu.dma_semaphore, #tpu.memory_space<semaphore_mem>>) src(%dma_wait3A_143 : memref<120x128xf32, #tpu.memory_space<vmem>>) dst(%dma_wait3A_140 : memref<120x128xf32, #tpu.memory_space<vmem_shared>>)
        tpu.yield
      }) : () -> ()
    } else {
    }
    %eq3A = arith.constant 15 : i32
    %eq3A_46 = arith.cmpi eq, %arg1, %eq3A : i32
    %convert_element_type3A_47 = arith.extui %eq3A_46 : i1 to i32
    %cond3A_48 = arith.constant 0 : i32
    %cond3A_49 = arith.cmpi ne, %convert_element_type3A_47, %cond3A_48 : i32
    scf.if %cond3A_49 {
      %add3A_122 = arith.constant 512 : i32
      %add3A_123 = arith.addi %mul3A_35, %add3A_122 : i32
      "tpu.region"() ({
        %run_scoped3A = tpu.sem_alloc : memref<!tpu.dma_semaphore, #tpu.memory_space<semaphore_mem>>
        %dma_start3A_124 = arith.constant 0 : i32
        %dma_start3A_125 = arith.constant 0 : i32
        %dma_start3A_126 = tpu.memref_slice %arg6[%dma_start3A_124, %dma_start3A_125] : memref<128x128xf32, #tpu.memory_space<vmem>> -> memref<48x128xf32, #tpu.memory_space<vmem>>
        %dma_start3A_127 = arith.constant 0 : i32
        %dma_start3A_128 = tpu.memref_slice %arg9[%add3A_123, %dma_start3A_127] : memref<10040x128xf32, #tpu.memory_space<vmem_shared>> -> memref<48x128xf32, #tpu.memory_space<vmem_shared>>
        %dma_start3A_129 = arith.constant 0 : i32
        %dma_start3A_130 = tpu.memref_slice %arg9[%add3A_123, %dma_start3A_129] : memref<10040x128xf32, #tpu.memory_space<vmem_shared>> -> memref<48x128xf32, #tpu.memory_space<vmem_shared>>
        %dma_start3A_131 = arith.constant 0 : i32
        %dma_start3A_132 = arith.constant 0 : i32
        %dma_start3A_133 = tpu.memref_slice %arg6[%dma_start3A_131, %dma_start3A_132] : memref<128x128xf32, #tpu.memory_space<vmem>> -> memref<48x128xf32, #tpu.memory_space<vmem>>
        tpu.enqueue_dma source(%dma_start3A_133 : memref<48x128xf32, #tpu.memory_space<vmem>>) target(%dma_start3A_130 : memref<48x128xf32, #tpu.memory_space<vmem_shared>>) target_semaphore(%run_scoped3A : memref<!tpu.dma_semaphore, #tpu.memory_space<semaphore_mem>>)
        %dma_wait3A_134 = arith.constant 0 : i32
        %dma_wait3A_135 = arith.constant 0 : i32
        %dma_wait3A_136 = tpu.memref_slice %arg6[%dma_wait3A_134, %dma_wait3A_135] : memref<128x128xf32, #tpu.memory_space<vmem>> -> memref<48x128xf32, #tpu.memory_space<vmem>>
        %dma_wait3A_137 = arith.constant 0 : i32
        %dma_wait3A_138 = tpu.memref_slice %arg9[%add3A_123, %dma_wait3A_137] : memref<10040x128xf32, #tpu.memory_space<vmem_shared>> -> memref<48x128xf32, #tpu.memory_space<vmem_shared>>
        %dma_wait3A_139 = arith.constant 0 : i32
        %dma_wait3A_140 = tpu.memref_slice %arg9[%add3A_123, %dma_wait3A_139] : memref<10040x128xf32, #tpu.memory_space<vmem_shared>> -> memref<48x128xf32, #tpu.memory_space<vmem_shared>>
        %dma_wait3A_141 = arith.constant 0 : i32
        %dma_wait3A_142 = arith.constant 0 : i32
        %dma_wait3A_143 = tpu.memref_slice %arg6[%dma_wait3A_141, %dma_wait3A_142] : memref<128x128xf32, #tpu.memory_space<vmem>> -> memref<48x128xf32, #tpu.memory_space<vmem>>
        tpu.wait_dma2 semaphore(%run_scoped3A : memref<!tpu.dma_semaphore, #tpu.memory_space<semaphore_mem>>) src(%dma_wait3A_143 : memref<48x128xf32, #tpu.memory_space<vmem>>) dst(%dma_wait3A_140 : memref<48x128xf32, #tpu.memory_space<vmem_shared>>)
        tpu.yield
      }) : () -> ()
    } else {
    }
    %dma_wait3A = arith.constant 0 : i32
    %dma_wait3A_50 = arith.constant 0 : i32
    %dma_wait3A_51 = arith.constant 0 : i32
    %dma_wait3A_52 = arith.constant 0 : i32
    %dma_wait3A_53 = tpu.memref_slice %arg5[%dma_wait3A, %dma_wait3A_50, %dma_wait3A_51, %dma_wait3A_52] : memref<2x3x2x128xi32, #tpu.memory_space<vmem>> -> memref<1x3x2x128xi32, #tpu.memory_space<vmem>>
    %dma_wait3A_54 = tpu.memref_squeeze %dma_wait3A_53 : memref<1x3x2x128xi32, #tpu.memory_space<vmem>> -> memref<3x2x128xi32, #tpu.memory_space<vmem>>
    %dma_wait3A_55 = arith.constant 0 : i32
    %dma_wait3A_56 = arith.constant 0 : i32
    %dma_wait3A_57 = arith.constant 0 : i32
    %dma_wait3A_58 = tpu.memref_slice %arg3[%add3A, %dma_wait3A_55, %dma_wait3A_56, %dma_wait3A_57] : memref<32x81x2x128xi32, #tpu.memory_space<hbm>> -> memref<1x81x2x128xi32, #tpu.memory_space<hbm>>
    %dma_wait3A_59 = tpu.memref_squeeze %dma_wait3A_58 : memref<1x81x2x128xi32, #tpu.memory_space<hbm>> -> memref<81x2x128xi32, #tpu.memory_space<hbm>>
    %dma_wait3A_60 = arith.constant 0 : i32
    %dma_wait3A_61 = arith.constant 0 : i32
    %dma_wait3A_62 = arith.constant 0 : i32
    %dma_wait3A_63 = tpu.memref_slice %dma_wait3A_59[%dma_wait3A_60, %dma_wait3A_61, %dma_wait3A_62] : memref<81x2x128xi32, #tpu.memory_space<hbm>> -> memref<3x2x128xi32, #tpu.memory_space<hbm>>
    %dma_wait3A_64 = arith.constant 0 : i32
    %dma_wait3A_65 = arith.constant 0 : i32
    %dma_wait3A_66 = arith.constant 0 : i32
    %dma_wait3A_67 = tpu.memref_slice %arg5[%dma_wait3A, %dma_wait3A_64, %dma_wait3A_65, %dma_wait3A_66] : memref<2x3x2x128xi32, #tpu.memory_space<vmem>> -> memref<1x3x2x128xi32, #tpu.memory_space<vmem>>
    %dma_wait3A_68 = tpu.memref_squeeze %dma_wait3A_67 : memref<1x3x2x128xi32, #tpu.memory_space<vmem>> -> memref<3x2x128xi32, #tpu.memory_space<vmem>>
    %dma_wait3A_69 = arith.constant 0 : i32
    %dma_wait3A_70 = arith.constant 0 : i32
    %dma_wait3A_71 = arith.constant 0 : i32
    %dma_wait3A_72 = tpu.memref_slice %arg3[%add3A, %dma_wait3A_69, %dma_wait3A_70, %dma_wait3A_71] : memref<32x81x2x128xi32, #tpu.memory_space<hbm>> -> memref<1x81x2x128xi32, #tpu.memory_space<hbm>>
    %dma_wait3A_73 = tpu.memref_squeeze %dma_wait3A_72 : memref<1x81x2x128xi32, #tpu.memory_space<hbm>> -> memref<81x2x128xi32, #tpu.memory_space<hbm>>
    %dma_wait3A_74 = arith.constant 0 : i32
    %dma_wait3A_75 = arith.constant 0 : i32
    %dma_wait3A_76 = arith.constant 0 : i32
    %dma_wait3A_77 = tpu.memref_slice %dma_wait3A_73[%dma_wait3A_74, %dma_wait3A_75, %dma_wait3A_76] : memref<81x2x128xi32, #tpu.memory_space<hbm>> -> memref<3x2x128xi32, #tpu.memory_space<hbm>>
    tpu.wait_dma2 semaphore(%arg16 : memref<!tpu.dma_semaphore, #tpu.memory_space<semaphore_mem>>) src(%dma_wait3A_77 : memref<3x2x128xi32, #tpu.memory_space<hbm>>) dst(%dma_wait3A_68 : memref<3x2x128xi32, #tpu.memory_space<vmem>>)
    %barrier3A = arith.constant 0 : index
    tpu.barrier barrier_id(%barrier3A)
    %scan3A_78 = arith.constant 0 : i32
    %scan3A_79 = arith.constant 0 : i32
    %scan3A_80 = arith.constant 27 : i32
    %scan3A_81 = arith.addi %scan3A_79, %scan3A_80 : i32
    %scan3A_82 = arith.constant 1 : i32
    scf.for %scan3A_122 = %scan3A_79 to %scan3A_81 step %scan3A_82  : i32 {
      %rem3A = arith.constant 2 : i32
      %rem3A_123 = arith.remsi %scan3A_122, %rem3A : i32
      %eq3A_124 = arith.constant 0 : i32
      %eq3A_125 = arith.cmpi eq, %rem3A_123, %eq3A_124 : i32
      %convert_element_type3A_126 = arith.extui %eq3A_125 : i1 to i32
      %cond3A_127 = arith.constant 0 : i32
      %cond3A_128 = arith.cmpi ne, %convert_element_type3A_126, %cond3A_127 : i32
      scf.if %cond3A_128 {
        %gt3A = arith.constant 0 : i32
        %gt3A_134 = arith.cmpi sgt, %scan3A_122, %gt3A : i32
        %convert_element_type3A_135 = arith.extui %gt3A_134 : i1 to i32
        %cond3A_136 = arith.constant 0 : i32
        %cond3A_137 = arith.cmpi ne, %convert_element_type3A_135, %cond3A_136 : i32
        scf.if %cond3A_137 {
          %dma_wait3A_257 = arith.constant 1 : i32
          %dma_wait3A_258 = arith.constant 0 : i32
          %dma_wait3A_259 = arith.constant 1 : i32
          %dma_wait3A_260 = arith.constant 0 : i32
          %dma_wait3A_261 = tpu.memref_slice %arg5[%dma_wait3A_257, %dma_wait3A_258, %dma_wait3A_259, %dma_wait3A_260] : memref<2x3x2x128xi32, #tpu.memory_space<vmem>> -> memref<1x1x1x128xi32, #tpu.memory_space<vmem>>
          %dma_wait3A_262 = tpu.memref_squeeze %dma_wait3A_261 : memref<1x1x1x128xi32, #tpu.memory_space<vmem>> -> memref<128xi32, #tpu.memory_space<vmem>>
          %dma_wait3A_263 = arith.constant 0 : i32
          %dma_wait3A_264 = arith.constant 0 : i32
          %dma_wait3A_265 = tpu.memref_slice %arg9[%dma_wait3A_263, %dma_wait3A_264] : memref<10040x128xf32, #tpu.memory_space<vmem_shared>> -> memref<10040x128xf32, #tpu.memory_space<vmem_shared>>
          tpu.wait_indirect_dma semaphore(%arg13 : memref<!tpu.dma_semaphore, #tpu.memory_space<semaphore_mem>>) src(%arg6 : memref<128x128xf32, #tpu.memory_space<vmem>>) dst(%dma_wait3A_265 : memref<10040x128xf32, #tpu.memory_space<vmem_shared>>)
          %dma_wait3A_266 = arith.constant 1 : i32
          %dma_wait3A_267 = arith.constant 1 : i32
          %dma_wait3A_268 = arith.constant 1 : i32
          %dma_wait3A_269 = arith.constant 0 : i32
          %dma_wait3A_270 = tpu.memref_slice %arg5[%dma_wait3A_266, %dma_wait3A_267, %dma_wait3A_268, %dma_wait3A_269] : memref<2x3x2x128xi32, #tpu.memory_space<vmem>> -> memref<1x1x1x128xi32, #tpu.memory_space<vmem>>
          %dma_wait3A_271 = tpu.memref_squeeze %dma_wait3A_270 : memref<1x1x1x128xi32, #tpu.memory_space<vmem>> -> memref<128xi32, #tpu.memory_space<vmem>>
          %dma_wait3A_272 = arith.constant 0 : i32
          %dma_wait3A_273 = arith.constant 0 : i32
          %dma_wait3A_274 = tpu.memref_slice %arg9[%dma_wait3A_272, %dma_wait3A_273] : memref<10040x128xf32, #tpu.memory_space<vmem_shared>> -> memref<10040x128xf32, #tpu.memory_space<vmem_shared>>
          tpu.wait_indirect_dma semaphore(%arg14 : memref<!tpu.dma_semaphore, #tpu.memory_space<semaphore_mem>>) src(%arg7 : memref<128x128xf32, #tpu.memory_space<vmem>>) dst(%dma_wait3A_274 : memref<10040x128xf32, #tpu.memory_space<vmem_shared>>)
          %dma_wait3A_275 = arith.constant 1 : i32
          %dma_wait3A_276 = arith.constant 2 : i32
          %dma_wait3A_277 = arith.constant 1 : i32
          %dma_wait3A_278 = arith.constant 0 : i32
          %dma_wait3A_279 = tpu.memref_slice %arg5[%dma_wait3A_275, %dma_wait3A_276, %dma_wait3A_277, %dma_wait3A_278] : memref<2x3x2x128xi32, #tpu.memory_space<vmem>> -> memref<1x1x1x128xi32, #tpu.memory_space<vmem>>
          %dma_wait3A_280 = tpu.memref_squeeze %dma_wait3A_279 : memref<1x1x1x128xi32, #tpu.memory_space<vmem>> -> memref<128xi32, #tpu.memory_space<vmem>>
          %dma_wait3A_281 = arith.constant 0 : i32
          %dma_wait3A_282 = arith.constant 0 : i32
          %dma_wait3A_283 = tpu.memref_slice %arg9[%dma_wait3A_281, %dma_wait3A_282] : memref<10040x128xf32, #tpu.memory_space<vmem_shared>> -> memref<10040x128xf32, #tpu.memory_space<vmem_shared>>
          tpu.wait_indirect_dma semaphore(%arg15 : memref<!tpu.dma_semaphore, #tpu.memory_space<semaphore_mem>>) src(%arg8 : memref<128x128xf32, #tpu.memory_space<vmem>>) dst(%dma_wait3A_283 : memref<10040x128xf32, #tpu.memory_space<vmem_shared>>)
        } else {
        }
        %add3A_138 = arith.constant 1 : i32
        %add3A_139 = arith.addi %scan3A_122, %add3A_138 : i32
        %lt3A_140 = arith.constant 27 : i32
        %lt3A_141 = arith.cmpi slt, %add3A_139, %lt3A_140 : i32
        %convert_element_type3A_142 = arith.extui %lt3A_141 : i1 to i32
        %cond3A_143 = arith.constant 0 : i32
        %cond3A_144 = arith.cmpi ne, %convert_element_type3A_142, %cond3A_143 : i32
        scf.if %cond3A_144 {
          %add3A_257 = arith.constant 1 : i32
          %add3A_258 = arith.addi %scan3A_122, %add3A_257 : i32
          %mul3A_259 = arith.constant 3 : i32
          %mul3A_260 = arith.muli %add3A_258, %mul3A_259 : i32
          %dma_start3A_261 = arith.constant 1 : i32
          %dma_start3A_262 = arith.constant 0 : i32
          %dma_start3A_263 = arith.constant 0 : i32
          %dma_start3A_264 = arith.constant 0 : i32
          %dma_start3A_265 = tpu.memref_slice %arg5[%dma_start3A_261, %dma_start3A_262, %dma_start3A_263, %dma_start3A_264] : memref<2x3x2x128xi32, #tpu.memory_space<vmem>> -> memref<1x3x2x128xi32, #tpu.memory_space<vmem>>
          %dma_start3A_266 = tpu.memref_squeeze %dma_start3A_265 : memref<1x3x2x128xi32, #tpu.memory_space<vmem>> -> memref<3x2x128xi32, #tpu.memory_space<vmem>>
          %dma_start3A_267 = arith.constant 0 : i32
          %dma_start3A_268 = arith.constant 0 : i32
          %dma_start3A_269 = arith.constant 0 : i32
          %dma_start3A_270 = tpu.memref_slice %arg3[%add3A, %dma_start3A_267, %dma_start3A_268, %dma_start3A_269] : memref<32x81x2x128xi32, #tpu.memory_space<hbm>> -> memref<1x81x2x128xi32, #tpu.memory_space<hbm>>
          %dma_start3A_271 = tpu.memref_squeeze %dma_start3A_270 : memref<1x81x2x128xi32, #tpu.memory_space<hbm>> -> memref<81x2x128xi32, #tpu.memory_space<hbm>>
          %dma_start3A_272 = arith.constant 0 : i32
          %dma_start3A_273 = arith.constant 0 : i32
          %dma_start3A_274 = tpu.memref_slice %dma_start3A_271[%mul3A_260, %dma_start3A_272, %dma_start3A_273] : memref<81x2x128xi32, #tpu.memory_space<hbm>> -> memref<3x2x128xi32, #tpu.memory_space<hbm>>
          %dma_start3A_275 = arith.constant 0 : i32
          %dma_start3A_276 = arith.constant 0 : i32
          %dma_start3A_277 = arith.constant 0 : i32
          %dma_start3A_278 = tpu.memref_slice %arg5[%dma_start3A_261, %dma_start3A_275, %dma_start3A_276, %dma_start3A_277] : memref<2x3x2x128xi32, #tpu.memory_space<vmem>> -> memref<1x3x2x128xi32, #tpu.memory_space<vmem>>
          %dma_start3A_279 = tpu.memref_squeeze %dma_start3A_278 : memref<1x3x2x128xi32, #tpu.memory_space<vmem>> -> memref<3x2x128xi32, #tpu.memory_space<vmem>>
          %dma_start3A_280 = arith.constant 0 : i32
          %dma_start3A_281 = arith.constant 0 : i32
          %dma_start3A_282 = arith.constant 0 : i32
          %dma_start3A_283 = tpu.memref_slice %arg3[%add3A, %dma_start3A_280, %dma_start3A_281, %dma_start3A_282] : memref<32x81x2x128xi32, #tpu.memory_space<hbm>> -> memref<1x81x2x128xi32, #tpu.memory_space<hbm>>
          %dma_start3A_284 = tpu.memref_squeeze %dma_start3A_283 : memref<1x81x2x128xi32, #tpu.memory_space<hbm>> -> memref<81x2x128xi32, #tpu.memory_space<hbm>>
          %dma_start3A_285 = arith.constant 0 : i32
          %dma_start3A_286 = arith.constant 0 : i32
          %dma_start3A_287 = tpu.memref_slice %dma_start3A_284[%mul3A_260, %dma_start3A_285, %dma_start3A_286] : memref<81x2x128xi32, #tpu.memory_space<hbm>> -> memref<3x2x128xi32, #tpu.memory_space<hbm>>
          tpu.enqueue_dma source(%dma_start3A_287 : memref<3x2x128xi32, #tpu.memory_space<hbm>>) target(%dma_start3A_279 : memref<3x2x128xi32, #tpu.memory_space<vmem>>) target_semaphore(%arg17 : memref<!tpu.dma_semaphore, #tpu.memory_space<semaphore_mem>>)
        } else {
        }
        %dma_start3A_145 = arith.constant 0 : i32
        %dma_start3A_146 = arith.constant 0 : i32
        %dma_start3A_147 = arith.constant 0 : i32
        %dma_start3A_148 = arith.constant 0 : i32
        %dma_start3A_149 = tpu.memref_slice %arg5[%dma_start3A_145, %dma_start3A_146, %dma_start3A_147, %dma_start3A_148] : memref<2x3x2x128xi32, #tpu.memory_space<vmem>> -> memref<1x1x1x128xi32, #tpu.memory_space<vmem>>
        %dma_start3A_150 = tpu.memref_squeeze %dma_start3A_149 : memref<1x1x1x128xi32, #tpu.memory_space<vmem>> -> memref<128xi32, #tpu.memory_space<vmem>>
        %dma_start3A_151 = arith.constant 0 : i32
        %dma_start3A_152 = arith.constant 0 : i32
        %dma_start3A_153 = tpu.memref_slice %arg2[%arg0, %dma_start3A_151, %dma_start3A_152] : memref<2x10000x128xf32, #tpu.memory_space<hbm>> -> memref<1x10000x128xf32, #tpu.memory_space<hbm>>
        %dma_start3A_154 = tpu.memref_squeeze %dma_start3A_153 : memref<1x10000x128xf32, #tpu.memory_space<hbm>> -> memref<10000x128xf32, #tpu.memory_space<hbm>>
        %dma_start3A_155 = arith.constant 0 : i32
        %dma_start3A_156 = arith.constant 0 : i32
        %dma_start3A_157 = tpu.memref_slice %dma_start3A_154[%dma_start3A_155, %dma_start3A_156] : memref<10000x128xf32, #tpu.memory_space<hbm>> -> memref<10000x128xf32, #tpu.memory_space<hbm>>
        tpu.enqueue_indirect_dma source(%dma_start3A_157 : memref<10000x128xf32, #tpu.memory_space<hbm>>) target(%arg6 : memref<128x128xf32, #tpu.memory_space<vmem>>) offsets(%dma_start3A_150 : memref<128xi32, #tpu.memory_space<vmem>>) semaphore(%arg10 : memref<!tpu.dma_semaphore, #tpu.memory_space<semaphore_mem>>)
        %dma_start3A_158 = arith.constant 0 : i32
        %dma_start3A_159 = arith.constant 1 : i32
        %dma_start3A_160 = arith.constant 0 : i32
        %dma_start3A_161 = arith.constant 0 : i32
        %dma_start3A_162 = tpu.memref_slice %arg5[%dma_start3A_158, %dma_start3A_159, %dma_start3A_160, %dma_start3A_161] : memref<2x3x2x128xi32, #tpu.memory_space<vmem>> -> memref<1x1x1x128xi32, #tpu.memory_space<vmem>>
        %dma_start3A_163 = tpu.memref_squeeze %dma_start3A_162 : memref<1x1x1x128xi32, #tpu.memory_space<vmem>> -> memref<128xi32, #tpu.memory_space<vmem>>
        %dma_start3A_164 = arith.constant 0 : i32
        %dma_start3A_165 = arith.constant 0 : i32
        %dma_start3A_166 = tpu.memref_slice %arg2[%arg0, %dma_start3A_164, %dma_start3A_165] : memref<2x10000x128xf32, #tpu.memory_space<hbm>> -> memref<1x10000x128xf32, #tpu.memory_space<hbm>>
        %dma_start3A_167 = tpu.memref_squeeze %dma_start3A_166 : memref<1x10000x128xf32, #tpu.memory_space<hbm>> -> memref<10000x128xf32, #tpu.memory_space<hbm>>
        %dma_start3A_168 = arith.constant 0 : i32
        %dma_start3A_169 = arith.constant 0 : i32
        %dma_start3A_170 = tpu.memref_slice %dma_start3A_167[%dma_start3A_168, %dma_start3A_169] : memref<10000x128xf32, #tpu.memory_space<hbm>> -> memref<10000x128xf32, #tpu.memory_space<hbm>>
        tpu.enqueue_indirect_dma source(%dma_start3A_170 : memref<10000x128xf32, #tpu.memory_space<hbm>>) target(%arg7 : memref<128x128xf32, #tpu.memory_space<vmem>>) offsets(%dma_start3A_163 : memref<128xi32, #tpu.memory_space<vmem>>) semaphore(%arg11 : memref<!tpu.dma_semaphore, #tpu.memory_space<semaphore_mem>>)
        %dma_start3A_171 = arith.constant 0 : i32
        %dma_start3A_172 = arith.constant 2 : i32
        %dma_start3A_173 = arith.constant 0 : i32
        %dma_start3A_174 = arith.constant 0 : i32
        %dma_start3A_175 = tpu.memref_slice %arg5[%dma_start3A_171, %dma_start3A_172, %dma_start3A_173, %dma_start3A_174] : memref<2x3x2x128xi32, #tpu.memory_space<vmem>> -> memref<1x1x1x128xi32, #tpu.memory_space<vmem>>
        %dma_start3A_176 = tpu.memref_squeeze %dma_start3A_175 : memref<1x1x1x128xi32, #tpu.memory_space<vmem>> -> memref<128xi32, #tpu.memory_space<vmem>>
        %dma_start3A_177 = arith.constant 0 : i32
        %dma_start3A_178 = arith.constant 0 : i32
        %dma_start3A_179 = tpu.memref_slice %arg2[%arg0, %dma_start3A_177, %dma_start3A_178] : memref<2x10000x128xf32, #tpu.memory_space<hbm>> -> memref<1x10000x128xf32, #tpu.memory_space<hbm>>
        %dma_start3A_180 = tpu.memref_squeeze %dma_start3A_179 : memref<1x10000x128xf32, #tpu.memory_space<hbm>> -> memref<10000x128xf32, #tpu.memory_space<hbm>>
        %dma_start3A_181 = arith.constant 0 : i32
        %dma_start3A_182 = arith.constant 0 : i32
        %dma_start3A_183 = tpu.memref_slice %dma_start3A_180[%dma_start3A_181, %dma_start3A_182] : memref<10000x128xf32, #tpu.memory_space<hbm>> -> memref<10000x128xf32, #tpu.memory_space<hbm>>
        tpu.enqueue_indirect_dma source(%dma_start3A_183 : memref<10000x128xf32, #tpu.memory_space<hbm>>) target(%arg8 : memref<128x128xf32, #tpu.memory_space<vmem>>) offsets(%dma_start3A_176 : memref<128xi32, #tpu.memory_space<vmem>>) semaphore(%arg12 : memref<!tpu.dma_semaphore, #tpu.memory_space<semaphore_mem>>)
        %dma_wait3A_184 = arith.constant 0 : i32
        %dma_wait3A_185 = arith.constant 0 : i32
        %dma_wait3A_186 = arith.constant 0 : i32
        %dma_wait3A_187 = arith.constant 0 : i32
        %dma_wait3A_188 = tpu.memref_slice %arg5[%dma_wait3A_184, %dma_wait3A_185, %dma_wait3A_186, %dma_wait3A_187] : memref<2x3x2x128xi32, #tpu.memory_space<vmem>> -> memref<1x1x1x128xi32, #tpu.memory_space<vmem>>
        %dma_wait3A_189 = tpu.memref_squeeze %dma_wait3A_188 : memref<1x1x1x128xi32, #tpu.memory_space<vmem>> -> memref<128xi32, #tpu.memory_space<vmem>>
        %dma_wait3A_190 = arith.constant 0 : i32
        %dma_wait3A_191 = arith.constant 0 : i32
        %dma_wait3A_192 = tpu.memref_slice %arg2[%arg0, %dma_wait3A_190, %dma_wait3A_191] : memref<2x10000x128xf32, #tpu.memory_space<hbm>> -> memref<1x10000x128xf32, #tpu.memory_space<hbm>>
        %dma_wait3A_193 = tpu.memref_squeeze %dma_wait3A_192 : memref<1x10000x128xf32, #tpu.memory_space<hbm>> -> memref<10000x128xf32, #tpu.memory_space<hbm>>
        %dma_wait3A_194 = arith.constant 0 : i32
        %dma_wait3A_195 = arith.constant 0 : i32
        %dma_wait3A_196 = tpu.memref_slice %dma_wait3A_193[%dma_wait3A_194, %dma_wait3A_195] : memref<10000x128xf32, #tpu.memory_space<hbm>> -> memref<10000x128xf32, #tpu.memory_space<hbm>>
        tpu.wait_indirect_dma semaphore(%arg10 : memref<!tpu.dma_semaphore, #tpu.memory_space<semaphore_mem>>) src(%dma_wait3A_196 : memref<10000x128xf32, #tpu.memory_space<hbm>>) dst(%arg6 : memref<128x128xf32, #tpu.memory_space<vmem>>)
        %dma_start3A_197 = arith.constant 0 : i32
        %dma_start3A_198 = arith.constant 0 : i32
        %dma_start3A_199 = arith.constant 1 : i32
        %dma_start3A_200 = arith.constant 0 : i32
        %dma_start3A_201 = tpu.memref_slice %arg5[%dma_start3A_197, %dma_start3A_198, %dma_start3A_199, %dma_start3A_200] : memref<2x3x2x128xi32, #tpu.memory_space<vmem>> -> memref<1x1x1x128xi32, #tpu.memory_space<vmem>>
        %dma_start3A_202 = tpu.memref_squeeze %dma_start3A_201 : memref<1x1x1x128xi32, #tpu.memory_space<vmem>> -> memref<128xi32, #tpu.memory_space<vmem>>
        %dma_start3A_203 = arith.constant 0 : i32
        %dma_start3A_204 = arith.constant 0 : i32
        %dma_start3A_205 = tpu.memref_slice %arg9[%dma_start3A_203, %dma_start3A_204] : memref<10040x128xf32, #tpu.memory_space<vmem_shared>> -> memref<10040x128xf32, #tpu.memory_space<vmem_shared>>
        tpu.enqueue_indirect_dma source(%arg6 : memref<128x128xf32, #tpu.memory_space<vmem>>) target(%dma_start3A_205 : memref<10040x128xf32, #tpu.memory_space<vmem_shared>>) offsets(%dma_start3A_202 : memref<128xi32, #tpu.memory_space<vmem>>) semaphore(%arg13 : memref<!tpu.dma_semaphore, #tpu.memory_space<semaphore_mem>>) {add = true}
        %dma_wait3A_206 = arith.constant 0 : i32
        %dma_wait3A_207 = arith.constant 1 : i32
        %dma_wait3A_208 = arith.constant 0 : i32
        %dma_wait3A_209 = arith.constant 0 : i32
        %dma_wait3A_210 = tpu.memref_slice %arg5[%dma_wait3A_206, %dma_wait3A_207, %dma_wait3A_208, %dma_wait3A_209] : memref<2x3x2x128xi32, #tpu.memory_space<vmem>> -> memref<1x1x1x128xi32, #tpu.memory_space<vmem>>
        %dma_wait3A_211 = tpu.memref_squeeze %dma_wait3A_210 : memref<1x1x1x128xi32, #tpu.memory_space<vmem>> -> memref<128xi32, #tpu.memory_space<vmem>>
        %dma_wait3A_212 = arith.constant 0 : i32
        %dma_wait3A_213 = arith.constant 0 : i32
        %dma_wait3A_214 = tpu.memref_slice %arg2[%arg0, %dma_wait3A_212, %dma_wait3A_213] : memref<2x10000x128xf32, #tpu.memory_space<hbm>> -> memref<1x10000x128xf32, #tpu.memory_space<hbm>>
        %dma_wait3A_215 = tpu.memref_squeeze %dma_wait3A_214 : memref<1x10000x128xf32, #tpu.memory_space<hbm>> -> memref<10000x128xf32, #tpu.memory_space<hbm>>
        %dma_wait3A_216 = arith.constant 0 : i32
        %dma_wait3A_217 = arith.constant 0 : i32
        %dma_wait3A_218 = tpu.memref_slice %dma_wait3A_215[%dma_wait3A_216, %dma_wait3A_217] : memref<10000x128xf32, #tpu.memory_space<hbm>> -> memref<10000x128xf32, #tpu.memory_space<hbm>>
        tpu.wait_indirect_dma semaphore(%arg11 : memref<!tpu.dma_semaphore, #tpu.memory_space<semaphore_mem>>) src(%dma_wait3A_218 : memref<10000x128xf32, #tpu.memory_space<hbm>>) dst(%arg7 : memref<128x128xf32, #tpu.memory_space<vmem>>)
        %dma_start3A_219 = arith.constant 0 : i32
        %dma_start3A_220 = arith.constant 1 : i32
        %dma_start3A_221 = arith.constant 1 : i32
        %dma_start3A_222 = arith.constant 0 : i32
        %dma_start3A_223 = tpu.memref_slice %arg5[%dma_start3A_219, %dma_start3A_220, %dma_start3A_221, %dma_start3A_222] : memref<2x3x2x128xi32, #tpu.memory_space<vmem>> -> memref<1x1x1x128xi32, #tpu.memory_space<vmem>>
        %dma_start3A_224 = tpu.memref_squeeze %dma_start3A_223 : memref<1x1x1x128xi32, #tpu.memory_space<vmem>> -> memref<128xi32, #tpu.memory_space<vmem>>
        %dma_start3A_225 = arith.constant 0 : i32
        %dma_start3A_226 = arith.constant 0 : i32
        %dma_start3A_227 = tpu.memref_slice %arg9[%dma_start3A_225, %dma_start3A_226] : memref<10040x128xf32, #tpu.memory_space<vmem_shared>> -> memref<10040x128xf32, #tpu.memory_space<vmem_shared>>
        tpu.enqueue_indirect_dma source(%arg7 : memref<128x128xf32, #tpu.memory_space<vmem>>) target(%dma_start3A_227 : memref<10040x128xf32, #tpu.memory_space<vmem_shared>>) offsets(%dma_start3A_224 : memref<128xi32, #tpu.memory_space<vmem>>) semaphore(%arg14 : memref<!tpu.dma_semaphore, #tpu.memory_space<semaphore_mem>>) {add = true}
        %dma_wait3A_228 = arith.constant 0 : i32
        %dma_wait3A_229 = arith.constant 2 : i32
        %dma_wait3A_230 = arith.constant 0 : i32
        %dma_wait3A_231 = arith.constant 0 : i32
        %dma_wait3A_232 = tpu.memref_slice %arg5[%dma_wait3A_228, %dma_wait3A_229, %dma_wait3A_230, %dma_wait3A_231] : memref<2x3x2x128xi32, #tpu.memory_space<vmem>> -> memref<1x1x1x128xi32, #tpu.memory_space<vmem>>
        %dma_wait3A_233 = tpu.memref_squeeze %dma_wait3A_232 : memref<1x1x1x128xi32, #tpu.memory_space<vmem>> -> memref<128xi32, #tpu.memory_space<vmem>>
        %dma_wait3A_234 = arith.constant 0 : i32
        %dma_wait3A_235 = arith.constant 0 : i32
        %dma_wait3A_236 = tpu.memref_slice %arg2[%arg0, %dma_wait3A_234, %dma_wait3A_235] : memref<2x10000x128xf32, #tpu.memory_space<hbm>> -> memref<1x10000x128xf32, #tpu.memory_space<hbm>>
        %dma_wait3A_237 = tpu.memref_squeeze %dma_wait3A_236 : memref<1x10000x128xf32, #tpu.memory_space<hbm>> -> memref<10000x128xf32, #tpu.memory_space<hbm>>
        %dma_wait3A_238 = arith.constant 0 : i32
        %dma_wait3A_239 = arith.constant 0 : i32
        %dma_wait3A_240 = tpu.memref_slice %dma_wait3A_237[%dma_wait3A_238, %dma_wait3A_239] : memref<10000x128xf32, #tpu.memory_space<hbm>> -> memref<10000x128xf32, #tpu.memory_space<hbm>>
        tpu.wait_indirect_dma semaphore(%arg12 : memref<!tpu.dma_semaphore, #tpu.memory_space<semaphore_mem>>) src(%dma_wait3A_240 : memref<10000x128xf32, #tpu.memory_space<hbm>>) dst(%arg8 : memref<128x128xf32, #tpu.memory_space<vmem>>)
        %dma_start3A_241 = arith.constant 0 : i32
        %dma_start3A_242 = arith.constant 2 : i32
        %dma_start3A_243 = arith.constant 1 : i32
        %dma_start3A_244 = arith.constant 0 : i32
        %dma_start3A_245 = tpu.memref_slice %arg5[%dma_start3A_241, %dma_start3A_242, %dma_start3A_243, %dma_start3A_244] : memref<2x3x2x128xi32, #tpu.memory_space<vmem>> -> memref<1x1x1x128xi32, #tpu.memory_space<vmem>>
        %dma_start3A_246 = tpu.memref_squeeze %dma_start3A_245 : memref<1x1x1x128xi32, #tpu.memory_space<vmem>> -> memref<128xi32, #tpu.memory_space<vmem>>
        %dma_start3A_247 = arith.constant 0 : i32
        %dma_start3A_248 = arith.constant 0 : i32
        %dma_start3A_249 = tpu.memref_slice %arg9[%dma_start3A_247, %dma_start3A_248] : memref<10040x128xf32, #tpu.memory_space<vmem_shared>> -> memref<10040x128xf32, #tpu.memory_space<vmem_shared>>
        tpu.enqueue_indirect_dma source(%arg8 : memref<128x128xf32, #tpu.memory_space<vmem>>) target(%dma_start3A_249 : memref<10040x128xf32, #tpu.memory_space<vmem_shared>>) offsets(%dma_start3A_246 : memref<128xi32, #tpu.memory_space<vmem>>) semaphore(%arg15 : memref<!tpu.dma_semaphore, #tpu.memory_space<semaphore_mem>>) {add = true}
        %add3A_250 = arith.constant 1 : i32
        %add3A_251 = arith.addi %scan3A_122, %add3A_250 : i32
        %lt3A_252 = arith.constant 27 : i32
        %lt3A_253 = arith.cmpi slt, %add3A_251, %lt3A_252 : i32
        %convert_element_type3A_254 = arith.extui %lt3A_253 : i1 to i32
        %cond3A_255 = arith.constant 0 : i32
        %cond3A_256 = arith.cmpi ne, %convert_element_type3A_254, %cond3A_255 : i32
        scf.if %cond3A_256 {
          %add3A_257 = arith.constant 1 : i32
          %add3A_258 = arith.addi %scan3A_122, %add3A_257 : i32
          %mul3A_259 = arith.constant 3 : i32
          %mul3A_260 = arith.muli %add3A_258, %mul3A_259 : i32
          %dma_wait3A_261 = arith.constant 1 : i32
          %dma_wait3A_262 = arith.constant 0 : i32
          %dma_wait3A_263 = arith.constant 0 : i32
          %dma_wait3A_264 = arith.constant 0 : i32
          %dma_wait3A_265 = tpu.memref_slice %arg5[%dma_wait3A_261, %dma_wait3A_262, %dma_wait3A_263, %dma_wait3A_264] : memref<2x3x2x128xi32, #tpu.memory_space<vmem>> -> memref<1x3x2x128xi32, #tpu.memory_space<vmem>>
          %dma_wait3A_266 = tpu.memref_squeeze %dma_wait3A_265 : memref<1x3x2x128xi32, #tpu.memory_space<vmem>> -> memref<3x2x128xi32, #tpu.memory_space<vmem>>
          %dma_wait3A_267 = arith.constant 0 : i32
          %dma_wait3A_268 = arith.constant 0 : i32
          %dma_wait3A_269 = arith.constant 0 : i32
          %dma_wait3A_270 = tpu.memref_slice %arg3[%add3A, %dma_wait3A_267, %dma_wait3A_268, %dma_wait3A_269] : memref<32x81x2x128xi32, #tpu.memory_space<hbm>> -> memref<1x81x2x128xi32, #tpu.memory_space<hbm>>
          %dma_wait3A_271 = tpu.memref_squeeze %dma_wait3A_270 : memref<1x81x2x128xi32, #tpu.memory_space<hbm>> -> memref<81x2x128xi32, #tpu.memory_space<hbm>>
          %dma_wait3A_272 = arith.constant 0 : i32
          %dma_wait3A_273 = arith.constant 0 : i32
          %dma_wait3A_274 = tpu.memref_slice %dma_wait3A_271[%mul3A_260, %dma_wait3A_272, %dma_wait3A_273] : memref<81x2x128xi32, #tpu.memory_space<hbm>> -> memref<3x2x128xi32, #tpu.memory_space<hbm>>
          %dma_wait3A_275 = arith.constant 0 : i32
          %dma_wait3A_276 = arith.constant 0 : i32
          %dma_wait3A_277 = arith.constant 0 : i32
          %dma_wait3A_278 = tpu.memref_slice %arg5[%dma_wait3A_261, %dma_wait3A_275, %dma_wait3A_276, %dma_wait3A_277] : memref<2x3x2x128xi32, #tpu.memory_space<vmem>> -> memref<1x3x2x128xi32, #tpu.memory_space<vmem>>
          %dma_wait3A_279 = tpu.memref_squeeze %dma_wait3A_278 : memref<1x3x2x128xi32, #tpu.memory_space<vmem>> -> memref<3x2x128xi32, #tpu.memory_space<vmem>>
          %dma_wait3A_280 = arith.constant 0 : i32
          %dma_wait3A_281 = arith.constant 0 : i32
          %dma_wait3A_282 = arith.constant 0 : i32
          %dma_wait3A_283 = tpu.memref_slice %arg3[%add3A, %dma_wait3A_280, %dma_wait3A_281, %dma_wait3A_282] : memref<32x81x2x128xi32, #tpu.memory_space<hbm>> -> memref<1x81x2x128xi32, #tpu.memory_space<hbm>>
          %dma_wait3A_284 = tpu.memref_squeeze %dma_wait3A_283 : memref<1x81x2x128xi32, #tpu.memory_space<hbm>> -> memref<81x2x128xi32, #tpu.memory_space<hbm>>
          %dma_wait3A_285 = arith.constant 0 : i32
          %dma_wait3A_286 = arith.constant 0 : i32
          %dma_wait3A_287 = tpu.memref_slice %dma_wait3A_284[%mul3A_260, %dma_wait3A_285, %dma_wait3A_286] : memref<81x2x128xi32, #tpu.memory_space<hbm>> -> memref<3x2x128xi32, #tpu.memory_space<hbm>>
          tpu.wait_dma2 semaphore(%arg17 : memref<!tpu.dma_semaphore, #tpu.memory_space<semaphore_mem>>) src(%dma_wait3A_287 : memref<3x2x128xi32, #tpu.memory_space<hbm>>) dst(%dma_wait3A_279 : memref<3x2x128xi32, #tpu.memory_space<vmem>>)
        } else {
        }
      } else {
      }
      %eq3A_129 = arith.constant 1 : i32
      %eq3A_130 = arith.cmpi eq, %rem3A_123, %eq3A_129 : i32
      %convert_element_type3A_131 = arith.extui %eq3A_130 : i1 to i32
      %cond3A_132 = arith.constant 0 : i32
      %cond3A_133 = arith.cmpi ne, %convert_element_type3A_131, %cond3A_132 : i32
      scf.if %cond3A_133 {
        %gt3A = arith.constant 0 : i32
        %gt3A_134 = arith.cmpi sgt, %scan3A_122, %gt3A : i32
        %convert_element_type3A_135 = arith.extui %gt3A_134 : i1 to i32
        %cond3A_136 = arith.constant 0 : i32
        %cond3A_137 = arith.cmpi ne, %convert_element_type3A_135, %cond3A_136 : i32
        scf.if %cond3A_137 {
          %dma_wait3A_257 = arith.constant 0 : i32
          %dma_wait3A_258 = arith.constant 0 : i32
          %dma_wait3A_259 = arith.constant 1 : i32
          %dma_wait3A_260 = arith.constant 0 : i32
          %dma_wait3A_261 = tpu.memref_slice %arg5[%dma_wait3A_257, %dma_wait3A_258, %dma_wait3A_259, %dma_wait3A_260] : memref<2x3x2x128xi32, #tpu.memory_space<vmem>> -> memref<1x1x1x128xi32, #tpu.memory_space<vmem>>
          %dma_wait3A_262 = tpu.memref_squeeze %dma_wait3A_261 : memref<1x1x1x128xi32, #tpu.memory_space<vmem>> -> memref<128xi32, #tpu.memory_space<vmem>>
          %dma_wait3A_263 = arith.constant 0 : i32
          %dma_wait3A_264 = arith.constant 0 : i32
          %dma_wait3A_265 = tpu.memref_slice %arg9[%dma_wait3A_263, %dma_wait3A_264] : memref<10040x128xf32, #tpu.memory_space<vmem_shared>> -> memref<10040x128xf32, #tpu.memory_space<vmem_shared>>
          tpu.wait_indirect_dma semaphore(%arg13 : memref<!tpu.dma_semaphore, #tpu.memory_space<semaphore_mem>>) src(%arg6 : memref<128x128xf32, #tpu.memory_space<vmem>>) dst(%dma_wait3A_265 : memref<10040x128xf32, #tpu.memory_space<vmem_shared>>)
          %dma_wait3A_266 = arith.constant 0 : i32
          %dma_wait3A_267 = arith.constant 1 : i32
          %dma_wait3A_268 = arith.constant 1 : i32
          %dma_wait3A_269 = arith.constant 0 : i32
          %dma_wait3A_270 = tpu.memref_slice %arg5[%dma_wait3A_266, %dma_wait3A_267, %dma_wait3A_268, %dma_wait3A_269] : memref<2x3x2x128xi32, #tpu.memory_space<vmem>> -> memref<1x1x1x128xi32, #tpu.memory_space<vmem>>
          %dma_wait3A_271 = tpu.memref_squeeze %dma_wait3A_270 : memref<1x1x1x128xi32, #tpu.memory_space<vmem>> -> memref<128xi32, #tpu.memory_space<vmem>>
          %dma_wait3A_272 = arith.constant 0 : i32
          %dma_wait3A_273 = arith.constant 0 : i32
          %dma_wait3A_274 = tpu.memref_slice %arg9[%dma_wait3A_272, %dma_wait3A_273] : memref<10040x128xf32, #tpu.memory_space<vmem_shared>> -> memref<10040x128xf32, #tpu.memory_space<vmem_shared>>
          tpu.wait_indirect_dma semaphore(%arg14 : memref<!tpu.dma_semaphore, #tpu.memory_space<semaphore_mem>>) src(%arg7 : memref<128x128xf32, #tpu.memory_space<vmem>>) dst(%dma_wait3A_274 : memref<10040x128xf32, #tpu.memory_space<vmem_shared>>)
          %dma_wait3A_275 = arith.constant 0 : i32
          %dma_wait3A_276 = arith.constant 2 : i32
          %dma_wait3A_277 = arith.constant 1 : i32
          %dma_wait3A_278 = arith.constant 0 : i32
          %dma_wait3A_279 = tpu.memref_slice %arg5[%dma_wait3A_275, %dma_wait3A_276, %dma_wait3A_277, %dma_wait3A_278] : memref<2x3x2x128xi32, #tpu.memory_space<vmem>> -> memref<1x1x1x128xi32, #tpu.memory_space<vmem>>
          %dma_wait3A_280 = tpu.memref_squeeze %dma_wait3A_279 : memref<1x1x1x128xi32, #tpu.memory_space<vmem>> -> memref<128xi32, #tpu.memory_space<vmem>>
          %dma_wait3A_281 = arith.constant 0 : i32
          %dma_wait3A_282 = arith.constant 0 : i32
          %dma_wait3A_283 = tpu.memref_slice %arg9[%dma_wait3A_281, %dma_wait3A_282] : memref<10040x128xf32, #tpu.memory_space<vmem_shared>> -> memref<10040x128xf32, #tpu.memory_space<vmem_shared>>
          tpu.wait_indirect_dma semaphore(%arg15 : memref<!tpu.dma_semaphore, #tpu.memory_space<semaphore_mem>>) src(%arg8 : memref<128x128xf32, #tpu.memory_space<vmem>>) dst(%dma_wait3A_283 : memref<10040x128xf32, #tpu.memory_space<vmem_shared>>)
        } else {
        }
        %add3A_138 = arith.constant 1 : i32
        %add3A_139 = arith.addi %scan3A_122, %add3A_138 : i32
        %lt3A_140 = arith.constant 27 : i32
        %lt3A_141 = arith.cmpi slt, %add3A_139, %lt3A_140 : i32
        %convert_element_type3A_142 = arith.extui %lt3A_141 : i1 to i32
        %cond3A_143 = arith.constant 0 : i32
        %cond3A_144 = arith.cmpi ne, %convert_element_type3A_142, %cond3A_143 : i32
        scf.if %cond3A_144 {
          %add3A_257 = arith.constant 1 : i32
          %add3A_258 = arith.addi %scan3A_122, %add3A_257 : i32
          %mul3A_259 = arith.constant 3 : i32
          %mul3A_260 = arith.muli %add3A_258, %mul3A_259 : i32
          %dma_start3A_261 = arith.constant 0 : i32
          %dma_start3A_262 = arith.constant 0 : i32
          %dma_start3A_263 = arith.constant 0 : i32
          %dma_start3A_264 = arith.constant 0 : i32
          %dma_start3A_265 = tpu.memref_slice %arg5[%dma_start3A_261, %dma_start3A_262, %dma_start3A_263, %dma_start3A_264] : memref<2x3x2x128xi32, #tpu.memory_space<vmem>> -> memref<1x3x2x128xi32, #tpu.memory_space<vmem>>
          %dma_start3A_266 = tpu.memref_squeeze %dma_start3A_265 : memref<1x3x2x128xi32, #tpu.memory_space<vmem>> -> memref<3x2x128xi32, #tpu.memory_space<vmem>>
          %dma_start3A_267 = arith.constant 0 : i32
          %dma_start3A_268 = arith.constant 0 : i32
          %dma_start3A_269 = arith.constant 0 : i32
          %dma_start3A_270 = tpu.memref_slice %arg3[%add3A, %dma_start3A_267, %dma_start3A_268, %dma_start3A_269] : memref<32x81x2x128xi32, #tpu.memory_space<hbm>> -> memref<1x81x2x128xi32, #tpu.memory_space<hbm>>
          %dma_start3A_271 = tpu.memref_squeeze %dma_start3A_270 : memref<1x81x2x128xi32, #tpu.memory_space<hbm>> -> memref<81x2x128xi32, #tpu.memory_space<hbm>>
          %dma_start3A_272 = arith.constant 0 : i32
          %dma_start3A_273 = arith.constant 0 : i32
          %dma_start3A_274 = tpu.memref_slice %dma_start3A_271[%mul3A_260, %dma_start3A_272, %dma_start3A_273] : memref<81x2x128xi32, #tpu.memory_space<hbm>> -> memref<3x2x128xi32, #tpu.memory_space<hbm>>
          %dma_start3A_275 = arith.constant 0 : i32
          %dma_start3A_276 = arith.constant 0 : i32
          %dma_start3A_277 = arith.constant 0 : i32
          %dma_start3A_278 = tpu.memref_slice %arg5[%dma_start3A_261, %dma_start3A_275, %dma_start3A_276, %dma_start3A_277] : memref<2x3x2x128xi32, #tpu.memory_space<vmem>> -> memref<1x3x2x128xi32, #tpu.memory_space<vmem>>
          %dma_start3A_279 = tpu.memref_squeeze %dma_start3A_278 : memref<1x3x2x128xi32, #tpu.memory_space<vmem>> -> memref<3x2x128xi32, #tpu.memory_space<vmem>>
          %dma_start3A_280 = arith.constant 0 : i32
          %dma_start3A_281 = arith.constant 0 : i32
          %dma_start3A_282 = arith.constant 0 : i32
          %dma_start3A_283 = tpu.memref_slice %arg3[%add3A, %dma_start3A_280, %dma_start3A_281, %dma_start3A_282] : memref<32x81x2x128xi32, #tpu.memory_space<hbm>> -> memref<1x81x2x128xi32, #tpu.memory_space<hbm>>
          %dma_start3A_284 = tpu.memref_squeeze %dma_start3A_283 : memref<1x81x2x128xi32, #tpu.memory_space<hbm>> -> memref<81x2x128xi32, #tpu.memory_space<hbm>>
          %dma_start3A_285 = arith.constant 0 : i32
          %dma_start3A_286 = arith.constant 0 : i32
          %dma_start3A_287 = tpu.memref_slice %dma_start3A_284[%mul3A_260, %dma_start3A_285, %dma_start3A_286] : memref<81x2x128xi32, #tpu.memory_space<hbm>> -> memref<3x2x128xi32, #tpu.memory_space<hbm>>
          tpu.enqueue_dma source(%dma_start3A_287 : memref<3x2x128xi32, #tpu.memory_space<hbm>>) target(%dma_start3A_279 : memref<3x2x128xi32, #tpu.memory_space<vmem>>) target_semaphore(%arg16 : memref<!tpu.dma_semaphore, #tpu.memory_space<semaphore_mem>>)
        } else {
        }
        %dma_start3A_145 = arith.constant 1 : i32
        %dma_start3A_146 = arith.constant 0 : i32
        %dma_start3A_147 = arith.constant 0 : i32
        %dma_start3A_148 = arith.constant 0 : i32
        %dma_start3A_149 = tpu.memref_slice %arg5[%dma_start3A_145, %dma_start3A_146, %dma_start3A_147, %dma_start3A_148] : memref<2x3x2x128xi32, #tpu.memory_space<vmem>> -> memref<1x1x1x128xi32, #tpu.memory_space<vmem>>
        %dma_start3A_150 = tpu.memref_squeeze %dma_start3A_149 : memref<1x1x1x128xi32, #tpu.memory_space<vmem>> -> memref<128xi32, #tpu.memory_space<vmem>>
        %dma_start3A_151 = arith.constant 0 : i32
        %dma_start3A_152 = arith.constant 0 : i32
        %dma_start3A_153 = tpu.memref_slice %arg2[%arg0, %dma_start3A_151, %dma_start3A_152] : memref<2x10000x128xf32, #tpu.memory_space<hbm>> -> memref<1x10000x128xf32, #tpu.memory_space<hbm>>
        %dma_start3A_154 = tpu.memref_squeeze %dma_start3A_153 : memref<1x10000x128xf32, #tpu.memory_space<hbm>> -> memref<10000x128xf32, #tpu.memory_space<hbm>>
        %dma_start3A_155 = arith.constant 0 : i32
        %dma_start3A_156 = arith.constant 0 : i32
        %dma_start3A_157 = tpu.memref_slice %dma_start3A_154[%dma_start3A_155, %dma_start3A_156] : memref<10000x128xf32, #tpu.memory_space<hbm>> -> memref<10000x128xf32, #tpu.memory_space<hbm>>
        tpu.enqueue_indirect_dma source(%dma_start3A_157 : memref<10000x128xf32, #tpu.memory_space<hbm>>) target(%arg6 : memref<128x128xf32, #tpu.memory_space<vmem>>) offsets(%dma_start3A_150 : memref<128xi32, #tpu.memory_space<vmem>>) semaphore(%arg10 : memref<!tpu.dma_semaphore, #tpu.memory_space<semaphore_mem>>)
        %dma_start3A_158 = arith.constant 1 : i32
        %dma_start3A_159 = arith.constant 1 : i32
        %dma_start3A_160 = arith.constant 0 : i32
        %dma_start3A_161 = arith.constant 0 : i32
        %dma_start3A_162 = tpu.memref_slice %arg5[%dma_start3A_158, %dma_start3A_159, %dma_start3A_160, %dma_start3A_161] : memref<2x3x2x128xi32, #tpu.memory_space<vmem>> -> memref<1x1x1x128xi32, #tpu.memory_space<vmem>>
        %dma_start3A_163 = tpu.memref_squeeze %dma_start3A_162 : memref<1x1x1x128xi32, #tpu.memory_space<vmem>> -> memref<128xi32, #tpu.memory_space<vmem>>
        %dma_start3A_164 = arith.constant 0 : i32
        %dma_start3A_165 = arith.constant 0 : i32
        %dma_start3A_166 = tpu.memref_slice %arg2[%arg0, %dma_start3A_164, %dma_start3A_165] : memref<2x10000x128xf32, #tpu.memory_space<hbm>> -> memref<1x10000x128xf32, #tpu.memory_space<hbm>>
        %dma_start3A_167 = tpu.memref_squeeze %dma_start3A_166 : memref<1x10000x128xf32, #tpu.memory_space<hbm>> -> memref<10000x128xf32, #tpu.memory_space<hbm>>
        %dma_start3A_168 = arith.constant 0 : i32
        %dma_start3A_169 = arith.constant 0 : i32
        %dma_start3A_170 = tpu.memref_slice %dma_start3A_167[%dma_start3A_168, %dma_start3A_169] : memref<10000x128xf32, #tpu.memory_space<hbm>> -> memref<10000x128xf32, #tpu.memory_space<hbm>>
        tpu.enqueue_indirect_dma source(%dma_start3A_170 : memref<10000x128xf32, #tpu.memory_space<hbm>>) target(%arg7 : memref<128x128xf32, #tpu.memory_space<vmem>>) offsets(%dma_start3A_163 : memref<128xi32, #tpu.memory_space<vmem>>) semaphore(%arg11 : memref<!tpu.dma_semaphore, #tpu.memory_space<semaphore_mem>>)
        %dma_start3A_171 = arith.constant 1 : i32
        %dma_start3A_172 = arith.constant 2 : i32
        %dma_start3A_173 = arith.constant 0 : i32
        %dma_start3A_174 = arith.constant 0 : i32
        %dma_start3A_175 = tpu.memref_slice %arg5[%dma_start3A_171, %dma_start3A_172, %dma_start3A_173, %dma_start3A_174] : memref<2x3x2x128xi32, #tpu.memory_space<vmem>> -> memref<1x1x1x128xi32, #tpu.memory_space<vmem>>
        %dma_start3A_176 = tpu.memref_squeeze %dma_start3A_175 : memref<1x1x1x128xi32, #tpu.memory_space<vmem>> -> memref<128xi32, #tpu.memory_space<vmem>>
        %dma_start3A_177 = arith.constant 0 : i32
        %dma_start3A_178 = arith.constant 0 : i32
        %dma_start3A_179 = tpu.memref_slice %arg2[%arg0, %dma_start3A_177, %dma_start3A_178] : memref<2x10000x128xf32, #tpu.memory_space<hbm>> -> memref<1x10000x128xf32, #tpu.memory_space<hbm>>
        %dma_start3A_180 = tpu.memref_squeeze %dma_start3A_179 : memref<1x10000x128xf32, #tpu.memory_space<hbm>> -> memref<10000x128xf32, #tpu.memory_space<hbm>>
        %dma_start3A_181 = arith.constant 0 : i32
        %dma_start3A_182 = arith.constant 0 : i32
        %dma_start3A_183 = tpu.memref_slice %dma_start3A_180[%dma_start3A_181, %dma_start3A_182] : memref<10000x128xf32, #tpu.memory_space<hbm>> -> memref<10000x128xf32, #tpu.memory_space<hbm>>
        tpu.enqueue_indirect_dma source(%dma_start3A_183 : memref<10000x128xf32, #tpu.memory_space<hbm>>) target(%arg8 : memref<128x128xf32, #tpu.memory_space<vmem>>) offsets(%dma_start3A_176 : memref<128xi32, #tpu.memory_space<vmem>>) semaphore(%arg12 : memref<!tpu.dma_semaphore, #tpu.memory_space<semaphore_mem>>)
        %dma_wait3A_184 = arith.constant 1 : i32
        %dma_wait3A_185 = arith.constant 0 : i32
        %dma_wait3A_186 = arith.constant 0 : i32
        %dma_wait3A_187 = arith.constant 0 : i32
        %dma_wait3A_188 = tpu.memref_slice %arg5[%dma_wait3A_184, %dma_wait3A_185, %dma_wait3A_186, %dma_wait3A_187] : memref<2x3x2x128xi32, #tpu.memory_space<vmem>> -> memref<1x1x1x128xi32, #tpu.memory_space<vmem>>
        %dma_wait3A_189 = tpu.memref_squeeze %dma_wait3A_188 : memref<1x1x1x128xi32, #tpu.memory_space<vmem>> -> memref<128xi32, #tpu.memory_space<vmem>>
        %dma_wait3A_190 = arith.constant 0 : i32
        %dma_wait3A_191 = arith.constant 0 : i32
        %dma_wait3A_192 = tpu.memref_slice %arg2[%arg0, %dma_wait3A_190, %dma_wait3A_191] : memref<2x10000x128xf32, #tpu.memory_space<hbm>> -> memref<1x10000x128xf32, #tpu.memory_space<hbm>>
        %dma_wait3A_193 = tpu.memref_squeeze %dma_wait3A_192 : memref<1x10000x128xf32, #tpu.memory_space<hbm>> -> memref<10000x128xf32, #tpu.memory_space<hbm>>
        %dma_wait3A_194 = arith.constant 0 : i32
        %dma_wait3A_195 = arith.constant 0 : i32
        %dma_wait3A_196 = tpu.memref_slice %dma_wait3A_193[%dma_wait3A_194, %dma_wait3A_195] : memref<10000x128xf32, #tpu.memory_space<hbm>> -> memref<10000x128xf32, #tpu.memory_space<hbm>>
        tpu.wait_indirect_dma semaphore(%arg10 : memref<!tpu.dma_semaphore, #tpu.memory_space<semaphore_mem>>) src(%dma_wait3A_196 : memref<10000x128xf32, #tpu.memory_space<hbm>>) dst(%arg6 : memref<128x128xf32, #tpu.memory_space<vmem>>)
        %dma_start3A_197 = arith.constant 1 : i32
        %dma_start3A_198 = arith.constant 0 : i32
        %dma_start3A_199 = arith.constant 1 : i32
        %dma_start3A_200 = arith.constant 0 : i32
        %dma_start3A_201 = tpu.memref_slice %arg5[%dma_start3A_197, %dma_start3A_198, %dma_start3A_199, %dma_start3A_200] : memref<2x3x2x128xi32, #tpu.memory_space<vmem>> -> memref<1x1x1x128xi32, #tpu.memory_space<vmem>>
        %dma_start3A_202 = tpu.memref_squeeze %dma_start3A_201 : memref<1x1x1x128xi32, #tpu.memory_space<vmem>> -> memref<128xi32, #tpu.memory_space<vmem>>
        %dma_start3A_203 = arith.constant 0 : i32
        %dma_start3A_204 = arith.constant 0 : i32
        %dma_start3A_205 = tpu.memref_slice %arg9[%dma_start3A_203, %dma_start3A_204] : memref<10040x128xf32, #tpu.memory_space<vmem_shared>> -> memref<10040x128xf32, #tpu.memory_space<vmem_shared>>
        tpu.enqueue_indirect_dma source(%arg6 : memref<128x128xf32, #tpu.memory_space<vmem>>) target(%dma_start3A_205 : memref<10040x128xf32, #tpu.memory_space<vmem_shared>>) offsets(%dma_start3A_202 : memref<128xi32, #tpu.memory_space<vmem>>) semaphore(%arg13 : memref<!tpu.dma_semaphore, #tpu.memory_space<semaphore_mem>>) {add = true}
        %dma_wait3A_206 = arith.constant 1 : i32
        %dma_wait3A_207 = arith.constant 1 : i32
        %dma_wait3A_208 = arith.constant 0 : i32
        %dma_wait3A_209 = arith.constant 0 : i32
        %dma_wait3A_210 = tpu.memref_slice %arg5[%dma_wait3A_206, %dma_wait3A_207, %dma_wait3A_208, %dma_wait3A_209] : memref<2x3x2x128xi32, #tpu.memory_space<vmem>> -> memref<1x1x1x128xi32, #tpu.memory_space<vmem>>
        %dma_wait3A_211 = tpu.memref_squeeze %dma_wait3A_210 : memref<1x1x1x128xi32, #tpu.memory_space<vmem>> -> memref<128xi32, #tpu.memory_space<vmem>>
        %dma_wait3A_212 = arith.constant 0 : i32
        %dma_wait3A_213 = arith.constant 0 : i32
        %dma_wait3A_214 = tpu.memref_slice %arg2[%arg0, %dma_wait3A_212, %dma_wait3A_213] : memref<2x10000x128xf32, #tpu.memory_space<hbm>> -> memref<1x10000x128xf32, #tpu.memory_space<hbm>>
        %dma_wait3A_215 = tpu.memref_squeeze %dma_wait3A_214 : memref<1x10000x128xf32, #tpu.memory_space<hbm>> -> memref<10000x128xf32, #tpu.memory_space<hbm>>
        %dma_wait3A_216 = arith.constant 0 : i32
        %dma_wait3A_217 = arith.constant 0 : i32
        %dma_wait3A_218 = tpu.memref_slice %dma_wait3A_215[%dma_wait3A_216, %dma_wait3A_217] : memref<10000x128xf32, #tpu.memory_space<hbm>> -> memref<10000x128xf32, #tpu.memory_space<hbm>>
        tpu.wait_indirect_dma semaphore(%arg11 : memref<!tpu.dma_semaphore, #tpu.memory_space<semaphore_mem>>) src(%dma_wait3A_218 : memref<10000x128xf32, #tpu.memory_space<hbm>>) dst(%arg7 : memref<128x128xf32, #tpu.memory_space<vmem>>)
        %dma_start3A_219 = arith.constant 1 : i32
        %dma_start3A_220 = arith.constant 1 : i32
        %dma_start3A_221 = arith.constant 1 : i32
        %dma_start3A_222 = arith.constant 0 : i32
        %dma_start3A_223 = tpu.memref_slice %arg5[%dma_start3A_219, %dma_start3A_220, %dma_start3A_221, %dma_start3A_222] : memref<2x3x2x128xi32, #tpu.memory_space<vmem>> -> memref<1x1x1x128xi32, #tpu.memory_space<vmem>>
        %dma_start3A_224 = tpu.memref_squeeze %dma_start3A_223 : memref<1x1x1x128xi32, #tpu.memory_space<vmem>> -> memref<128xi32, #tpu.memory_space<vmem>>
        %dma_start3A_225 = arith.constant 0 : i32
        %dma_start3A_226 = arith.constant 0 : i32
        %dma_start3A_227 = tpu.memref_slice %arg9[%dma_start3A_225, %dma_start3A_226] : memref<10040x128xf32, #tpu.memory_space<vmem_shared>> -> memref<10040x128xf32, #tpu.memory_space<vmem_shared>>
        tpu.enqueue_indirect_dma source(%arg7 : memref<128x128xf32, #tpu.memory_space<vmem>>) target(%dma_start3A_227 : memref<10040x128xf32, #tpu.memory_space<vmem_shared>>) offsets(%dma_start3A_224 : memref<128xi32, #tpu.memory_space<vmem>>) semaphore(%arg14 : memref<!tpu.dma_semaphore, #tpu.memory_space<semaphore_mem>>) {add = true}
        %dma_wait3A_228 = arith.constant 1 : i32
        %dma_wait3A_229 = arith.constant 2 : i32
        %dma_wait3A_230 = arith.constant 0 : i32
        %dma_wait3A_231 = arith.constant 0 : i32
        %dma_wait3A_232 = tpu.memref_slice %arg5[%dma_wait3A_228, %dma_wait3A_229, %dma_wait3A_230, %dma_wait3A_231] : memref<2x3x2x128xi32, #tpu.memory_space<vmem>> -> memref<1x1x1x128xi32, #tpu.memory_space<vmem>>
        %dma_wait3A_233 = tpu.memref_squeeze %dma_wait3A_232 : memref<1x1x1x128xi32, #tpu.memory_space<vmem>> -> memref<128xi32, #tpu.memory_space<vmem>>
        %dma_wait3A_234 = arith.constant 0 : i32
        %dma_wait3A_235 = arith.constant 0 : i32
        %dma_wait3A_236 = tpu.memref_slice %arg2[%arg0, %dma_wait3A_234, %dma_wait3A_235] : memref<2x10000x128xf32, #tpu.memory_space<hbm>> -> memref<1x10000x128xf32, #tpu.memory_space<hbm>>
        %dma_wait3A_237 = tpu.memref_squeeze %dma_wait3A_236 : memref<1x10000x128xf32, #tpu.memory_space<hbm>> -> memref<10000x128xf32, #tpu.memory_space<hbm>>
        %dma_wait3A_238 = arith.constant 0 : i32
        %dma_wait3A_239 = arith.constant 0 : i32
        %dma_wait3A_240 = tpu.memref_slice %dma_wait3A_237[%dma_wait3A_238, %dma_wait3A_239] : memref<10000x128xf32, #tpu.memory_space<hbm>> -> memref<10000x128xf32, #tpu.memory_space<hbm>>
        tpu.wait_indirect_dma semaphore(%arg12 : memref<!tpu.dma_semaphore, #tpu.memory_space<semaphore_mem>>) src(%dma_wait3A_240 : memref<10000x128xf32, #tpu.memory_space<hbm>>) dst(%arg8 : memref<128x128xf32, #tpu.memory_space<vmem>>)
        %dma_start3A_241 = arith.constant 1 : i32
        %dma_start3A_242 = arith.constant 2 : i32
        %dma_start3A_243 = arith.constant 1 : i32
        %dma_start3A_244 = arith.constant 0 : i32
        %dma_start3A_245 = tpu.memref_slice %arg5[%dma_start3A_241, %dma_start3A_242, %dma_start3A_243, %dma_start3A_244] : memref<2x3x2x128xi32, #tpu.memory_space<vmem>> -> memref<1x1x1x128xi32, #tpu.memory_space<vmem>>
        %dma_start3A_246 = tpu.memref_squeeze %dma_start3A_245 : memref<1x1x1x128xi32, #tpu.memory_space<vmem>> -> memref<128xi32, #tpu.memory_space<vmem>>
        %dma_start3A_247 = arith.constant 0 : i32
        %dma_start3A_248 = arith.constant 0 : i32
        %dma_start3A_249 = tpu.memref_slice %arg9[%dma_start3A_247, %dma_start3A_248] : memref<10040x128xf32, #tpu.memory_space<vmem_shared>> -> memref<10040x128xf32, #tpu.memory_space<vmem_shared>>
        tpu.enqueue_indirect_dma source(%arg8 : memref<128x128xf32, #tpu.memory_space<vmem>>) target(%dma_start3A_249 : memref<10040x128xf32, #tpu.memory_space<vmem_shared>>) offsets(%dma_start3A_246 : memref<128xi32, #tpu.memory_space<vmem>>) semaphore(%arg15 : memref<!tpu.dma_semaphore, #tpu.memory_space<semaphore_mem>>) {add = true}
        %add3A_250 = arith.constant 1 : i32
        %add3A_251 = arith.addi %scan3A_122, %add3A_250 : i32
        %lt3A_252 = arith.constant 27 : i32
        %lt3A_253 = arith.cmpi slt, %add3A_251, %lt3A_252 : i32
        %convert_element_type3A_254 = arith.extui %lt3A_253 : i1 to i32
        %cond3A_255 = arith.constant 0 : i32
        %cond3A_256 = arith.cmpi ne, %convert_element_type3A_254, %cond3A_255 : i32
        scf.if %cond3A_256 {
          %add3A_257 = arith.constant 1 : i32
          %add3A_258 = arith.addi %scan3A_122, %add3A_257 : i32
          %mul3A_259 = arith.constant 3 : i32
          %mul3A_260 = arith.muli %add3A_258, %mul3A_259 : i32
          %dma_wait3A_261 = arith.constant 0 : i32
          %dma_wait3A_262 = arith.constant 0 : i32
          %dma_wait3A_263 = arith.constant 0 : i32
          %dma_wait3A_264 = arith.constant 0 : i32
          %dma_wait3A_265 = tpu.memref_slice %arg5[%dma_wait3A_261, %dma_wait3A_262, %dma_wait3A_263, %dma_wait3A_264] : memref<2x3x2x128xi32, #tpu.memory_space<vmem>> -> memref<1x3x2x128xi32, #tpu.memory_space<vmem>>
          %dma_wait3A_266 = tpu.memref_squeeze %dma_wait3A_265 : memref<1x3x2x128xi32, #tpu.memory_space<vmem>> -> memref<3x2x128xi32, #tpu.memory_space<vmem>>
          %dma_wait3A_267 = arith.constant 0 : i32
          %dma_wait3A_268 = arith.constant 0 : i32
          %dma_wait3A_269 = arith.constant 0 : i32
          %dma_wait3A_270 = tpu.memref_slice %arg3[%add3A, %dma_wait3A_267, %dma_wait3A_268, %dma_wait3A_269] : memref<32x81x2x128xi32, #tpu.memory_space<hbm>> -> memref<1x81x2x128xi32, #tpu.memory_space<hbm>>
          %dma_wait3A_271 = tpu.memref_squeeze %dma_wait3A_270 : memref<1x81x2x128xi32, #tpu.memory_space<hbm>> -> memref<81x2x128xi32, #tpu.memory_space<hbm>>
          %dma_wait3A_272 = arith.constant 0 : i32
          %dma_wait3A_273 = arith.constant 0 : i32
          %dma_wait3A_274 = tpu.memref_slice %dma_wait3A_271[%mul3A_260, %dma_wait3A_272, %dma_wait3A_273] : memref<81x2x128xi32, #tpu.memory_space<hbm>> -> memref<3x2x128xi32, #tpu.memory_space<hbm>>
          %dma_wait3A_275 = arith.constant 0 : i32
          %dma_wait3A_276 = arith.constant 0 : i32
          %dma_wait3A_277 = arith.constant 0 : i32
          %dma_wait3A_278 = tpu.memref_slice %arg5[%dma_wait3A_261, %dma_wait3A_275, %dma_wait3A_276, %dma_wait3A_277] : memref<2x3x2x128xi32, #tpu.memory_space<vmem>> -> memref<1x3x2x128xi32, #tpu.memory_space<vmem>>
          %dma_wait3A_279 = tpu.memref_squeeze %dma_wait3A_278 : memref<1x3x2x128xi32, #tpu.memory_space<vmem>> -> memref<3x2x128xi32, #tpu.memory_space<vmem>>
          %dma_wait3A_280 = arith.constant 0 : i32
          %dma_wait3A_281 = arith.constant 0 : i32
          %dma_wait3A_282 = arith.constant 0 : i32
          %dma_wait3A_283 = tpu.memref_slice %arg3[%add3A, %dma_wait3A_280, %dma_wait3A_281, %dma_wait3A_282] : memref<32x81x2x128xi32, #tpu.memory_space<hbm>> -> memref<1x81x2x128xi32, #tpu.memory_space<hbm>>
          %dma_wait3A_284 = tpu.memref_squeeze %dma_wait3A_283 : memref<1x81x2x128xi32, #tpu.memory_space<hbm>> -> memref<81x2x128xi32, #tpu.memory_space<hbm>>
          %dma_wait3A_285 = arith.constant 0 : i32
          %dma_wait3A_286 = arith.constant 0 : i32
          %dma_wait3A_287 = tpu.memref_slice %dma_wait3A_284[%mul3A_260, %dma_wait3A_285, %dma_wait3A_286] : memref<81x2x128xi32, #tpu.memory_space<hbm>> -> memref<3x2x128xi32, #tpu.memory_space<hbm>>
          tpu.wait_dma2 semaphore(%arg16 : memref<!tpu.dma_semaphore, #tpu.memory_space<semaphore_mem>>) src(%dma_wait3A_287 : memref<3x2x128xi32, #tpu.memory_space<hbm>>) dst(%dma_wait3A_279 : memref<3x2x128xi32, #tpu.memory_space<vmem>>)
        } else {
        }
      } else {
      }
    }
    %scan3A_83 = arith.constant 27 : i32
    %dma_wait3A_84 = arith.constant 0 : i32
    %dma_wait3A_85 = arith.constant 0 : i32
    %dma_wait3A_86 = arith.constant 1 : i32
    %dma_wait3A_87 = arith.constant 0 : i32
    %dma_wait3A_88 = tpu.memref_slice %arg5[%dma_wait3A_84, %dma_wait3A_85, %dma_wait3A_86, %dma_wait3A_87] : memref<2x3x2x128xi32, #tpu.memory_space<vmem>> -> memref<1x1x1x128xi32, #tpu.memory_space<vmem>>
    %dma_wait3A_89 = tpu.memref_squeeze %dma_wait3A_88 : memref<1x1x1x128xi32, #tpu.memory_space<vmem>> -> memref<128xi32, #tpu.memory_space<vmem>>
    %dma_wait3A_90 = arith.constant 0 : i32
    %dma_wait3A_91 = arith.constant 0 : i32
    %dma_wait3A_92 = tpu.memref_slice %arg9[%dma_wait3A_90, %dma_wait3A_91] : memref<10040x128xf32, #tpu.memory_space<vmem_shared>> -> memref<10040x128xf32, #tpu.memory_space<vmem_shared>>
    tpu.wait_indirect_dma semaphore(%arg13 : memref<!tpu.dma_semaphore, #tpu.memory_space<semaphore_mem>>) src(%arg6 : memref<128x128xf32, #tpu.memory_space<vmem>>) dst(%dma_wait3A_92 : memref<10040x128xf32, #tpu.memory_space<vmem_shared>>)
    %dma_wait3A_93 = arith.constant 0 : i32
    %dma_wait3A_94 = arith.constant 1 : i32
    %dma_wait3A_95 = arith.constant 1 : i32
    %dma_wait3A_96 = arith.constant 0 : i32
    %dma_wait3A_97 = tpu.memref_slice %arg5[%dma_wait3A_93, %dma_wait3A_94, %dma_wait3A_95, %dma_wait3A_96] : memref<2x3x2x128xi32, #tpu.memory_space<vmem>> -> memref<1x1x1x128xi32, #tpu.memory_space<vmem>>
    %dma_wait3A_98 = tpu.memref_squeeze %dma_wait3A_97 : memref<1x1x1x128xi32, #tpu.memory_space<vmem>> -> memref<128xi32, #tpu.memory_space<vmem>>
    %dma_wait3A_99 = arith.constant 0 : i32
    %dma_wait3A_100 = arith.constant 0 : i32
    %dma_wait3A_101 = tpu.memref_slice %arg9[%dma_wait3A_99, %dma_wait3A_100] : memref<10040x128xf32, #tpu.memory_space<vmem_shared>> -> memref<10040x128xf32, #tpu.memory_space<vmem_shared>>
    tpu.wait_indirect_dma semaphore(%arg14 : memref<!tpu.dma_semaphore, #tpu.memory_space<semaphore_mem>>) src(%arg7 : memref<128x128xf32, #tpu.memory_space<vmem>>) dst(%dma_wait3A_101 : memref<10040x128xf32, #tpu.memory_space<vmem_shared>>)
    %dma_wait3A_102 = arith.constant 0 : i32
    %dma_wait3A_103 = arith.constant 2 : i32
    %dma_wait3A_104 = arith.constant 1 : i32
    %dma_wait3A_105 = arith.constant 0 : i32
    %dma_wait3A_106 = tpu.memref_slice %arg5[%dma_wait3A_102, %dma_wait3A_103, %dma_wait3A_104, %dma_wait3A_105] : memref<2x3x2x128xi32, #tpu.memory_space<vmem>> -> memref<1x1x1x128xi32, #tpu.memory_space<vmem>>
    %dma_wait3A_107 = tpu.memref_squeeze %dma_wait3A_106 : memref<1x1x1x128xi32, #tpu.memory_space<vmem>> -> memref<128xi32, #tpu.memory_space<vmem>>
    %dma_wait3A_108 = arith.constant 0 : i32
    %dma_wait3A_109 = arith.constant 0 : i32
    %dma_wait3A_110 = tpu.memref_slice %arg9[%dma_wait3A_108, %dma_wait3A_109] : memref<10040x128xf32, #tpu.memory_space<vmem_shared>> -> memref<10040x128xf32, #tpu.memory_space<vmem_shared>>
    tpu.wait_indirect_dma semaphore(%arg15 : memref<!tpu.dma_semaphore, #tpu.memory_space<semaphore_mem>>) src(%arg8 : memref<128x128xf32, #tpu.memory_space<vmem>>) dst(%dma_wait3A_110 : memref<10040x128xf32, #tpu.memory_space<vmem_shared>>)
    %barrier3A_111 = arith.constant 0 : index
    tpu.barrier barrier_id(%barrier3A_111)
    %lt3A_112 = arith.constant 15 : i32
    %lt3A_113 = arith.cmpi slt, %arg1, %lt3A_112 : i32
    %convert_element_type3A_114 = arith.extui %lt3A_113 : i1 to i32
    %cond3A_115 = arith.constant 0 : i32
    %cond3A_116 = arith.cmpi ne, %convert_element_type3A_114, %cond3A_115 : i32
    scf.if %cond3A_116 {
      %mul3A_122 = arith.constant 632 : i32
      %mul3A_123 = arith.muli %arg1, %mul3A_122 : i32
      %mul3A_124 = arith.constant 632 : i32
      %mul3A_125 = arith.muli %arg1, %mul3A_124 : i32
      "tpu.region"() ({
        %run_scoped3A = tpu.sem_alloc : memref<!tpu.dma_semaphore, #tpu.memory_space<semaphore_mem>>
        %dma_start3A_126 = arith.constant 0 : i32
        %dma_start3A_127 = arith.constant 0 : i32
        %dma_start3A_128 = tpu.memref_slice %arg4[%arg0, %dma_start3A_126, %dma_start3A_127] : memref<2x10040x128xf32, #tpu.memory_space<hbm>> -> memref<1x10040x128xf32, #tpu.memory_space<hbm>>
        %dma_start3A_129 = tpu.memref_squeeze %dma_start3A_128 : memref<1x10040x128xf32, #tpu.memory_space<hbm>> -> memref<10040x128xf32, #tpu.memory_space<hbm>>
        %dma_start3A_130 = arith.constant 0 : i32
        %dma_start3A_131 = tpu.memref_slice %dma_start3A_129[%mul3A_125, %dma_start3A_130] : memref<10040x128xf32, #tpu.memory_space<hbm>> -> memref<632x128xf32, #tpu.memory_space<hbm>>
        %dma_start3A_132 = arith.constant 0 : i32
        %dma_start3A_133 = tpu.memref_slice %arg9[%mul3A_123, %dma_start3A_132] : memref<10040x128xf32, #tpu.memory_space<vmem_shared>> -> memref<632x128xf32, #tpu.memory_space<vmem_shared>>
        tpu.enqueue_dma source(%dma_start3A_133 : memref<632x128xf32, #tpu.memory_space<vmem_shared>>) target(%dma_start3A_131 : memref<632x128xf32, #tpu.memory_space<hbm>>) target_semaphore(%run_scoped3A : memref<!tpu.dma_semaphore, #tpu.memory_space<semaphore_mem>>)
        %dma_wait3A_134 = arith.constant 0 : i32
        %dma_wait3A_135 = arith.constant 0 : i32
        %dma_wait3A_136 = tpu.memref_slice %arg4[%arg0, %dma_wait3A_134, %dma_wait3A_135] : memref<2x10040x128xf32, #tpu.memory_space<hbm>> -> memref<1x10040x128xf32, #tpu.memory_space<hbm>>
        %dma_wait3A_137 = tpu.memref_squeeze %dma_wait3A_136 : memref<1x10040x128xf32, #tpu.memory_space<hbm>> -> memref<10040x128xf32, #tpu.memory_space<hbm>>
        %dma_wait3A_138 = arith.constant 0 : i32
        %dma_wait3A_139 = tpu.memref_slice %dma_wait3A_137[%mul3A_125, %dma_wait3A_138] : memref<10040x128xf32, #tpu.memory_space<hbm>> -> memref<632x128xf32, #tpu.memory_space<hbm>>
        %dma_wait3A_140 = arith.constant 0 : i32
        %dma_wait3A_141 = tpu.memref_slice %arg9[%mul3A_123, %dma_wait3A_140] : memref<10040x128xf32, #tpu.memory_space<vmem_shared>> -> memref<632x128xf32, #tpu.memory_space<vmem_shared>>
        tpu.wait_dma2 semaphore(%run_scoped3A : memref<!tpu.dma_semaphore, #tpu.memory_space<semaphore_mem>>) src(%dma_wait3A_141 : memref<632x128xf32, #tpu.memory_space<vmem_shared>>) dst(%dma_wait3A_139 : memref<632x128xf32, #tpu.memory_space<hbm>>)
        tpu.yield
      }) : () -> ()
    } else {
    }
    %eq3A_117 = arith.constant 15 : i32
    %eq3A_118 = arith.cmpi eq, %arg1, %eq3A_117 : i32
    %convert_element_type3A_119 = arith.extui %eq3A_118 : i1 to i32
    %cond3A_120 = arith.constant 0 : i32
    %cond3A_121 = arith.cmpi ne, %convert_element_type3A_119, %cond3A_120 : i32
    scf.if %cond3A_121 {
      "tpu.region"() ({
        %run_scoped3A = tpu.sem_alloc : memref<!tpu.dma_semaphore, #tpu.memory_space<semaphore_mem>>
        %dma_start3A_122 = arith.constant 0 : i32
        %dma_start3A_123 = arith.constant 0 : i32
        %dma_start3A_124 = tpu.memref_slice %arg4[%arg0, %dma_start3A_122, %dma_start3A_123] : memref<2x10040x128xf32, #tpu.memory_space<hbm>> -> memref<1x10040x128xf32, #tpu.memory_space<hbm>>
        %dma_start3A_125 = tpu.memref_squeeze %dma_start3A_124 : memref<1x10040x128xf32, #tpu.memory_space<hbm>> -> memref<10040x128xf32, #tpu.memory_space<hbm>>
        %dma_start3A_126 = arith.constant 9480 : i32
        %dma_start3A_127 = arith.constant 0 : i32
        %dma_start3A_128 = tpu.memref_slice %dma_start3A_125[%dma_start3A_126, %dma_start3A_127] : memref<10040x128xf32, #tpu.memory_space<hbm>> -> memref<560x128xf32, #tpu.memory_space<hbm>>
        %dma_start3A_129 = arith.constant 9480 : i32
        %dma_start3A_130 = arith.constant 0 : i32
        %dma_start3A_131 = tpu.memref_slice %arg9[%dma_start3A_129, %dma_start3A_130] : memref<10040x128xf32, #tpu.memory_space<vmem_shared>> -> memref<560x128xf32, #tpu.memory_space<vmem_shared>>
        tpu.enqueue_dma source(%dma_start3A_131 : memref<560x128xf32, #tpu.memory_space<vmem_shared>>) target(%dma_start3A_128 : memref<560x128xf32, #tpu.memory_space<hbm>>) target_semaphore(%run_scoped3A : memref<!tpu.dma_semaphore, #tpu.memory_space<semaphore_mem>>)
        %dma_wait3A_132 = arith.constant 0 : i32
        %dma_wait3A_133 = arith.constant 0 : i32
        %dma_wait3A_134 = tpu.memref_slice %arg4[%arg0, %dma_wait3A_132, %dma_wait3A_133] : memref<2x10040x128xf32, #tpu.memory_space<hbm>> -> memref<1x10040x128xf32, #tpu.memory_space<hbm>>
        %dma_wait3A_135 = tpu.memref_squeeze %dma_wait3A_134 : memref<1x10040x128xf32, #tpu.memory_space<hbm>> -> memref<10040x128xf32, #tpu.memory_space<hbm>>
        %dma_wait3A_136 = arith.constant 9480 : i32
        %dma_wait3A_137 = arith.constant 0 : i32
        %dma_wait3A_138 = tpu.memref_slice %dma_wait3A_135[%dma_wait3A_136, %dma_wait3A_137] : memref<10040x128xf32, #tpu.memory_space<hbm>> -> memref<560x128xf32, #tpu.memory_space<hbm>>
        %dma_wait3A_139 = arith.constant 9480 : i32
        %dma_wait3A_140 = arith.constant 0 : i32
        %dma_wait3A_141 = tpu.memref_slice %arg9[%dma_wait3A_139, %dma_wait3A_140] : memref<10040x128xf32, #tpu.memory_space<vmem_shared>> -> memref<560x128xf32, #tpu.memory_space<vmem_shared>>
        tpu.wait_dma2 semaphore(%run_scoped3A : memref<!tpu.dma_semaphore, #tpu.memory_space<semaphore_mem>>) src(%dma_wait3A_141 : memref<560x128xf32, #tpu.memory_space<vmem_shared>>) dst(%dma_wait3A_138 : memref<560x128xf32, #tpu.memory_space<hbm>>)
        tpu.yield
      }) : () -> ()
    } else {
    }
    return
  }
}

module attributes {stable_mosaic.version = 14 : i64} {
  func.func @_tc_layer1_body(%arg0: i32, %arg1: memref<2x2000x128xf32, #tpu.memory_space<vmem>>, %arg2: memref<2000x128xf32, #tpu.memory_space<vmem>>, %arg3: memref<128x128xf32, #tpu.memory_space<vmem>>, %arg4: memref<1x128xf32, #tpu.memory_space<vmem>>, %arg5: memref<128x128xf32, #tpu.memory_space<vmem>>, %arg6: memref<1x128xf32, #tpu.memory_space<vmem>>, %arg7: memref<2000x128xf32, #tpu.memory_space<vmem>>) attributes {dimension_semantics = [#tpu.dimension_semantics<arbitrary>], iteration_bounds = array<i64: 5>, scalar_prefetch = 0 : i64, scratch_operands = 0 : i64, tpu.core_type = #tpu.core_type<tc>, window_params = [{transform_indices = @transform_0, window_bounds = array<i64: 2, 2000, 128>}, {transform_indices = @transform_1, window_bounds = array<i64: 2000, 128>}, {pipeline_mode = #tpu.pipeline_mode<synchronous>, transform_indices = @transform_2, window_bounds = array<i64: 128, 128>}, {pipeline_mode = #tpu.pipeline_mode<synchronous>, transform_indices = @transform_3, window_bounds = array<i64: 1, 128>}, {pipeline_mode = #tpu.pipeline_mode<synchronous>, transform_indices = @transform_4, window_bounds = array<i64: 128, 128>}, {pipeline_mode = #tpu.pipeline_mode<synchronous>, transform_indices = @transform_5, window_bounds = array<i64: 1, 128>}, {transform_indices = @transform_6, window_bounds = array<i64: 2000, 128>}]} {
    %get3A = arith.constant 0 : index
    %get3A_0 = arith.constant 0 : index
    %get3A_1 = arith.constant 0 : index
    %get3A_2 = vector.load %arg1[%get3A, %get3A_0, %get3A_1] : memref<2x2000x128xf32, #tpu.memory_space<vmem>>, vector<1x2000x128xf32>
    %get3A_3 = vector.shape_cast %get3A_2 : vector<1x2000x128xf32> to vector<2000x128xf32>
    %get3A_4 = arith.constant 1 : index
    %get3A_5 = arith.constant 0 : index
    %get3A_6 = arith.constant 0 : index
    %get3A_7 = vector.load %arg1[%get3A_4, %get3A_5, %get3A_6] : memref<2x2000x128xf32, #tpu.memory_space<vmem>>, vector<1x2000x128xf32>
    %get3A_8 = vector.shape_cast %get3A_7 : vector<1x2000x128xf32> to vector<2000x128xf32>
    %add3A = arith.addf %get3A_3, %get3A_8 : vector<2000x128xf32>
    %get3A_9 = arith.constant 0 : index
    %get3A_10 = arith.constant 0 : index
    %get3A_11 = vector.load %arg2[%get3A_9, %get3A_10] : memref<2000x128xf32, #tpu.memory_space<vmem>>, vector<2000x128xf32>
    %add3A_12 = arith.addf %add3A, %get3A_11 : vector<2000x128xf32>
    %get3A_13 = arith.constant 0 : index
    %get3A_14 = arith.constant 0 : index
    %get3A_15 = vector.load %arg3[%get3A_13, %get3A_14] : memref<128x128xf32, #tpu.memory_space<vmem>>, vector<128x128xf32>
    %dot_general3A = arith.constant dense<0.000000e+00> : vector<2000x128xf32>
    %dot_general3A_16 = tpu.matmul %add3A_12, %get3A_15, %dot_general3A {dimension_numbers = #tpu.dot_dimension_numbers<[1], [0], [0], [1], [0, 0, 1, 1], [], []>, transpose_lhs_hint = false} : vector<2000x128xf32>, vector<128x128xf32>, vector<2000x128xf32> -> vector<2000x128xf32>
    %get3A_17 = arith.constant 0 : index
    %get3A_18 = arith.constant 0 : index
    %get3A_19 = vector.load %arg4[%get3A_17, %get3A_18] : memref<1x128xf32, #tpu.memory_space<vmem>>, vector<1x128xf32>
    %add3A_20 = vector.broadcast %get3A_19 : vector<1x128xf32> to vector<2000x128xf32>
    %add3A_21 = arith.addf %dot_general3A_16, %add3A_20 : vector<2000x128xf32>
    %max3A = arith.constant 0.000000e+00 : f32
    %max3A_22 = vector.broadcast %max3A : f32 to vector<2000x128xf32>
    %max3A_23 = arith.maximumf %add3A_21, %max3A_22 : vector<2000x128xf32>
    %get3A_24 = arith.constant 0 : index
    %get3A_25 = arith.constant 0 : index
    %get3A_26 = vector.load %arg5[%get3A_24, %get3A_25] : memref<128x128xf32, #tpu.memory_space<vmem>>, vector<128x128xf32>
    %dot_general3A_27 = arith.constant dense<0.000000e+00> : vector<2000x128xf32>
    %dot_general3A_28 = tpu.matmul %max3A_23, %get3A_26, %dot_general3A_27 {dimension_numbers = #tpu.dot_dimension_numbers<[1], [0], [0], [1], [0, 0, 1, 1], [], []>, transpose_lhs_hint = false} : vector<2000x128xf32>, vector<128x128xf32>, vector<2000x128xf32> -> vector<2000x128xf32>
    %get3A_29 = arith.constant 0 : index
    %get3A_30 = arith.constant 0 : index
    %get3A_31 = vector.load %arg6[%get3A_29, %get3A_30] : memref<1x128xf32, #tpu.memory_space<vmem>>, vector<1x128xf32>
    %add3A_32 = vector.broadcast %get3A_31 : vector<1x128xf32> to vector<2000x128xf32>
    %add3A_33 = arith.addf %dot_general3A_28, %add3A_32 : vector<2000x128xf32>
    %max3A_34 = arith.constant 0.000000e+00 : f32
    %max3A_35 = vector.broadcast %max3A_34 : f32 to vector<2000x128xf32>
    %max3A_36 = arith.maximumf %add3A_33, %max3A_35 : vector<2000x128xf32>
    %swap3A = arith.constant 0 : index
    %swap3A_37 = arith.constant 0 : index
    %swap3A_38 = vector.load %arg7[%swap3A, %swap3A_37] : memref<2000x128xf32, #tpu.memory_space<vmem>>, vector<2000x128xf32>
    tpu.vector_store %arg7[%swap3A, %swap3A_37], %max3A_36 {strides = array<i32>} : memref<2000x128xf32, #tpu.memory_space<vmem>>, vector<2000x128xf32>,
    return
  }
  func.func @transform_0(%arg0: i32) -> (i32, i32, i32) {
    %c0_i32 = arith.constant 0 : i32
    %c0_i32_0 = arith.constant 0 : i32
    %c0_i32_1 = arith.constant 0 : i32
    return %c0_i32, %arg0, %c0_i32_0 : i32, i32, i32
  }
  func.func @transform_1(%arg0: i32) -> (i32, i32) {
    %c0_i32 = arith.constant 0 : i32
    %c0_i32_0 = arith.constant 0 : i32
    return %arg0, %c0_i32 : i32, i32
  }
  func.func @transform_2(%arg0: i32) -> (i32, i32) {
    %c0_i32 = arith.constant 0 : i32
    %c0_i32_0 = arith.constant 0 : i32
    %c0_i32_1 = arith.constant 0 : i32
    return %c0_i32, %c0_i32_0 : i32, i32
  }
  func.func @transform_3(%arg0: i32) -> (i32, i32) {
    %c0_i32 = arith.constant 0 : i32
    %c0_i32_0 = arith.constant 0 : i32
    %c0_i32_1 = arith.constant 0 : i32
    return %c0_i32, %c0_i32_0 : i32, i32
  }
  func.func @transform_4(%arg0: i32) -> (i32, i32) {
    %c0_i32 = arith.constant 0 : i32
    %c0_i32_0 = arith.constant 0 : i32
    %c0_i32_1 = arith.constant 0 : i32
    return %c0_i32, %c0_i32_0 : i32, i32
  }
  func.func @transform_5(%arg0: i32) -> (i32, i32) {
    %c0_i32 = arith.constant 0 : i32
    %c0_i32_0 = arith.constant 0 : i32
    %c0_i32_1 = arith.constant 0 : i32
    return %c0_i32, %c0_i32_0 : i32, i32
  }
  func.func @transform_6(%arg0: i32) -> (i32, i32) {
    %c0_i32 = arith.constant 0 : i32
    %c0_i32_0 = arith.constant 0 : i32
    return %arg0, %c0_i32 : i32, i32
  }
}

module attributes {stable_mosaic.version = 14 : i64} {
  func.func @_tc_layer2_body(%arg0: i32, %arg1: memref<2x2000x128xf32, #tpu.memory_space<vmem>>, %arg2: memref<2000x128xf32, #tpu.memory_space<vmem>>, %arg3: memref<128x128xf32, #tpu.memory_space<vmem>>, %arg4: memref<1x128xf32, #tpu.memory_space<vmem>>, %arg5: memref<128x128xf32, #tpu.memory_space<vmem>>, %arg6: memref<1x128xf32, #tpu.memory_space<vmem>>, %arg7: memref<1x1x2000xi32, #tpu.memory_space<vmem>>, %arg8: memref<256x128xf32, #tpu.memory_space<vmem>>, %arg9: memref<1x128xf32, #tpu.memory_space<vmem>>, %arg10: memref<128x128xf32, #tpu.memory_space<vmem>>, %arg11: memref<1x128xf32, #tpu.memory_space<vmem>>, %arg12: memref<128x256xf32, #tpu.memory_space<vmem>>, %arg13: memref<128x128xf32, #tpu.memory_space<vmem>>, %arg14: memref<128x128xf32, #tpu.memory_space<vmem>>, %arg15: memref<128x128xf32, #tpu.memory_space<vmem>>) attributes {dimension_semantics = [#tpu.dimension_semantics<arbitrary>], iteration_bounds = array<i64: 5>, scalar_prefetch = 0 : i64, scratch_operands = 2 : i64, tpu.core_type = #tpu.core_type<tc>, window_params = [{transform_indices = @transform_0, window_bounds = array<i64: 2, 2000, 128>}, {transform_indices = @transform_1, window_bounds = array<i64: 2000, 128>}, {pipeline_mode = #tpu.pipeline_mode<synchronous>, transform_indices = @transform_2, window_bounds = array<i64: 128, 128>}, {pipeline_mode = #tpu.pipeline_mode<synchronous>, transform_indices = @transform_3, window_bounds = array<i64: 1, 128>}, {pipeline_mode = #tpu.pipeline_mode<synchronous>, transform_indices = @transform_4, window_bounds = array<i64: 128, 128>}, {pipeline_mode = #tpu.pipeline_mode<synchronous>, transform_indices = @transform_5, window_bounds = array<i64: 1, 128>}, {transform_indices = @transform_6, window_bounds = array<i64: 1, 1, 2000>}, {pipeline_mode = #tpu.pipeline_mode<synchronous>, transform_indices = @transform_7, window_bounds = array<i64: 256, 128>}, {pipeline_mode = #tpu.pipeline_mode<synchronous>, transform_indices = @transform_8, window_bounds = array<i64: 1, 128>}, {pipeline_mode = #tpu.pipeline_mode<synchronous>, transform_indices = @transform_9, window_bounds = array<i64: 128, 128>}, {pipeline_mode = #tpu.pipeline_mode<synchronous>, transform_indices = @transform_10, window_bounds = array<i64: 1, 128>}, {pipeline_mode = #tpu.pipeline_mode<synchronous>, transform_indices = @transform_11, window_bounds = array<i64: 128, 256>}, {pipeline_mode = #tpu.pipeline_mode<synchronous>, transform_indices = @transform_12, window_bounds = array<i64: 128, 128>}]} {
    %get3A = arith.constant 0 : index
    %get3A_0 = arith.constant 0 : index
    %get3A_1 = arith.constant 0 : index
    %get3A_2 = vector.load %arg1[%get3A, %get3A_0, %get3A_1] : memref<2x2000x128xf32, #tpu.memory_space<vmem>>, vector<1x2000x128xf32>
    %get3A_3 = vector.shape_cast %get3A_2 : vector<1x2000x128xf32> to vector<2000x128xf32>
    %get3A_4 = arith.constant 1 : index
    %get3A_5 = arith.constant 0 : index
    %get3A_6 = arith.constant 0 : index
    %get3A_7 = vector.load %arg1[%get3A_4, %get3A_5, %get3A_6] : memref<2x2000x128xf32, #tpu.memory_space<vmem>>, vector<1x2000x128xf32>
    %get3A_8 = vector.shape_cast %get3A_7 : vector<1x2000x128xf32> to vector<2000x128xf32>
    %add3A = arith.addf %get3A_3, %get3A_8 : vector<2000x128xf32>
    %get3A_9 = arith.constant 0 : index
    %get3A_10 = arith.constant 0 : index
    %get3A_11 = vector.load %arg2[%get3A_9, %get3A_10] : memref<2000x128xf32, #tpu.memory_space<vmem>>, vector<2000x128xf32>
    %add3A_12 = arith.addf %add3A, %get3A_11 : vector<2000x128xf32>
    %get3A_13 = arith.constant 0 : index
    %get3A_14 = arith.constant 0 : index
    %get3A_15 = vector.load %arg3[%get3A_13, %get3A_14] : memref<128x128xf32, #tpu.memory_space<vmem>>, vector<128x128xf32>
    %dot_general3A = arith.constant dense<0.000000e+00> : vector<2000x128xf32>
    %dot_general3A_16 = tpu.matmul %add3A_12, %get3A_15, %dot_general3A {dimension_numbers = #tpu.dot_dimension_numbers<[1], [0], [0], [1], [0, 0, 1, 1], [], []>, transpose_lhs_hint = false} : vector<2000x128xf32>, vector<128x128xf32>, vector<2000x128xf32> -> vector<2000x128xf32>
    %get3A_17 = arith.constant 0 : index
    %get3A_18 = arith.constant 0 : index
    %get3A_19 = vector.load %arg4[%get3A_17, %get3A_18] : memref<1x128xf32, #tpu.memory_space<vmem>>, vector<1x128xf32>
    %add3A_20 = vector.broadcast %get3A_19 : vector<1x128xf32> to vector<2000x128xf32>
    %add3A_21 = arith.addf %dot_general3A_16, %add3A_20 : vector<2000x128xf32>
    %max3A = arith.constant 0.000000e+00 : f32
    %max3A_22 = vector.broadcast %max3A : f32 to vector<2000x128xf32>
    %max3A_23 = arith.maximumf %add3A_21, %max3A_22 : vector<2000x128xf32>
    %get3A_24 = arith.constant 0 : index
    %get3A_25 = arith.constant 0 : index
    %get3A_26 = vector.load %arg5[%get3A_24, %get3A_25] : memref<128x128xf32, #tpu.memory_space<vmem>>, vector<128x128xf32>
    %dot_general3A_27 = arith.constant dense<0.000000e+00> : vector<2000x128xf32>
    %dot_general3A_28 = tpu.matmul %max3A_23, %get3A_26, %dot_general3A_27 {dimension_numbers = #tpu.dot_dimension_numbers<[1], [0], [0], [1], [0, 0, 1, 1], [], []>, transpose_lhs_hint = false} : vector<2000x128xf32>, vector<128x128xf32>, vector<2000x128xf32> -> vector<2000x128xf32>
    %get3A_29 = arith.constant 0 : index
    %get3A_30 = arith.constant 0 : index
    %get3A_31 = vector.load %arg6[%get3A_29, %get3A_30] : memref<1x128xf32, #tpu.memory_space<vmem>>, vector<1x128xf32>
    %add3A_32 = vector.broadcast %get3A_31 : vector<1x128xf32> to vector<2000x128xf32>
    %add3A_33 = arith.addf %dot_general3A_28, %add3A_32 : vector<2000x128xf32>
    %max3A_34 = arith.constant 0.000000e+00 : f32
    %max3A_35 = vector.broadcast %max3A_34 : f32 to vector<2000x128xf32>
    %max3A_36 = arith.maximumf %add3A_33, %max3A_35 : vector<2000x128xf32>
    %get3A_37 = arith.constant 0 : index
    %get3A_38 = arith.constant 0 : index
    %get3A_39 = arith.constant 0 : index
    %get3A_40 = vector.load %arg7[%get3A_37, %get3A_38, %get3A_39] : memref<1x1x2000xi32, #tpu.memory_space<vmem>>, vector<1x1x2000xi32>
    %get3A_41 = vector.shape_cast %get3A_40 : vector<1x1x2000xi32> to vector<1x2000xi32>
    %iota3A = tpu.iota {dimensions = array<i32: 0>} : vector<128x2000xi32>
    %eq3A = vector.broadcast %get3A_41 : vector<1x2000xi32> to vector<128x2000xi32>
    %eq3A_42 = arith.cmpi eq, %eq3A, %iota3A : vector<128x2000xi32>
    %convert_element_type3A = arith.extui %eq3A_42 : vector<128x2000xi1> to vector<128x2000xi32>
    %convert_element_type3A_43 = arith.sitofp %convert_element_type3A : vector<128x2000xi32> to vector<128x2000xf32>
    %get3A_44 = arith.constant 0 : index
    %get3A_45 = arith.constant 0 : index
    %get3A_46 = vector.load %arg2[%get3A_44, %get3A_45] : memref<2000x128xf32, #tpu.memory_space<vmem>>, vector<2000x128xf32>
    %dot_general3A_47 = arith.constant dense<0.000000e+00> : vector<128x128xf32>
    %dot_general3A_48 = tpu.matmul %convert_element_type3A_43, %get3A_46, %dot_general3A_47 {dimension_numbers = #tpu.dot_dimension_numbers<[1], [0], [0], [1], [0, 0, 1, 1], [], []>, transpose_lhs_hint = false} : vector<128x2000xf32>, vector<2000x128xf32>, vector<128x128xf32> -> vector<128x128xf32>
    %dot_general3A_49 = arith.constant dense<0.000000e+00> : vector<128x128xf32>
    %dot_general3A_50 = tpu.matmul %convert_element_type3A_43, %max3A_36, %dot_general3A_49 {dimension_numbers = #tpu.dot_dimension_numbers<[1], [0], [0], [1], [0, 0, 1, 1], [], []>, transpose_lhs_hint = false} : vector<128x2000xf32>, vector<2000x128xf32>, vector<128x128xf32> -> vector<128x128xf32>
    %eq3A_51 = arith.constant 0 : i32
    %eq3A_52 = arith.cmpi eq, %arg0, %eq3A_51 : i32
    %convert_element_type3A_53 = arith.extui %eq3A_52 : i1 to i32
    %cond3A = arith.constant 0 : i32
    %cond3A_54 = arith.cmpi ne, %convert_element_type3A_53, %cond3A : i32
    scf.if %cond3A_54 {
      %broadcast_in_dim3A = arith.constant 0.000000e+00 : f32
      %broadcast_in_dim3A_73 = vector.broadcast %broadcast_in_dim3A : f32 to vector<128x128xf32>
      %swap3A_74 = arith.constant 0 : index
      %swap3A_75 = arith.constant 0 : index
      %swap3A_76 = vector.load %arg14[%swap3A_74, %swap3A_75] : memref<128x128xf32, #tpu.memory_space<vmem>>, vector<128x128xf32>
      tpu.vector_store %arg14[%swap3A_74, %swap3A_75], %broadcast_in_dim3A_73 {strides = array<i32>} : memref<128x128xf32, #tpu.memory_space<vmem>>, vector<128x128xf32>,
      %broadcast_in_dim3A_77 = arith.constant 0.000000e+00 : f32
      %broadcast_in_dim3A_78 = vector.broadcast %broadcast_in_dim3A_77 : f32 to vector<128x128xf32>
      %swap3A_79 = arith.constant 0 : index
      %swap3A_80 = arith.constant 0 : index
      %swap3A_81 = vector.load %arg15[%swap3A_79, %swap3A_80] : memref<128x128xf32, #tpu.memory_space<vmem>>, vector<128x128xf32>
      tpu.vector_store %arg15[%swap3A_79, %swap3A_80], %broadcast_in_dim3A_78 {strides = array<i32>} : memref<128x128xf32, #tpu.memory_space<vmem>>, vector<128x128xf32>,
    } else {
    }
    %get3A_55 = arith.constant 0 : index
    %get3A_56 = arith.constant 0 : index
    %get3A_57 = vector.load %arg14[%get3A_55, %get3A_56] : memref<128x128xf32, #tpu.memory_space<vmem>>, vector<128x128xf32>
    %add3A_58 = arith.addf %get3A_57, %dot_general3A_48 : vector<128x128xf32>
    %swap3A = arith.constant 0 : index
    %swap3A_59 = arith.constant 0 : index
    %swap3A_60 = vector.load %arg14[%swap3A, %swap3A_59] : memref<128x128xf32, #tpu.memory_space<vmem>>, vector<128x128xf32>
    tpu.vector_store %arg14[%swap3A, %swap3A_59], %add3A_58 {strides = array<i32>} : memref<128x128xf32, #tpu.memory_space<vmem>>, vector<128x128xf32>,
    %get3A_61 = arith.constant 0 : index
    %get3A_62 = arith.constant 0 : index
    %get3A_63 = vector.load %arg15[%get3A_61, %get3A_62] : memref<128x128xf32, #tpu.memory_space<vmem>>, vector<128x128xf32>
    %add3A_64 = arith.addf %get3A_63, %dot_general3A_50 : vector<128x128xf32>
    %swap3A_65 = arith.constant 0 : index
    %swap3A_66 = arith.constant 0 : index
    %swap3A_67 = vector.load %arg15[%swap3A_65, %swap3A_66] : memref<128x128xf32, #tpu.memory_space<vmem>>, vector<128x128xf32>
    tpu.vector_store %arg15[%swap3A_65, %swap3A_66], %add3A_64 {strides = array<i32>} : memref<128x128xf32, #tpu.memory_space<vmem>>, vector<128x128xf32>,
    %eq3A_68 = arith.constant 4 : i32
    %eq3A_69 = arith.cmpi eq, %arg0, %eq3A_68 : i32
    %convert_element_type3A_70 = arith.extui %eq3A_69 : i1 to i32
    %cond3A_71 = arith.constant 0 : i32
    %cond3A_72 = arith.cmpi ne, %convert_element_type3A_70, %cond3A_71 : i32
    scf.if %cond3A_72 {
      %get3A_73 = arith.constant 0 : index
      %get3A_74 = arith.constant 0 : index
      %get3A_75 = vector.load %arg14[%get3A_73, %get3A_74] : memref<128x128xf32, #tpu.memory_space<vmem>>, vector<128x128xf32>
      %get3A_76 = arith.constant 0 : index
      %get3A_77 = arith.constant 0 : index
      %get3A_78 = vector.load %arg15[%get3A_76, %get3A_77] : memref<128x128xf32, #tpu.memory_space<vmem>>, vector<128x128xf32>
      %concatenate3A = tpu.concatenate %get3A_75, %get3A_78 in 1 : vector<128x128xf32>, vector<128x128xf32> -> vector<128x256xf32>
      %get3A_79 = arith.constant 0 : index
      %get3A_80 = arith.constant 0 : index
      %get3A_81 = vector.load %arg8[%get3A_79, %get3A_80] : memref<256x128xf32, #tpu.memory_space<vmem>>, vector<256x128xf32>
      %dot_general3A_82 = arith.constant dense<0.000000e+00> : vector<128x128xf32>
      %dot_general3A_83 = tpu.matmul %concatenate3A, %get3A_81, %dot_general3A_82 {dimension_numbers = #tpu.dot_dimension_numbers<[1], [0], [0], [1], [0, 0, 1, 1], [], []>, transpose_lhs_hint = false} : vector<128x256xf32>, vector<256x128xf32>, vector<128x128xf32> -> vector<128x128xf32>
      %get3A_84 = arith.constant 0 : index
      %get3A_85 = arith.constant 0 : index
      %get3A_86 = vector.load %arg9[%get3A_84, %get3A_85] : memref<1x128xf32, #tpu.memory_space<vmem>>, vector<1x128xf32>
      %add3A_87 = vector.broadcast %get3A_86 : vector<1x128xf32> to vector<128x128xf32>
      %add3A_88 = arith.addf %dot_general3A_83, %add3A_87 : vector<128x128xf32>
      %max3A_89 = arith.constant 0.000000e+00 : f32
      %max3A_90 = vector.broadcast %max3A_89 : f32 to vector<128x128xf32>
      %max3A_91 = arith.maximumf %add3A_88, %max3A_90 : vector<128x128xf32>
      %get3A_92 = arith.constant 0 : index
      %get3A_93 = arith.constant 0 : index
      %get3A_94 = vector.load %arg10[%get3A_92, %get3A_93] : memref<128x128xf32, #tpu.memory_space<vmem>>, vector<128x128xf32>
      %dot_general3A_95 = arith.constant dense<0.000000e+00> : vector<128x128xf32>
      %dot_general3A_96 = tpu.matmul %max3A_91, %get3A_94, %dot_general3A_95 {dimension_numbers = #tpu.dot_dimension_numbers<[1], [0], [0], [1], [0, 0, 1, 1], [], []>, transpose_lhs_hint = false} : vector<128x128xf32>, vector<128x128xf32>, vector<128x128xf32> -> vector<128x128xf32>
      %get3A_97 = arith.constant 0 : index
      %get3A_98 = arith.constant 0 : index
      %get3A_99 = vector.load %arg11[%get3A_97, %get3A_98] : memref<1x128xf32, #tpu.memory_space<vmem>>, vector<1x128xf32>
      %add3A_100 = vector.broadcast %get3A_99 : vector<1x128xf32> to vector<128x128xf32>
      %add3A_101 = arith.addf %dot_general3A_96, %add3A_100 : vector<128x128xf32>
      %swap3A_102 = arith.constant 0 : index
      %swap3A_103 = arith.constant 0 : index
      %swap3A_104 = vector.load %arg13[%swap3A_102, %swap3A_103] : memref<128x128xf32, #tpu.memory_space<vmem>>, vector<128x128xf32>
      tpu.vector_store %arg13[%swap3A_102, %swap3A_103], %add3A_101 {strides = array<i32>} : memref<128x128xf32, #tpu.memory_space<vmem>>, vector<128x128xf32>,
      %swap3A_105 = arith.constant 0 : index
      %swap3A_106 = arith.constant 0 : index
      %swap3A_107 = vector.load %arg12[%swap3A_105, %swap3A_106] : memref<128x256xf32, #tpu.memory_space<vmem>>, vector<128x256xf32>
      tpu.vector_store %arg12[%swap3A_105, %swap3A_106], %concatenate3A {strides = array<i32>} : memref<128x256xf32, #tpu.memory_space<vmem>>, vector<128x256xf32>,
    } else {
    }
    return
  }
  func.func @transform_0(%arg0: i32) -> (i32, i32, i32) {
    %c0_i32 = arith.constant 0 : i32
    %c0_i32_0 = arith.constant 0 : i32
    %c0_i32_1 = arith.constant 0 : i32
    return %c0_i32, %arg0, %c0_i32_0 : i32, i32, i32
  }
  func.func @transform_1(%arg0: i32) -> (i32, i32) {
    %c0_i32 = arith.constant 0 : i32
    %c0_i32_0 = arith.constant 0 : i32
    return %arg0, %c0_i32 : i32, i32
  }
  func.func @transform_2(%arg0: i32) -> (i32, i32) {
    %c0_i32 = arith.constant 0 : i32
    %c0_i32_0 = arith.constant 0 : i32
    %c0_i32_1 = arith.constant 0 : i32
    return %c0_i32, %c0_i32_0 : i32, i32
  }
  func.func @transform_3(%arg0: i32) -> (i32, i32) {
    %c0_i32 = arith.constant 0 : i32
    %c0_i32_0 = arith.constant 0 : i32
    %c0_i32_1 = arith.constant 0 : i32
    return %c0_i32, %c0_i32_0 : i32, i32
  }
  func.func @transform_4(%arg0: i32) -> (i32, i32) {
    %c0_i32 = arith.constant 0 : i32
    %c0_i32_0 = arith.constant 0 : i32
    %c0_i32_1 = arith.constant 0 : i32
    return %c0_i32, %c0_i32_0 : i32, i32
  }
  func.func @transform_5(%arg0: i32) -> (i32, i32) {
    %c0_i32 = arith.constant 0 : i32
    %c0_i32_0 = arith.constant 0 : i32
    %c0_i32_1 = arith.constant 0 : i32
    return %c0_i32, %c0_i32_0 : i32, i32
  }
  func.func @transform_6(%arg0: i32) -> (i32, i32, i32) {
    %c0_i32 = arith.constant 0 : i32
    %c0_i32_0 = arith.constant 0 : i32
    %c0_i32_1 = arith.constant 0 : i32
    return %arg0, %c0_i32, %c0_i32_0 : i32, i32, i32
  }
  func.func @transform_7(%arg0: i32) -> (i32, i32) {
    %c0_i32 = arith.constant 0 : i32
    %c0_i32_0 = arith.constant 0 : i32
    %c0_i32_1 = arith.constant 0 : i32
    return %c0_i32, %c0_i32_0 : i32, i32
  }
  func.func @transform_8(%arg0: i32) -> (i32, i32) {
    %c0_i32 = arith.constant 0 : i32
    %c0_i32_0 = arith.constant 0 : i32
    %c0_i32_1 = arith.constant 0 : i32
    return %c0_i32, %c0_i32_0 : i32, i32
  }
  func.func @transform_9(%arg0: i32) -> (i32, i32) {
    %c0_i32 = arith.constant 0 : i32
    %c0_i32_0 = arith.constant 0 : i32
    %c0_i32_1 = arith.constant 0 : i32
    return %c0_i32, %c0_i32_0 : i32, i32
  }
  func.func @transform_10(%arg0: i32) -> (i32, i32) {
    %c0_i32 = arith.constant 0 : i32
    %c0_i32_0 = arith.constant 0 : i32
    %c0_i32_1 = arith.constant 0 : i32
    return %c0_i32, %c0_i32_0 : i32, i32
  }
  func.func @transform_11(%arg0: i32) -> (i32, i32) {
    %c0_i32 = arith.constant 0 : i32
    %c0_i32_0 = arith.constant 0 : i32
    %c0_i32_1 = arith.constant 0 : i32
    return %c0_i32, %c0_i32_0 : i32, i32
  }
  func.func @transform_12(%arg0: i32) -> (i32, i32) {
    %c0_i32 = arith.constant 0 : i32
    %c0_i32_0 = arith.constant 0 : i32
    %c0_i32_1 = arith.constant 0 : i32
    return %c0_i32, %c0_i32_0 : i32, i32
  }
}

</mosaic_0001>

<sc_bundles>
// kernel: kernel.6.cloned.1.call-start
scs
__scs_entry_jumppad:
0x0: {  	(pc) =	sbr.rel $0x88, $3  }
0x1: {  	(tag) =	ssettag $0x0;
	lr =	simm.s32 $0x1  }
0x2: {  	[smem:$0x3F92] =	sst lr;
	_ =	strace $0xD0000000  }
0x3: {  	_ = 	snop  }
0x4: {  	_ = 	snop  }
0x5: {  	_ = 	snop  }
0x6: {  	_ = 	snop  }
0x7: {  	_ = 	snop  }
__scs_overlays_trampoline_lowered:
0x8: {  	[smem:$0x3FA1] =	sst s0  }
0x9: {  	[smem:$0x3FA2] =	sst s1  }
0xa: {  	[smem:$0x3FA3] =	sst s2  }
0xb: {  	[smem:$0x3FA4] =	sst s3  }
0xc: {  	[smem:$0x3FA5] =	sst s4  }
0xd: {  	[smem:$0x3FA6] =	sst s5  }
0xe: {  	[smem:$0x3FA7] =	sst s6  }
0xf: {  	[smem:$0x3FA8] =	sst s7  }
0x10: {  	[smem:$0x3FA9] =	sst s8  }
0x11: {  	[smem:$0x3FAA] =	sst s9;
	s0 =	simm.s32 @!p0 $0x0  }
0x12: {  	s1 =	sld [smem:$0x3F90];
	s0 =	simm.s32 @p0 $0x1  }
0x13: {  	[smem:$0x3FAB] =	sst s0;
	s0 =	simm.s32 @!p1 $0x0  }
0x14: {  	s2 =	sld [smem:$0x3F8F];
	s0 =	simm.s32 @p1 $0x1  }
0x15: {  	[smem:$0x3FAC] =	sst s0;
	s0 =	simm.s32 @!p2 $0x0  }
0x16: {  	s3 =	sld [smem:$0x3FDB];
	s0 =	simm.s32 @p2 $0x1  }
0x17: {  	s4 =	simm.s32 $0x1BF5;
	[smem:$0x3FAE] =	sst s0  }
0x18: {  	s0 =	sld [smem:$0x3F91];
	_ =	swait.ge [sflag:s4], $0x0  }
0x19: {  	s7 =	sld [smem:$0x3F92]  }
0x1a: {  	s8 =	sadd.s32 $0xFFFFE003, lr  }
0x1b: {  	s9 =	sadd.s32 $0xFFFFFEF7, lr;
	s5 =	simm.s32 $0xFFFFFFFF;
	p2 =	slt.u32 s8, $0xFFFFF086  }
0x1c: {  	p1 =	slt.u32 s9, $0xF7A;
	s5 =	simm.s32 @!p2 $0x0  }
0x1d: {  	s5 =	simm.s32 @p1 $0x1;
	p0 =	seq.s32 s7, s2  }
0x1e: {  	s7 =	smul.u32 @!p0 $0xF7A, s2;
	p2 =	seq.s32 @!p0 s5, $0x0  }
0x1f: {  	s9 =	smul.u32 $0xF7A, s1;
	s8 =	simm.s32 @!p0 $0x1BF5;
	p2 =	por !p2, p0  }
0x20: {  	[sflag:s8] =	ssyncset.s32 @!p0 $0xFFFFF086;
	s6 =	sadd.s32 @!p0 s3, s7;
	s7 =	simm.s32 @!p0 $0x108  }
0x21: {  	s3 =	sadd.s32 s3, s9;
	s6 =	sadd.s32 @!p0 $0x88, s6;
	s7 =	simm.s32 @p2 $0x1082  }
0x22: {  	[simem:s7], [sflag:s8] =	dma.local @!p0 [hbm:s6], $0xF7A  }
0x23: {  	s9 =	sor.u32 $0xD0000000, s2;
	s6 =	simm.s32 $0x108;
	_ =	swait.ge @!p0 [sflag:s8], $0x0  }
0x24: {  	s3 =	sadd.s32 $0x88, s3;
	s6 =	simm.s32 @!p1 $0x1082;
	[sflag:s4] =	ssyncset.s32 $0xFFFFF086  }
0x25: {  	[simem:s6], [sflag:s4] =	dma.local [hbm:s3], $0xF7A  }
0x26: {  	[smem:$0x3F92] =	sst s1;
	(tag) =	ssettag s2;
	_ =	strace s9  }
0x27: {  	s1 =	sld [smem:$0x3FA2]  }
0x28: {  	s2 =	sld [smem:$0x3FA3]  }
0x29: {  	s4 =	sld [smem:$0x3FA5]  }
0x2a: {  	p0 =	seq.s32 s5, $0x0;
	s5 =	sld [smem:$0x3FA6]  }
0x2b: {  	s6 =	sld [smem:$0x3FA7]  }
0x2c: {  	s7 =	sld [smem:$0x3FA8]  }
0x2d: {  	s3 =	simm.s32 $0x108;
	s8 =	sld [smem:$0x3FA9]  }
0x2e: {  	s3 =	simm.s32 @!p0 $0x1082;
	s9 =	sld [smem:$0x3FAA]  }
0x2f: {  	lr =	sadd.s32 s0, s3;
	s0 =	sld [smem:$0x3FA1]  }
0x30: {  	s3 =	sld [smem:$0x3FA4]  }
0x31: {  	[smem:$0x3FAD] =	sst s10  }
0x32: {  	s10 =	sld [smem:$0x3FAB];
	_ =	sdelay $0x3  }
0x33: {  	p0 =	seq.s32 s10, $0x1;
	s10 =	sld [smem:$0x3FAD];
	_ =	sdelay $0x3  }
0x34: {  	[smem:$0x3FAD] =	sst s10  }
0x35: {  	s10 =	sld [smem:$0x3FAC];
	_ =	sdelay $0x3  }
0x36: {  	p1 =	seq.s32 s10, $0x1;
	s10 =	sld [smem:$0x3FAD];
	_ =	sdelay $0x3  }
0x37: {  	[smem:$0x3FAD] =	sst s10  }
0x38: {  	s10 =	sld [smem:$0x3FAE]  }
0x39: {  	_ = 	snop;
	(pc) =	sbr.ind lr, $3  }
0x3a: {  	_ = 	snop  }
0x3b: {  	_ = 	snop  }
0x3c: {  	p2 =	seq.s32 s10, $0x1;
	s10 =	sld [smem:$0x3FAD]  }
0x3d: {  	_ =	shalt  }
0x3e: {  	_ =	shalt  }
0x3f: {  	_ =	shalt  }
0x40: {  	_ =	shalt  }
0x41: {  	_ =	shalt  }
0x42: {  	_ =	shalt  }
0x43: {  	_ =	shalt  }
0x44: {  	_ =	shalt  }
0x45: {  	_ =	shalt  }
0x46: {  	_ =	shalt  }
0x47: {  	_ =	shalt  }
0x48: {  	_ =	shalt  }
0x49: {  	_ =	shalt  }
0x4a: {  	_ =	shalt  }
0x4b: {  	_ =	shalt  }
0x4c: {  	_ =	shalt  }
0x4d: {  	_ =	shalt  }
0x4e: {  	_ =	shalt  }
0x4f: {  	_ =	shalt  }
0x50: {  	_ =	shalt  }
0x51: {  	_ =	shalt  }
0x52: {  	_ =	shalt  }
0x53: {  	_ =	shalt  }
0x54: {  	_ =	shalt  }
0x55: {  	_ =	shalt  }
0x56: {  	_ =	shalt  }
0x57: {  	_ =	shalt  }
0x58: {  	_ =	shalt  }
0x59: {  	_ =	shalt  }
0x5a: {  	_ =	shalt  }
0x5b: {  	_ =	shalt  }
0x5c: {  	_ =	shalt  }
0x5d: {  	_ =	shalt  }
0x5e: {  	_ =	shalt  }
0x5f: {  	_ =	shalt  }
0x60: {  	_ =	shalt  }
0x61: {  	_ =	shalt  }
0x62: {  	_ =	shalt  }
0x63: {  	_ =	shalt  }
0x64: {  	_ =	shalt  }
0x65: {  	_ =	shalt  }
0x66: {  	_ =	shalt  }
0x67: {  	_ =	shalt  }
0x68: {  	_ =	shalt  }
0x69: {  	_ =	shalt  }
0x6a: {  	_ =	shalt  }
0x6b: {  	_ =	shalt  }
0x6c: {  	_ =	shalt  }
0x6d: {  	_ =	shalt  }
0x6e: {  	_ =	shalt  }
0x6f: {  	_ =	shalt  }
0x70: {  	_ =	shalt  }
0x71: {  	_ =	shalt  }
0x72: {  	_ =	shalt  }
0x73: {  	_ =	shalt  }
0x74: {  	_ =	shalt  }
0x75: {  	_ =	shalt  }
0x76: {  	_ =	shalt  }
0x77: {  	_ =	shalt  }
0x78: {  	_ =	shalt  }
0x79: {  	_ =	shalt  }
0x7a: {  	_ =	shalt  }
0x7b: {  	_ =	shalt  }
0x7c: {  	_ =	shalt  }
0x7d: {  	_ =	shalt  }
0x7e: {  	_ =	shalt  }
0x7f: {  	_ =	shalt  }
0x80: {  	_ =	shalt  }
0x81: {  	_ =	shalt  }
0x82: {  	_ =	shalt  }
0x83: {  	_ =	shalt  }
0x84: {  	_ =	shalt  }
0x85: {  	_ =	shalt  }
0x86: {  	_ =	shalt  }
0x87: {  	_ =	shalt  }
.Lfunc_end0:
.L_simem_size_0:
called_computation_lowered:
.L_overlay_start_0:
0x88: {  	s2 =	sld [smem:$0x3FD9]  }
0x89: {  	s3 =	sld [smem:$0x3FFE];
	_ =	sdelay $0x1  }
0x8a: {  	s1 =	srdreg.scid  }
0x8b: {  	s0 =	sand.u32 $0x1, s1  }
0x8c: {  	s14 =	sshll.u32 s0, $0xA;
	s2 =	sadd.s32 s3, s2  }
0x8d: {  	s2 =	sadd.s32 s2, s14  }
0x8e: {  	[smem:$0x3FB9] =	sst s2  }
0x8f: {  	_ = 	snop  }
0x90: {  	s2 =	sld [smem:$0x3FD0];
	_ =	sdelay $0x2  }
0x91: {  	s15 =	simm.s32 $0xA;
	s4 =	simm.s32 $0x10  }
0x92: {  	[smem:s4], [sflag:s15] =	dma.local [hbm:s2], $0x1  }
0x93: {  	_ =	swait.eq [sflag:s15], $0x1  }
0x94: {  	[sflag:s15] =	ssyncset.done $0x0  }
0x95: {  	[sflag:s15] =	ssyncadd.s32 $0xFFFFFFFF  }
0x96: {  	s16 =	sld [smem:$0x12];
	(tm) =	ssettm $0x1  }
0x97: {  	s17 =	sld [smem:$0x3FFB];
	_ =	sdelay $0x3  }
0x98: {  	_ =	strace s17  }
0x99: {  	s3 =	sld [smem:$0x3FFC];
	_ =	sdelay $0x3  }
0x9a: {  	_ =	strace s3  }
0x9b: {  	s3 =	sld [smem:$0x3FFD];
	_ =	sdelay $0x3  }
0x9c: {  	_ =	strace s3  }
0x9d: {  	_ =	strace $0x8FFFFFFF  }
0x9e: {  	s18 =	sld [smem:$0x3FDB];
	_ =	sdelay $0x1  }
0x9f: {  	s19 =	simm.s32 $_scs_section_size  }
0xa0: {  	s5 =	simm.s32 $_size__tile_overlayer_lowered;
	s6 =	simm.s32 $_tile_overlayer_lowered  }
0xa1: {  	s22 =	simm.s32 $0x1BFF;
	s21 =	sshll.u32 s6, $0x1;
	s3 =	sadd.s32 s19, s18  }
0xa2: {  	s7 =	simm.s32 $0x0;
	s20 =	sshll.u32 s5, $0x1;
	s5 =	sadd.s32 s21, s3  }
0xa3: {  	[timem:s7], [sflag:s22] =	dma.local [hbm:s5], s20  }
0xa4: {  	_ =	swait.ge [sflag:s22], s20  }
0xa5: {  	s4 =	ssub.s32 $0x0, s20;
	[sflag:s22] =	ssyncset.done $0x0  }
0xa6: {  	[sflag:s22] =	ssyncadd.s32 s4;
	_ =	sdelay $0x1  }
0xa7: {  	s23 =	simm.s32 $0x1B8B  }
0xa8: {  	_ =	swait.ge [sflag:s23], $0x1  }
0xa9: {  	[sflag:s23] =	ssyncset.done $0x0  }
0xaa: {  	s25 =	simm.s32 $0x1B8E;
	s24 =	sld [smem:$0x3FFE];
	[sflag:s23] =	ssyncadd.s32 $0xFFFFFFFF  }
0xab: {  	s26 =	simm.s32 $execute0_lowered;
	[smem:$0x3FD2] =	sst s25  }
0xac: {  	s5 =	sshll.u32 s26, $0x1;
	_ =	strace $0x80000046;
	[dreg:$0x1] =	wrdreg $0xFFFFFFFF  }
0xad: {  	s28 =	simm.s32 $_size_execute0_lowered;
	s3 =	sadd.s32 s3, s5;
	[dreg:$0x0] =	wrdreg $0x0  }
0xae: {  	s5 =	sshll.u32 s28, $0x1;
	[dreg:$0x2] =	wrdreg s3  }
0xaf: {  	[dreg:$0x3] =	wrdreg s5  }
0xb0: {  	[dreg:$0x4] =	wrdreg $0xC0  }
0xb1: {  	_ =	task [dreg:s7], $0x5FFFF  }
0xb2: {  	[dreg:$0x1] =	wrdreg $0xFFFFFFFF  }
0xb3: {  	[dreg:$0x0] =	wrdreg $0x60  }
0xb4: {  	[dreg:$0x2] =	wrdreg s24  }
0xb5: {  	[dreg:$0x3] =	wrdreg s16  }
0xb6: {  	[dreg:$0x4] =	wrdreg $0xC6000  }
0xb7: {  	[dreg:$0x5] =	wrdreg $0x9  }
0xb8: {  	_ =	task.clear_ibuf [dreg:s7], $0x6FFFF;
	_ =	strace $0x90000046  }
0xb9: {  	s29 =	simm.s32 $0x9;
	_ =	strace $0x80000048  }
0xba: {  	_ =	swait.ge [sflag:s29], $0x1  }
0xbb: {  	[sflag:s29] =	ssyncadd.s32 $0xFFFFFFFF  }
0xbc: {  	_ =	strace $0x90000048  }
0xbd: {  	_ =	sfence  }
0xbe: {  	s30 =	sld [smem:$0x0];
	_ =	sdelay $0x2  }
0xbf: {  	s31 =	sshll.u32 s1, $0xD;
	s1 =	sshrl.u32 s1, $0x2  }
0xc0: {  	s3 =	sand.u32 $0x4000, s31;
	s1 =	sadd.s32 s1, s30  }
0xc1: {  	s0 =	sor.u32 s3, s0;
	s1 =	sshll.u32 s1, $0x11  }
0xc2: {  	s0 =	sor.u32 s1, s0  }
0xc3: {  	s0 =	sadd.s32 $0x8F2B, s0  }
0xc4: {  	[sflag:s0] =	ssyncadd.remote.s32 $0x1  }
0xc5: {  	_ =	sfence.sel $0xFFFF  }
0xc6: {  	[dreg:$0x0] =	wrdreg $0xFFFFFFFF;
	(pc) =	sbr.abs _section_cstart, $3  }
0xc7: {  	[dreg:$0x1] =	wrdreg $0xFFFFFFFF  }
0xc8: {  	_ =	task.clear_ibuf [dreg:s7], $0x2FFFF;
	_ =	strace $0x9FFFFFFF  }
0xc9: {  	(tm) =	ssettm $0x7FFFFFFF  }
tec
execute0_lowered:
.L_overlay_start_1:
0x0: {  	(tag) =	ssettag $0x1  }
0x1: {  	s0 =	rddreg [dreg:$0x0]  }
0x2: {  	s3 =	rddreg [dreg:$0x1]  }
0x3: {  	s1 =	rddreg [dreg:$0x2]  }
0x4: {  	s2 =	simm.s32 $0x0;
	s4 =	srdreg.scid;
	s10 =	stileid.u32  }
0x5: {  	s15 =	simm.s32 $0x600;
	s16 =	simm.s32 $0x9;
	s17 =	simm.s32 $0x7  }
0x6: {  	s18 =	simm.s32 $0x4;
	s19 =	simm.s32 $0x5;
	s28 =	simm.s32 $0x500  }
0x7: {  	s29 =	simm.s32 $0x8600;
	s30 =	simm.s32 $0x1;
	s31 =	simm.s32 $0x380  }
0x8: {  	s13 =	simm.s32 $0x0;
	[smem:$0x7FF] =	sst s2;
	s4 =	sand.u32 $0x1, s4  }
0x9: {  	s6 =	sshll.u32 s10, $0x1;
	s7 =	smul.u32 $0x4F000, s10;
	s26 =	sadd.s32 $0x138400, s1  }
0xa: {  	p0 =	seq.s32 s10, $0xF;
	s5 =	smul.u32 $0x27100, s4;
	_ =	strace $0x80000047  }
0xb: {  	s8 =	smul.u32 $0x27380, s4;
	s6 =	sor.u32 s4, s6;
	s9 =	ssub.s32 $0x2, s4  }
0xc: {  	[dreg:$0x9] =	wrdreg s26;
	s26 =	simm.s32 $0x4600;
	s6 =	smul.u32 $0xA20, s6  }
0xd: {  	s20 =	sshrl.u32 s7, $0x2;
	s21 =	sshrl.u32 s9, $0x1;
	s5 =	sadd.s32 s5, s0  }
0xe: {  	s0 =	sadd.s32 s8, s0;
	s4 =	sadd.s32 s20, s1;
	s7 =	ssub.s32 s9, s21  }
0xf: {  	s20 =	simm.s32 $0x6;
	s21 =	simm.s32 $0x80;
	s22 =	sadd.s32 $0x4000, s4  }
0x10: {  	s8 =	simm.s32 $0x100;
	s23 =	sadd.s32 $0x8000, s4;
	[dreg:$0x5] =	wrdreg s22  }
0x11: {  	s9 =	simm.s32 $0x200;
	s24 =	sadd.s32 $0xC000, s4;
	[dreg:$0x6] =	wrdreg s23  }
0x12: {  	s6 =	sadd.s32 s3, s6;
	s25 =	sadd.s32 $0x10000, s4;
	[dreg:$0x7] =	wrdreg s24  }
0x13: {  	s11 =	sadd.s32 $0x2800, s5;
	s7 =	smax.u32 s7, $0x1;
	[dreg:$0x8] =	wrdreg s25  }
0x14: {  	s5 =	sadd.s32 $0x50A00, s0;
	s0 =	smul.u32 $0x2780, s10;
	[dreg:$0xa] =	wrdreg s7  }
0x15: {  	s3 =	sadd.s32 $0x128400, s1;
	s10 =	simm.s32 $0x180;
	[dreg:$0x4] =	wrdreg s6  }
.Ltmp0:
0x16: {  	s6 =	sadd.s32 $0x60, s6;
	s22 =	simm.s32 $0x300;
	(pc) =	sbr.rel .LBB2_1-.Ltmp0, $4  }
0x17: {  	s23 =	simm.s32 $0x400;
	s3 =	sshrl.u32 @p0 s3, $0x3;
	[dreg:$0xb] =	wrdreg s6  }
0x18: {  	s25 =	smov.u32 s5;
	s7 =	simm.s32 $0x580;
	[dreg:$0xc] =	wrdreg s3  }
0x19: {  	s0 =	sadd.s32 @!p0 s0, s5;
	s3 =	simm.s32 $0x480;
	s6 =	simm.s32 $0x3  }
0x1a: {  	v0 =	vimm.f32 $0.0e+00;
	s5 =	simm.s32 $0x280;
	[dreg:$0xd] =	wrdreg s0;
	s0 =	simm.s32 $0x2  }
.LBB2_9:
0x1b: {  	_ =	swait.ge [sflag:s18], $0x4000  }
0x1c: {  	[sflag:s18] =	ssyncset.done $0x0  }
0x1d: {  	[sflag:s18] =	ssyncadd.s32 $0xFFFFC000  }
0x1e: {  	_ =	swait.ge [sflag:s19], $0x4000  }
0x1f: {  	[sflag:s19] =	ssyncset.done $0x0  }
0x20: {  	[sflag:s19] =	ssyncadd.s32 $0xFFFFC000  }
0x21: {  	_ =	swait.ge [sflag:s20], $0x4000  }
0x22: {  	[sflag:s20] =	ssyncset.done $0x0  }
0x23: {  	[sflag:s20] =	ssyncadd.s32 $0xFFFFC000  }
0x24: {  	[bflag:$0x0] =	sbarrier.arrive $0xFFFF  }
0x25: {  	s12 =	sadd.s32 @p0 $0x25080, s25;
	s14 =	simm.s32 @p0 $0x1FC9;
	s24 =	rddreg [dreg:$0xc]  }
0x26: {  	[hbm:s12], [sflag:s14] =	dma.local @p0 [spmem:s24], $0x2300  }
0x27: {  	s12 =	simm.s32 @p0 $0x9  }
0x28: {  	s14 =	stileid.u32;
	_ =	swait.ge @p0 [sflag:s12], $0x2300  }
0x29: {  	s14 =	sshll.u32 @!p0 s14, $0x6;
	[sflag:s12] =	ssyncset.done @p0 $0x0;
	s24 =	rddreg [dreg:$0xd]  }
0x2a: {  	[sflag:s12] =	ssyncadd.s32 @p0 $0xFFFFDD00;
	s12 =	sor.u32 @!p0 $0x1C09, s14;
	s14 =	sshrl.u32 @!p0 s4, $0x3  }
0x2b: {  	[hbm:s24], [sflag:s12] =	dma.local @!p0 [spmem:s14], $0x2780  }
0x2c: {  	s12 =	simm.s32 @!p0 $0x9  }
0x2d: {  	_ =	swait.ge @!p0 [sflag:s12], $0x2780  }
0x2e: {  	s13 =	sadd.s32 $0x1, s13;
	s24 =	rddreg [dreg:$0xa]  }
0x2f: {  	p1 =	sne.s32 s13, s24  }
.Ltmp1:
0x30: {  	_ = 	snop;
	(pc) =	sbr.rel @!p1 .LBB2_10-.Ltmp1, $3  }
0x31: {  	_ =	sdelay $0x1  }
0x32: {  	[sflag:s12] =	ssyncset.done @!p0 $0x0  }
0x33: {  	[sflag:s12] =	ssyncadd.s32 @!p0 $0xFFFFD880  }
.LBB2_1:
0x34: {  	s12 =	rddreg [dreg:$0x4]  }
0x35: {  	[tilespmem:s2], [sflag:$0x7] =	stream.linear.gather [hbm4b:s12+s2], $0x300, $0x38;
	v63 =	vld [tilespmem:$0x0]  }
0x36: {  	s14 =	simm.s32 $0x200;
	s12 =	simm.s32 $0x0  }
.LBB2_2:
0x37: {  	p1 =	sne.s32 s14, $0xFE00;
	[tilespmem:s12+$0x670] =	vst v0  }
0x38: {  	[tilespmem:s12+$0x600] =	vst v0  }
0x39: {  	[tilespmem:s12+$0x610] =	vst v0  }
.Ltmp2:
0x3a: {  	[tilespmem:s12+$0x620] =	vst v0;
	(pc) =	sbr.rel @p1 .LBB2_2-.Ltmp2, $4  }
0x3b: {  	[tilespmem:s12+$0x630] =	vst v0  }
0x3c: {  	[tilespmem:s12+$0x640] =	vst v0  }
0x3d: {  	[tilespmem:s12+$0x650] =	vst v0  }
0x3e: {  	[tilespmem:s12+$0x660] =	vst v0;
	s12 =	sshra.s32 s14, $0x2;
	s14 =	sadd.s32 $0x200, s14  }
0x3f: {  	[tilespmem:s12+$0x670] =	vst v0  }
0x40: {  	[tilespmem:s12+$0x600] =	vst v0  }
0x41: {  	[tilespmem:s12+$0x610] =	vst v0  }
0x42: {  	[tilespmem:s12+$0x620] =	vst v0  }
0x43: {  	[tilespmem:s12+$0x630] =	vst v0  }
0x44: {  	[tilespmem:s12+$0x640] =	vst v0  }
0x45: {  	[tilespmem:s12+$0x650] =	vst v0  }
0x46: {  	[tilespmem:s12+$0x660] =	vst v0  }
0x47: {  	[spmem:s4] =	stream.linear.scatter [tilespmem:s15], [sflag:$0x9], $0x4000, $0x38;
	v63 =	vld [tilespmem:$0x0]  }
0x48: {  	_ =	swait.ge [sflag:s16], $0x4000  }
0x49: {  	[sflag:s16] =	ssyncset.done $0x0  }
0x4a: {  	s24 =	rddreg [dreg:$0x5];
	[sflag:s16] =	ssyncadd.s32 $0xFFFFC000  }
0x4b: {  	[spmem:s24] =	stream.linear.scatter [tilespmem:s15], [sflag:$0x9], $0x4000, $0x38;
	v63 =	vld [tilespmem:$0x0]  }
0x4c: {  	_ =	swait.ge [sflag:s16], $0x4000  }
0x4d: {  	[sflag:s16] =	ssyncset.done $0x0  }
0x4e: {  	s14 =	rddreg [dreg:$0x6];
	[sflag:s16] =	ssyncadd.s32 $0xFFFFC000  }
0x4f: {  	[spmem:s14] =	stream.linear.scatter [tilespmem:s15], [sflag:$0x9], $0x4000, $0x38;
	v63 =	vld [tilespmem:$0x0]  }
0x50: {  	_ =	swait.ge [sflag:s16], $0x4000  }
0x51: {  	[sflag:s16] =	ssyncset.done $0x0  }
0x52: {  	s24 =	rddreg [dreg:$0x7];
	[sflag:s16] =	ssyncadd.s32 $0xFFFFC000  }
0x53: {  	[spmem:s24] =	stream.linear.scatter [tilespmem:s15], [sflag:$0x9], $0x4000, $0x38;
	v63 =	vld [tilespmem:$0x0]  }
0x54: {  	_ =	swait.ge [sflag:s16], $0x4000  }
0x55: {  	[sflag:s16] =	ssyncset.done $0x0  }
0x56: {  	s12 =	simm.s32 @p0 $0x600;
	s14 =	rddreg [dreg:$0x9];
	[sflag:s16] =	ssyncadd.s32 $0xFFFFC000  }
0x57: {  	[spmem:s14] =	stream.linear.scatter @p0 [tilespmem:s12], [sflag:$0x9], $0x1800, $0x38;
	v63 =	vld [tilespmem:$0x0]  }
0x58: {  	s12 =	simm.s32 @p0 $0x9  }
0x59: {  	_ =	swait.ge @p0 [sflag:s12], $0x1800  }
0x5a: {  	[sflag:s12] =	ssyncset.done @p0 $0x0  }
0x5b: {  	s14 =	rddreg [dreg:$0x8];
	[sflag:s12] =	ssyncadd.s32 @p0 $0xFFFFE800;
	s12 =	simm.s32 @!p0 $0x600  }
0x5c: {  	[spmem:s14] =	stream.linear.scatter @!p0 [tilespmem:s12], [sflag:$0x9], $0x3C00, $0x38;
	v63 =	vld [tilespmem:$0x0]  }
0x5d: {  	s12 =	simm.s32 @!p0 $0x9  }
0x5e: {  	_ =	swait.ge @!p0 [sflag:s12], $0x3C00  }
0x5f: {  	[sflag:s12] =	ssyncset.done @!p0 $0x0  }
0x60: {  	[sflag:s12] =	ssyncadd.s32 @!p0 $0xFFFFC400  }
.Ltmp3:
0x61: {  	_ =	swait.ge [sflag:s17], $0x300;
	(pc) =	sbr.rel .LBB2_4-.Ltmp3, $4  }
0x62: {  	[sflag:s17] =	ssyncset.done $0x0  }
0x63: {  	[sflag:s17] =	ssyncadd.s32 $0xFFFFFD00  }
0x64: {  	[bflag:$0x0] =	sbarrier.arrive $0xFFFF  }
0x65: {  	s14 =	simm.s32 $0x0;
	s12 =	rddreg [dreg:$0xb]  }
.LBB2_6:
0x66: {  	_ =	swait.ge [sflag:s18], $0x4000  }
0x67: {  	[sflag:s18] =	ssyncset.done $0x0  }
0x68: {  	[sflag:s18] =	ssyncadd.s32 $0xFFFFC000  }
0x69: {  	_ =	swait.ge [sflag:s19], $0x4000  }
0x6a: {  	[sflag:s19] =	ssyncset.done $0x0  }
0x6b: {  	[sflag:s19] =	ssyncadd.s32 $0xFFFFC000  }
0x6c: {  	_ =	swait.ge [sflag:s20], $0x4000  }
0x6d: {  	[sflag:s20] =	ssyncset.done $0x0  }
0x6e: {  	[sflag:s20] =	ssyncadd.s32 $0xFFFFC000  }
0x6f: {  	[tilespmem:s2], [sflag:$0x7] =	stream.linear.gather [hbm4b:s12+s2], $0x300, $0x38;
	v63 =	vld [tilespmem:$0x0]  }
0x70: {  	_ = 	snop  }
0x71: {  	[tilespmem:s15], [sflag:$0x1] =	stream.indirect.gather [hbm4b:s11+s21], $0x80, s22, s21, $0xb8;
	v63 =	vld [tilespmem:$0x0]  }
0x72: {  	_ = 	snop  }
0x73: {  	[tilespmem:s26], [sflag:$0x2] =	stream.indirect.gather [hbm4b:s11+s21], $0x80, s23, s21, $0xb8;
	v63 =	vld [tilespmem:$0x0]  }
0x74: {  	_ = 	snop  }
0x75: {  	[tilespmem:s29], [sflag:$0x3] =	stream.indirect.gather [hbm4b:s11+s21], $0x80, s28, s21, $0xb8;
	v63 =	vld [tilespmem:$0x0]  }
0x76: {  	_ =	swait.ge [sflag:s30], $0x4000  }
0x77: {  	[sflag:s30] =	ssyncset.done $0x0  }
0x78: {  	[sflag:s30] =	ssyncadd.s32 $0xFFFFC000  }
0x79: {  	[spmem:s1] =	stream.indirect.scatter.add.f32 [tilespmem:s15], [sflag:$0x4], $0x80, s31, s21, $0xb8;
	v63 =	vld [tilespmem:$0x0]  }
0x7a: {  	_ =	swait.ge [sflag:s0], $0x4000  }
0x7b: {  	[sflag:s0] =	ssyncset.done $0x0  }
0x7c: {  	[sflag:s0] =	ssyncadd.s32 $0xFFFFC000  }
0x7d: {  	[spmem:s1] =	stream.indirect.scatter.add.f32 [tilespmem:s26], [sflag:$0x5], $0x80, s3, s21, $0xb8;
	v63 =	vld [tilespmem:$0x0]  }
0x7e: {  	_ =	swait.ge [sflag:s6], $0x4000  }
0x7f: {  	[sflag:s6] =	ssyncset.done $0x0  }
0x80: {  	s24 =	simm.s32 $0x7;
	[sflag:s6] =	ssyncadd.s32 $0xFFFFC000  }
0x81: {  	[spmem:s1] =	stream.indirect.scatter.add.f32 [tilespmem:s29], [sflag:$0x6], $0x80, s7, s21, $0xb8;
	v63 =	vld [tilespmem:$0x0]  }
.LBB2_7:
0x82: {  	_ =	swait.ge [sflag:s24], $0x300  }
0x83: {  	[sflag:s24] =	ssyncset.done $0x0  }
0x84: {  	[sflag:s24] =	ssyncadd.s32 $0xFFFFFD00  }
.LBB2_8:
0x85: {  	s14 =	sadd.s32 $0x1, s14  }
0x86: {  	p1 =	sne.s32 s14, $0x1B  }
.Ltmp4:
0x87: {  	_ = 	snop;
	(pc) =	sbr.rel @!p1 .LBB2_9-.Ltmp4, $2  }
0x88: {  	_ =	sdelay $0x2  }
0x89: {  	s12 =	sadd.s32 $0x60, s12  }
.LBB2_4:
0x8a: {  	s24 =	sand.u32 $0x1, s14  }
0x8b: {  	p1 =	seq.s32 s24, $0x1  }
.Ltmp5:
0x8c: {  	_ = 	snop;
	(pc) =	sbr.rel @p1 .LBB2_6-.Ltmp5, $1  }
0x8d: {  	_ =	sdelay $0x3  }
0x8e: {  	p1 =	seq.s32 s14, $0x0  }
0x8f: {  	s24 =	simm.s32 @!p1 $0x4  }
0x90: {  	_ =	swait.ge @!p1 [sflag:s24], $0x4000  }
0x91: {  	[sflag:s24] =	ssyncset.done @!p1 $0x0  }
0x92: {  	[sflag:s24] =	ssyncadd.s32 @!p1 $0xFFFFC000;
	s24 =	simm.s32 @!p1 $0x5  }
0x93: {  	_ =	swait.ge @!p1 [sflag:s24], $0x4000  }
0x94: {  	[sflag:s24] =	ssyncset.done @!p1 $0x0  }
0x95: {  	[sflag:s24] =	ssyncadd.s32 @!p1 $0xFFFFC000;
	s24 =	simm.s32 @!p1 $0x6  }
0x96: {  	_ =	swait.ge @!p1 [sflag:s24], $0x4000  }
0x97: {  	p2 =	seq.s32 @!p1 s14, $0x1A;
	[sflag:s24] =	ssyncset.done @!p1 $0x0  }
0x98: {  	p2 =	por p1, !p2;
	[sflag:s24] =	ssyncadd.s32 @!p1 $0xFFFFC000  }
0x99: {  	[tilespmem:s22], [sflag:$0x8] =	stream.linear.gather @p2 [hbm4b:s12+s2], $0x300, $0x38;
	v63 =	vld [tilespmem:$0x0]  }
0x9a: {  	_ = 	snop  }
0x9b: {  	[tilespmem:s15], [sflag:$0x1] =	stream.indirect.gather [hbm4b:s11+s21], $0x80, s2, s21, $0xb8;
	v63 =	vld [tilespmem:$0x0]  }
0x9c: {  	_ = 	snop  }
0x9d: {  	[tilespmem:s26], [sflag:$0x2] =	stream.indirect.gather [hbm4b:s11+s21], $0x80, s8, s21, $0xb8;
	v63 =	vld [tilespmem:$0x0]  }
0x9e: {  	_ = 	snop  }
0x9f: {  	[tilespmem:s29], [sflag:$0x3] =	stream.indirect.gather [hbm4b:s11+s21], $0x80, s9, s21, $0xb8;
	v63 =	vld [tilespmem:$0x0]  }
0xa0: {  	_ =	swait.ge [sflag:s30], $0x4000  }
0xa1: {  	[sflag:s30] =	ssyncset.done $0x0  }
0xa2: {  	[sflag:s30] =	ssyncadd.s32 $0xFFFFC000  }
0xa3: {  	[spmem:s1] =	stream.indirect.scatter.add.f32 [tilespmem:s15], [sflag:$0x4], $0x80, s21, s21, $0xb8;
	v63 =	vld [tilespmem:$0x0]  }
0xa4: {  	_ =	swait.ge [sflag:s0], $0x4000  }
0xa5: {  	p1 =	por @!p1 $0x1, $0x1;
	[sflag:s0] =	ssyncset.done $0x0  }
0xa6: {  	p1 =	por @p2 $0x0, $0x0;
	[sflag:s0] =	ssyncadd.s32 $0xFFFFC000  }
0xa7: {  	[spmem:s1] =	stream.indirect.scatter.add.f32 [tilespmem:s26], [sflag:$0x5], $0x80, s10, s21, $0xb8;
	v63 =	vld [tilespmem:$0x0]  }
.Ltmp6:
0xa8: {  	_ = 	snop;
	(pc) =	sbr.rel @p1 .LBB2_8-.Ltmp6, $4  }
.Ltmp7:
0xa9: {  	_ =	swait.ge [sflag:s6], $0x4000;
	(pc) =	sbr.rel @!p1 .LBB2_7-.Ltmp7, $4  }
0xaa: {  	[sflag:s6] =	ssyncset.done $0x0  }
0xab: {  	s24 =	simm.s32 $0x8;
	[sflag:s6] =	ssyncadd.s32 $0xFFFFC000  }
0xac: {  	[spmem:s1] =	stream.indirect.scatter.add.f32 [tilespmem:s29], [sflag:$0x6], $0x80, s5, s21, $0xb8;
	v63 =	vld [tilespmem:$0x0]  }
0xad: {  	_ = 	snop  }
.LBB2_10:
0xae: {  	_ =	sfence.sel $0x180000  }
0xaf: {  	[bflag:$0x0] =	sbarrier.arrive $0xFFFF  }
0xb0: {  	_ =	strace $0x90000047  }
0xb1: {  	s0 =	stileid.u32;
	[bflag:$0x2] =	sbarrier.arrive $0xFFFF  }
0xb2: {  	p0 =	sne.s32 s0, $0x0;
	s0 =	rddreg [dreg:$0x3]  }
0xb3: {  	s0 =	sadd.s32 @!p0 $0x100000, s0  }
0xb4: {  	[sflag:s0] =	ssyncadd.tile.s32 @!p0 $0x1;
	_ =	shalt  }
.Lfunc_end2:
_tile_overlayer_lowered:
.L_overlay_start_2:
0xb5: {  	(tag) =	ssettag $0x2  }
0xb6: {  	s0 =	rddreg [dreg:$0x0];
	s2 =	stileid.u32  }
0xb7: {  	s1 =	rddreg [dreg:$0x1];
	p0 =	sne.s32 s2, $0x0  }
0xb8: {  	s3 =	rddreg [dreg:$0x2];
	[bflag:$0x3] =	sbarrier.arrive $0xFFFF;
	s2 =	simm.s32 @!p0 $0x1C09  }
0xb9: {  	[timem:s3], [sflag:s2] =	dma.local @!p0 [hbm:s0], s1  }
0xba: {  	s0 =	simm.s32 @!p0 $0x9  }
0xbb: {  	_ =	swait.ge @!p0 [sflag:s0], s1  }
0xbc: {  	s1 =	ssub.s32 @!p0 $0x0, s1;
	[sflag:s0] =	ssyncset.done @!p0 $0x0  }
0xbd: {  	[sflag:s0] =	ssyncadd.s32 @!p0 s1  }
0xbe: {  	[bflag:$0x3] =	sbarrier.arrive $0xFFFF  }
0xbf: {  	_ =	shalt  }

// kernel: kernel.9.cloned.1.call-start
scs
__scs_entry_jumppad:
0x0: {  	(pc) =	sbr.rel $0x88, $3  }
0x1: {  	(tag) =	ssettag $0x0;
	lr =	simm.s32 $0x1  }
0x2: {  	[smem:$0x3F92] =	sst lr;
	_ =	strace $0xD0000000  }
0x3: {  	_ = 	snop  }
0x4: {  	_ = 	snop  }
0x5: {  	_ = 	snop  }
0x6: {  	_ = 	snop  }
0x7: {  	_ = 	snop  }
__scs_overlays_trampoline_lowered:
0x8: {  	[smem:$0x3FA1] =	sst s0  }
0x9: {  	[smem:$0x3FA2] =	sst s1  }
0xa: {  	[smem:$0x3FA3] =	sst s2  }
0xb: {  	[smem:$0x3FA4] =	sst s3  }
0xc: {  	[smem:$0x3FA5] =	sst s4  }
0xd: {  	[smem:$0x3FA6] =	sst s5  }
0xe: {  	[smem:$0x3FA7] =	sst s6  }
0xf: {  	[smem:$0x3FA8] =	sst s7  }
0x10: {  	[smem:$0x3FA9] =	sst s8  }
0x11: {  	[smem:$0x3FAA] =	sst s9;
	s0 =	simm.s32 @!p0 $0x0  }
0x12: {  	s1 =	sld [smem:$0x3F90];
	s0 =	simm.s32 @p0 $0x1  }
0x13: {  	[smem:$0x3FAB] =	sst s0;
	s0 =	simm.s32 @!p1 $0x0  }
0x14: {  	s2 =	sld [smem:$0x3F8F];
	s0 =	simm.s32 @p1 $0x1  }
0x15: {  	[smem:$0x3FAC] =	sst s0;
	s0 =	simm.s32 @!p2 $0x0  }
0x16: {  	s3 =	sld [smem:$0x3FDB];
	s0 =	simm.s32 @p2 $0x1  }
0x17: {  	s4 =	simm.s32 $0x1BF5;
	[smem:$0x3FAE] =	sst s0  }
0x18: {  	s0 =	sld [smem:$0x3F91];
	_ =	swait.ge [sflag:s4], $0x0  }
0x19: {  	s7 =	sld [smem:$0x3F92]  }
0x1a: {  	s8 =	sadd.s32 $0xFFFFE003, lr  }
0x1b: {  	s9 =	sadd.s32 $0xFFFFFEF7, lr;
	s5 =	simm.s32 $0xFFFFFFFF;
	p2 =	slt.u32 s8, $0xFFFFF086  }
0x1c: {  	p1 =	slt.u32 s9, $0xF7A;
	s5 =	simm.s32 @!p2 $0x0  }
0x1d: {  	s5 =	simm.s32 @p1 $0x1;
	p0 =	seq.s32 s7, s2  }
0x1e: {  	s7 =	smul.u32 @!p0 $0xF7A, s2;
	p2 =	seq.s32 @!p0 s5, $0x0  }
0x1f: {  	s9 =	smul.u32 $0xF7A, s1;
	s8 =	simm.s32 @!p0 $0x1BF5;
	p2 =	por !p2, p0  }
0x20: {  	[sflag:s8] =	ssyncset.s32 @!p0 $0xFFFFF086;
	s6 =	sadd.s32 @!p0 s3, s7;
	s7 =	simm.s32 @!p0 $0x108  }
0x21: {  	s3 =	sadd.s32 s3, s9;
	s6 =	sadd.s32 @!p0 $0x88, s6;
	s7 =	simm.s32 @p2 $0x1082  }
0x22: {  	[simem:s7], [sflag:s8] =	dma.local @!p0 [hbm:s6], $0xF7A  }
0x23: {  	s9 =	sor.u32 $0xD0000000, s2;
	s6 =	simm.s32 $0x108;
	_ =	swait.ge @!p0 [sflag:s8], $0x0  }
0x24: {  	s3 =	sadd.s32 $0x88, s3;
	s6 =	simm.s32 @!p1 $0x1082;
	[sflag:s4] =	ssyncset.s32 $0xFFFFF086  }
0x25: {  	[simem:s6], [sflag:s4] =	dma.local [hbm:s3], $0xF7A  }
0x26: {  	[smem:$0x3F92] =	sst s1;
	(tag) =	ssettag s2;
	_ =	strace s9  }
0x27: {  	s1 =	sld [smem:$0x3FA2]  }
0x28: {  	s2 =	sld [smem:$0x3FA3]  }
0x29: {  	s4 =	sld [smem:$0x3FA5]  }
0x2a: {  	p0 =	seq.s32 s5, $0x0;
	s5 =	sld [smem:$0x3FA6]  }
0x2b: {  	s6 =	sld [smem:$0x3FA7]  }
0x2c: {  	s7 =	sld [smem:$0x3FA8]  }
0x2d: {  	s3 =	simm.s32 $0x108;
	s8 =	sld [smem:$0x3FA9]  }
0x2e: {  	s3 =	simm.s32 @!p0 $0x1082;
	s9 =	sld [smem:$0x3FAA]  }
0x2f: {  	lr =	sadd.s32 s0, s3;
	s0 =	sld [smem:$0x3FA1]  }
0x30: {  	s3 =	sld [smem:$0x3FA4]  }
0x31: {  	[smem:$0x3FAD] =	sst s10  }
0x32: {  	s10 =	sld [smem:$0x3FAB];
	_ =	sdelay $0x3  }
0x33: {  	p0 =	seq.s32 s10, $0x1;
	s10 =	sld [smem:$0x3FAD];
	_ =	sdelay $0x3  }
0x34: {  	[smem:$0x3FAD] =	sst s10  }
0x35: {  	s10 =	sld [smem:$0x3FAC];
	_ =	sdelay $0x3  }
0x36: {  	p1 =	seq.s32 s10, $0x1;
	s10 =	sld [smem:$0x3FAD];
	_ =	sdelay $0x3  }
0x37: {  	[smem:$0x3FAD] =	sst s10  }
0x38: {  	s10 =	sld [smem:$0x3FAE]  }
0x39: {  	_ = 	snop;
	(pc) =	sbr.ind lr, $3  }
0x3a: {  	_ = 	snop  }
0x3b: {  	_ = 	snop  }
0x3c: {  	p2 =	seq.s32 s10, $0x1;
	s10 =	sld [smem:$0x3FAD]  }
0x3d: {  	_ =	shalt  }
0x3e: {  	_ =	shalt  }
0x3f: {  	_ =	shalt  }
0x40: {  	_ =	shalt  }
0x41: {  	_ =	shalt  }
0x42: {  	_ =	shalt  }
0x43: {  	_ =	shalt  }
0x44: {  	_ =	shalt  }
0x45: {  	_ =	shalt  }
0x46: {  	_ =	shalt  }
0x47: {  	_ =	shalt  }
0x48: {  	_ =	shalt  }
0x49: {  	_ =	shalt  }
0x4a: {  	_ =	shalt  }
0x4b: {  	_ =	shalt  }
0x4c: {  	_ =	shalt  }
0x4d: {  	_ =	shalt  }
0x4e: {  	_ =	shalt  }
0x4f: {  	_ =	shalt  }
0x50: {  	_ =	shalt  }
0x51: {  	_ =	shalt  }
0x52: {  	_ =	shalt  }
0x53: {  	_ =	shalt  }
0x54: {  	_ =	shalt  }
0x55: {  	_ =	shalt  }
0x56: {  	_ =	shalt  }
0x57: {  	_ =	shalt  }
0x58: {  	_ =	shalt  }
0x59: {  	_ =	shalt  }
0x5a: {  	_ =	shalt  }
0x5b: {  	_ =	shalt  }
0x5c: {  	_ =	shalt  }
0x5d: {  	_ =	shalt  }
0x5e: {  	_ =	shalt  }
0x5f: {  	_ =	shalt  }
0x60: {  	_ =	shalt  }
0x61: {  	_ =	shalt  }
0x62: {  	_ =	shalt  }
0x63: {  	_ =	shalt  }
0x64: {  	_ =	shalt  }
0x65: {  	_ =	shalt  }
0x66: {  	_ =	shalt  }
0x67: {  	_ =	shalt  }
0x68: {  	_ =	shalt  }
0x69: {  	_ =	shalt  }
0x6a: {  	_ =	shalt  }
0x6b: {  	_ =	shalt  }
0x6c: {  	_ =	shalt  }
0x6d: {  	_ =	shalt  }
0x6e: {  	_ =	shalt  }
0x6f: {  	_ =	shalt  }
0x70: {  	_ =	shalt  }
0x71: {  	_ =	shalt  }
0x72: {  	_ =	shalt  }
0x73: {  	_ =	shalt  }
0x74: {  	_ =	shalt  }
0x75: {  	_ =	shalt  }
0x76: {  	_ =	shalt  }
0x77: {  	_ =	shalt  }
0x78: {  	_ =	shalt  }
0x79: {  	_ =	shalt  }
0x7a: {  	_ =	shalt  }
0x7b: {  	_ =	shalt  }
0x7c: {  	_ =	shalt  }
0x7d: {  	_ =	shalt  }
0x7e: {  	_ =	shalt  }
0x7f: {  	_ =	shalt  }
0x80: {  	_ =	shalt  }
0x81: {  	_ =	shalt  }
0x82: {  	_ =	shalt  }
0x83: {  	_ =	shalt  }
0x84: {  	_ =	shalt  }
0x85: {  	_ =	shalt  }
0x86: {  	_ =	shalt  }
0x87: {  	_ =	shalt  }
.Lfunc_end0:
.L_simem_size_0:
called_computation.1_lowered:
.L_overlay_start_0:
0x88: {  	s2 =	sld [smem:$0x3FD9]  }
0x89: {  	s3 =	sld [smem:$0x3FFE];
	_ =	sdelay $0x1  }
0x8a: {  	s1 =	srdreg.scid  }
0x8b: {  	s0 =	sand.u32 $0x1, s1  }
0x8c: {  	s14 =	sshll.u32 s0, $0xA;
	s2 =	sadd.s32 s3, s2  }
0x8d: {  	s2 =	sadd.s32 s2, s14  }
0x8e: {  	[smem:$0x3FB9] =	sst s2  }
0x8f: {  	_ = 	snop  }
0x90: {  	s2 =	sld [smem:$0x3FD0];
	_ =	sdelay $0x2  }
0x91: {  	s15 =	simm.s32 $0xA;
	s4 =	simm.s32 $0x10  }
0x92: {  	[smem:s4], [sflag:s15] =	dma.local [hbm:s2], $0x1  }
0x93: {  	_ =	swait.eq [sflag:s15], $0x1  }
0x94: {  	[sflag:s15] =	ssyncset.done $0x0  }
0x95: {  	[sflag:s15] =	ssyncadd.s32 $0xFFFFFFFF  }
0x96: {  	s16 =	sld [smem:$0x12];
	(tm) =	ssettm $0x1  }
0x97: {  	s17 =	sld [smem:$0x3FFB];
	_ =	sdelay $0x3  }
0x98: {  	_ =	strace s17  }
0x99: {  	s3 =	sld [smem:$0x3FFC];
	_ =	sdelay $0x3  }
0x9a: {  	_ =	strace s3  }
0x9b: {  	s3 =	sld [smem:$0x3FFD];
	_ =	sdelay $0x3  }
0x9c: {  	_ =	strace s3  }
0x9d: {  	_ =	strace $0x8FFFFFFF  }
0x9e: {  	s18 =	sld [smem:$0x3FDB];
	_ =	sdelay $0x1  }
0x9f: {  	s19 =	simm.s32 $_scs_section_size  }
0xa0: {  	s5 =	simm.s32 $_size__tile_overlayer_lowered;
	s6 =	simm.s32 $_tile_overlayer_lowered  }
0xa1: {  	s22 =	simm.s32 $0x1BFF;
	s21 =	sshll.u32 s6, $0x1;
	s3 =	sadd.s32 s19, s18  }
0xa2: {  	s7 =	simm.s32 $0x0;
	s20 =	sshll.u32 s5, $0x1;
	s5 =	sadd.s32 s21, s3  }
0xa3: {  	[timem:s7], [sflag:s22] =	dma.local [hbm:s5], s20  }
0xa4: {  	_ =	swait.ge [sflag:s22], s20  }
0xa5: {  	s4 =	ssub.s32 $0x0, s20;
	[sflag:s22] =	ssyncset.done $0x0  }
0xa6: {  	[sflag:s22] =	ssyncadd.s32 s4;
	_ =	sdelay $0x1  }
0xa7: {  	s23 =	simm.s32 $0x1B8B  }
0xa8: {  	_ =	swait.ge [sflag:s23], $0x1  }
0xa9: {  	[sflag:s23] =	ssyncset.done $0x0  }
0xaa: {  	s25 =	simm.s32 $0x1B8E;
	s24 =	sld [smem:$0x3FFE];
	[sflag:s23] =	ssyncadd.s32 $0xFFFFFFFF  }
0xab: {  	s26 =	simm.s32 $execute0_lowered;
	[smem:$0x3FD2] =	sst s25  }
0xac: {  	s5 =	sshll.u32 s26, $0x1;
	_ =	strace $0x80000049;
	[dreg:$0x1] =	wrdreg $0xFFFFFFFF  }
0xad: {  	s28 =	simm.s32 $_size_execute0_lowered;
	s3 =	sadd.s32 s3, s5;
	[dreg:$0x0] =	wrdreg $0x0  }
0xae: {  	s5 =	sshll.u32 s28, $0x1;
	[dreg:$0x2] =	wrdreg s3  }
0xaf: {  	[dreg:$0x3] =	wrdreg s5  }
0xb0: {  	[dreg:$0x4] =	wrdreg $0xC0  }
0xb1: {  	_ =	task [dreg:s7], $0x5FFFF  }
0xb2: {  	[dreg:$0x1] =	wrdreg $0xFFFFFFFF  }
0xb3: {  	[dreg:$0x0] =	wrdreg $0x60  }
0xb4: {  	[dreg:$0x2] =	wrdreg s24  }
0xb5: {  	[dreg:$0x3] =	wrdreg s16  }
0xb6: {  	[dreg:$0x4] =	wrdreg $0xC6000  }
0xb7: {  	[dreg:$0x5] =	wrdreg $0x9  }
0xb8: {  	_ =	task.clear_ibuf [dreg:s7], $0x6FFFF;
	_ =	strace $0x90000049  }
0xb9: {  	s29 =	simm.s32 $0x9;
	_ =	strace $0x8000004B  }
0xba: {  	_ =	swait.ge [sflag:s29], $0x1  }
0xbb: {  	[sflag:s29] =	ssyncadd.s32 $0xFFFFFFFF  }
0xbc: {  	_ =	strace $0x9000004B  }
0xbd: {  	_ =	sfence  }
0xbe: {  	s30 =	sld [smem:$0x0];
	_ =	sdelay $0x2  }
0xbf: {  	s31 =	sshll.u32 s1, $0xD;
	s1 =	sshrl.u32 s1, $0x2  }
0xc0: {  	s3 =	sand.u32 $0x4000, s31;
	s1 =	sadd.s32 s1, s30  }
0xc1: {  	s0 =	sor.u32 s3, s0;
	s1 =	sshll.u32 s1, $0x11  }
0xc2: {  	s0 =	sor.u32 s1, s0  }
0xc3: {  	s0 =	sadd.s32 $0x8F2B, s0  }
0xc4: {  	[sflag:s0] =	ssyncadd.remote.s32 $0x1  }
0xc5: {  	_ =	sfence.sel $0xFFFF  }
0xc6: {  	[dreg:$0x0] =	wrdreg $0xFFFFFFFF;
	(pc) =	sbr.abs _section_cstart, $3  }
0xc7: {  	[dreg:$0x1] =	wrdreg $0xFFFFFFFF  }
0xc8: {  	_ =	task.clear_ibuf [dreg:s7], $0x2FFFF;
	_ =	strace $0x9FFFFFFF  }
0xc9: {  	(tm) =	ssettm $0x7FFFFFFF  }
tec
execute0_lowered:
.L_overlay_start_1:
0x0: {  	(tag) =	ssettag $0x1  }
0x1: {  	s0 =	rddreg [dreg:$0x0]  }
0x2: {  	s3 =	rddreg [dreg:$0x1]  }
0x3: {  	s1 =	rddreg [dreg:$0x2]  }
0x4: {  	s2 =	simm.s32 $0x0;
	s4 =	srdreg.scid;
	s10 =	stileid.u32  }
0x5: {  	s15 =	simm.s32 $0x600;
	s16 =	simm.s32 $0x9;
	s17 =	simm.s32 $0x7  }
0x6: {  	s18 =	simm.s32 $0x4;
	s19 =	simm.s32 $0x5;
	s28 =	simm.s32 $0x500  }
0x7: {  	s29 =	simm.s32 $0x8600;
	s30 =	simm.s32 $0x1;
	s31 =	simm.s32 $0x380  }
0x8: {  	s13 =	simm.s32 $0x0;
	[smem:$0x7FF] =	sst s2;
	s4 =	sand.u32 $0x1, s4  }
0x9: {  	s6 =	sshll.u32 s10, $0x1;
	s7 =	smul.u32 $0x4F000, s10;
	s26 =	sadd.s32 $0x138400, s1  }
0xa: {  	p0 =	seq.s32 s10, $0xF;
	s5 =	smul.u32 $0x27100, s4;
	_ =	strace $0x8000004A  }
0xb: {  	s8 =	smul.u32 $0x27380, s4;
	s6 =	sor.u32 s4, s6;
	s9 =	ssub.s32 $0x2, s4  }
0xc: {  	[dreg:$0x9] =	wrdreg s26;
	s26 =	simm.s32 $0x4600;
	s6 =	smul.u32 $0xA20, s6  }
0xd: {  	s20 =	sshrl.u32 s7, $0x2;
	s21 =	sshrl.u32 s9, $0x1;
	s5 =	sadd.s32 s5, s0  }
0xe: {  	s0 =	sadd.s32 s8, s0;
	s4 =	sadd.s32 s20, s1;
	s7 =	ssub.s32 s9, s21  }
0xf: {  	s20 =	simm.s32 $0x6;
	s21 =	simm.s32 $0x80;
	s22 =	sadd.s32 $0x4000, s4  }
0x10: {  	s8 =	simm.s32 $0x100;
	s23 =	sadd.s32 $0x8000, s4;
	[dreg:$0x5] =	wrdreg s22  }
0x11: {  	s9 =	simm.s32 $0x200;
	s24 =	sadd.s32 $0xC000, s4;
	[dreg:$0x6] =	wrdreg s23  }
0x12: {  	s6 =	sadd.s32 s3, s6;
	s25 =	sadd.s32 $0x10000, s4;
	[dreg:$0x7] =	wrdreg s24  }
0x13: {  	s11 =	sadd.s32 $0x2800, s5;
	s7 =	smax.u32 s7, $0x1;
	[dreg:$0x8] =	wrdreg s25  }
0x14: {  	s5 =	sadd.s32 $0x50A00, s0;
	s0 =	smul.u32 $0x2780, s10;
	[dreg:$0xa] =	wrdreg s7  }
0x15: {  	s3 =	sadd.s32 $0x128400, s1;
	s10 =	simm.s32 $0x180;
	[dreg:$0x4] =	wrdreg s6  }
.Ltmp0:
0x16: {  	s6 =	sadd.s32 $0x60, s6;
	s22 =	simm.s32 $0x300;
	(pc) =	sbr.rel .LBB2_1-.Ltmp0, $4  }
0x17: {  	s23 =	simm.s32 $0x400;
	s3 =	sshrl.u32 @p0 s3, $0x3;
	[dreg:$0xb] =	wrdreg s6  }
0x18: {  	s25 =	smov.u32 s5;
	s7 =	simm.s32 $0x580;
	[dreg:$0xc] =	wrdreg s3  }
0x19: {  	s0 =	sadd.s32 @!p0 s0, s5;
	s3 =	simm.s32 $0x480;
	s6 =	simm.s32 $0x3  }
0x1a: {  	v0 =	vimm.f32 $0.0e+00;
	s5 =	simm.s32 $0x280;
	[dreg:$0xd] =	wrdreg s0;
	s0 =	simm.s32 $0x2  }
.LBB2_9:
0x1b: {  	_ =	swait.ge [sflag:s18], $0x4000  }
0x1c: {  	[sflag:s18] =	ssyncset.done $0x0  }
0x1d: {  	[sflag:s18] =	ssyncadd.s32 $0xFFFFC000  }
0x1e: {  	_ =	swait.ge [sflag:s19], $0x4000  }
0x1f: {  	[sflag:s19] =	ssyncset.done $0x0  }
0x20: {  	[sflag:s19] =	ssyncadd.s32 $0xFFFFC000  }
0x21: {  	_ =	swait.ge [sflag:s20], $0x4000  }
0x22: {  	[sflag:s20] =	ssyncset.done $0x0  }
0x23: {  	[sflag:s20] =	ssyncadd.s32 $0xFFFFC000  }
0x24: {  	[bflag:$0x0] =	sbarrier.arrive $0xFFFF  }
0x25: {  	s12 =	sadd.s32 @p0 $0x25080, s25;
	s14 =	simm.s32 @p0 $0x1FC9;
	s24 =	rddreg [dreg:$0xc]  }
0x26: {  	[hbm:s12], [sflag:s14] =	dma.local @p0 [spmem:s24], $0x2300  }
0x27: {  	s12 =	simm.s32 @p0 $0x9  }
0x28: {  	s14 =	stileid.u32;
	_ =	swait.ge @p0 [sflag:s12], $0x2300  }
0x29: {  	s14 =	sshll.u32 @!p0 s14, $0x6;
	[sflag:s12] =	ssyncset.done @p0 $0x0;
	s24 =	rddreg [dreg:$0xd]  }
0x2a: {  	[sflag:s12] =	ssyncadd.s32 @p0 $0xFFFFDD00;
	s12 =	sor.u32 @!p0 $0x1C09, s14;
	s14 =	sshrl.u32 @!p0 s4, $0x3  }
0x2b: {  	[hbm:s24], [sflag:s12] =	dma.local @!p0 [spmem:s14], $0x2780  }
0x2c: {  	s12 =	simm.s32 @!p0 $0x9  }
0x2d: {  	_ =	swait.ge @!p0 [sflag:s12], $0x2780  }
0x2e: {  	s13 =	sadd.s32 $0x1, s13;
	s24 =	rddreg [dreg:$0xa]  }
0x2f: {  	p1 =	sne.s32 s13, s24  }
.Ltmp1:
0x30: {  	_ = 	snop;
	(pc) =	sbr.rel @!p1 .LBB2_10-.Ltmp1, $3  }
0x31: {  	_ =	sdelay $0x1  }
0x32: {  	[sflag:s12] =	ssyncset.done @!p0 $0x0  }
0x33: {  	[sflag:s12] =	ssyncadd.s32 @!p0 $0xFFFFD880  }
.LBB2_1:
0x34: {  	s12 =	rddreg [dreg:$0x4]  }
0x35: {  	[tilespmem:s2], [sflag:$0x7] =	stream.linear.gather [hbm4b:s12+s2], $0x300, $0x38;
	v63 =	vld [tilespmem:$0x0]  }
0x36: {  	s14 =	simm.s32 $0x200;
	s12 =	simm.s32 $0x0  }
.LBB2_2:
0x37: {  	p1 =	sne.s32 s14, $0xFE00;
	[tilespmem:s12+$0x670] =	vst v0  }
0x38: {  	[tilespmem:s12+$0x600] =	vst v0  }
0x39: {  	[tilespmem:s12+$0x610] =	vst v0  }
.Ltmp2:
0x3a: {  	[tilespmem:s12+$0x620] =	vst v0;
	(pc) =	sbr.rel @p1 .LBB2_2-.Ltmp2, $4  }
0x3b: {  	[tilespmem:s12+$0x630] =	vst v0  }
0x3c: {  	[tilespmem:s12+$0x640] =	vst v0  }
0x3d: {  	[tilespmem:s12+$0x650] =	vst v0  }
0x3e: {  	[tilespmem:s12+$0x660] =	vst v0;
	s12 =	sshra.s32 s14, $0x2;
	s14 =	sadd.s32 $0x200, s14  }
0x3f: {  	[tilespmem:s12+$0x670] =	vst v0  }
0x40: {  	[tilespmem:s12+$0x600] =	vst v0  }
0x41: {  	[tilespmem:s12+$0x610] =	vst v0  }
0x42: {  	[tilespmem:s12+$0x620] =	vst v0  }
0x43: {  	[tilespmem:s12+$0x630] =	vst v0  }
0x44: {  	[tilespmem:s12+$0x640] =	vst v0  }
0x45: {  	[tilespmem:s12+$0x650] =	vst v0  }
0x46: {  	[tilespmem:s12+$0x660] =	vst v0  }
0x47: {  	[spmem:s4] =	stream.linear.scatter [tilespmem:s15], [sflag:$0x9], $0x4000, $0x38;
	v63 =	vld [tilespmem:$0x0]  }
0x48: {  	_ =	swait.ge [sflag:s16], $0x4000  }
0x49: {  	[sflag:s16] =	ssyncset.done $0x0  }
0x4a: {  	s24 =	rddreg [dreg:$0x5];
	[sflag:s16] =	ssyncadd.s32 $0xFFFFC000  }
0x4b: {  	[spmem:s24] =	stream.linear.scatter [tilespmem:s15], [sflag:$0x9], $0x4000, $0x38;
	v63 =	vld [tilespmem:$0x0]  }
0x4c: {  	_ =	swait.ge [sflag:s16], $0x4000  }
0x4d: {  	[sflag:s16] =	ssyncset.done $0x0  }
0x4e: {  	s14 =	rddreg [dreg:$0x6];
	[sflag:s16] =	ssyncadd.s32 $0xFFFFC000  }
0x4f: {  	[spmem:s14] =	stream.linear.scatter [tilespmem:s15], [sflag:$0x9], $0x4000, $0x38;
	v63 =	vld [tilespmem:$0x0]  }
0x50: {  	_ =	swait.ge [sflag:s16], $0x4000  }
0x51: {  	[sflag:s16] =	ssyncset.done $0x0  }
0x52: {  	s24 =	rddreg [dreg:$0x7];
	[sflag:s16] =	ssyncadd.s32 $0xFFFFC000  }
0x53: {  	[spmem:s24] =	stream.linear.scatter [tilespmem:s15], [sflag:$0x9], $0x4000, $0x38;
	v63 =	vld [tilespmem:$0x0]  }
0x54: {  	_ =	swait.ge [sflag:s16], $0x4000  }
0x55: {  	[sflag:s16] =	ssyncset.done $0x0  }
0x56: {  	s12 =	simm.s32 @p0 $0x600;
	s14 =	rddreg [dreg:$0x9];
	[sflag:s16] =	ssyncadd.s32 $0xFFFFC000  }
0x57: {  	[spmem:s14] =	stream.linear.scatter @p0 [tilespmem:s12], [sflag:$0x9], $0x1800, $0x38;
	v63 =	vld [tilespmem:$0x0]  }
0x58: {  	s12 =	simm.s32 @p0 $0x9  }
0x59: {  	_ =	swait.ge @p0 [sflag:s12], $0x1800  }
0x5a: {  	[sflag:s12] =	ssyncset.done @p0 $0x0  }
0x5b: {  	s14 =	rddreg [dreg:$0x8];
	[sflag:s12] =	ssyncadd.s32 @p0 $0xFFFFE800;
	s12 =	simm.s32 @!p0 $0x600  }
0x5c: {  	[spmem:s14] =	stream.linear.scatter @!p0 [tilespmem:s12], [sflag:$0x9], $0x3C00, $0x38;
	v63 =	vld [tilespmem:$0x0]  }
0x5d: {  	s12 =	simm.s32 @!p0 $0x9  }
0x5e: {  	_ =	swait.ge @!p0 [sflag:s12], $0x3C00  }
0x5f: {  	[sflag:s12] =	ssyncset.done @!p0 $0x0  }
0x60: {  	[sflag:s12] =	ssyncadd.s32 @!p0 $0xFFFFC400  }
.Ltmp3:
0x61: {  	_ =	swait.ge [sflag:s17], $0x300;
	(pc) =	sbr.rel .LBB2_4-.Ltmp3, $4  }
0x62: {  	[sflag:s17] =	ssyncset.done $0x0  }
0x63: {  	[sflag:s17] =	ssyncadd.s32 $0xFFFFFD00  }
0x64: {  	[bflag:$0x0] =	sbarrier.arrive $0xFFFF  }
0x65: {  	s14 =	simm.s32 $0x0;
	s12 =	rddreg [dreg:$0xb]  }
.LBB2_6:
0x66: {  	_ =	swait.ge [sflag:s18], $0x4000  }
0x67: {  	[sflag:s18] =	ssyncset.done $0x0  }
0x68: {  	[sflag:s18] =	ssyncadd.s32 $0xFFFFC000  }
0x69: {  	_ =	swait.ge [sflag:s19], $0x4000  }
0x6a: {  	[sflag:s19] =	ssyncset.done $0x0  }
0x6b: {  	[sflag:s19] =	ssyncadd.s32 $0xFFFFC000  }
0x6c: {  	_ =	swait.ge [sflag:s20], $0x4000  }
0x6d: {  	[sflag:s20] =	ssyncset.done $0x0  }
0x6e: {  	[sflag:s20] =	ssyncadd.s32 $0xFFFFC000  }
0x6f: {  	[tilespmem:s2], [sflag:$0x7] =	stream.linear.gather [hbm4b:s12+s2], $0x300, $0x38;
	v63 =	vld [tilespmem:$0x0]  }
0x70: {  	_ = 	snop  }
0x71: {  	[tilespmem:s15], [sflag:$0x1] =	stream.indirect.gather [hbm4b:s11+s21], $0x80, s22, s21, $0xb8;
	v63 =	vld [tilespmem:$0x0]  }
0x72: {  	_ = 	snop  }
0x73: {  	[tilespmem:s26], [sflag:$0x2] =	stream.indirect.gather [hbm4b:s11+s21], $0x80, s23, s21, $0xb8;
	v63 =	vld [tilespmem:$0x0]  }
0x74: {  	_ = 	snop  }
0x75: {  	[tilespmem:s29], [sflag:$0x3] =	stream.indirect.gather [hbm4b:s11+s21], $0x80, s28, s21, $0xb8;
	v63 =	vld [tilespmem:$0x0]  }
0x76: {  	_ =	swait.ge [sflag:s30], $0x4000  }
0x77: {  	[sflag:s30] =	ssyncset.done $0x0  }
0x78: {  	[sflag:s30] =	ssyncadd.s32 $0xFFFFC000  }
0x79: {  	[spmem:s1] =	stream.indirect.scatter.add.f32 [tilespmem:s15], [sflag:$0x4], $0x80, s31, s21, $0xb8;
	v63 =	vld [tilespmem:$0x0]  }
0x7a: {  	_ =	swait.ge [sflag:s0], $0x4000  }
0x7b: {  	[sflag:s0] =	ssyncset.done $0x0  }
0x7c: {  	[sflag:s0] =	ssyncadd.s32 $0xFFFFC000  }
0x7d: {  	[spmem:s1] =	stream.indirect.scatter.add.f32 [tilespmem:s26], [sflag:$0x5], $0x80, s3, s21, $0xb8;
	v63 =	vld [tilespmem:$0x0]  }
0x7e: {  	_ =	swait.ge [sflag:s6], $0x4000  }
0x7f: {  	[sflag:s6] =	ssyncset.done $0x0  }
0x80: {  	s24 =	simm.s32 $0x7;
	[sflag:s6] =	ssyncadd.s32 $0xFFFFC000  }
0x81: {  	[spmem:s1] =	stream.indirect.scatter.add.f32 [tilespmem:s29], [sflag:$0x6], $0x80, s7, s21, $0xb8;
	v63 =	vld [tilespmem:$0x0]  }
.LBB2_7:
0x82: {  	_ =	swait.ge [sflag:s24], $0x300  }
0x83: {  	[sflag:s24] =	ssyncset.done $0x0  }
0x84: {  	[sflag:s24] =	ssyncadd.s32 $0xFFFFFD00  }
.LBB2_8:
0x85: {  	s14 =	sadd.s32 $0x1, s14  }
0x86: {  	p1 =	sne.s32 s14, $0x1B  }
.Ltmp4:
0x87: {  	_ = 	snop;
	(pc) =	sbr.rel @!p1 .LBB2_9-.Ltmp4, $2  }
0x88: {  	_ =	sdelay $0x2  }
0x89: {  	s12 =	sadd.s32 $0x60, s12  }
.LBB2_4:
0x8a: {  	s24 =	sand.u32 $0x1, s14  }
0x8b: {  	p1 =	seq.s32 s24, $0x1  }
.Ltmp5:
0x8c: {  	_ = 	snop;
	(pc) =	sbr.rel @p1 .LBB2_6-.Ltmp5, $1  }
0x8d: {  	_ =	sdelay $0x3  }
0x8e: {  	p1 =	seq.s32 s14, $0x0  }
0x8f: {  	s24 =	simm.s32 @!p1 $0x4  }
0x90: {  	_ =	swait.ge @!p1 [sflag:s24], $0x4000  }
0x91: {  	[sflag:s24] =	ssyncset.done @!p1 $0x0  }
0x92: {  	[sflag:s24] =	ssyncadd.s32 @!p1 $0xFFFFC000;
	s24 =	simm.s32 @!p1 $0x5  }
0x93: {  	_ =	swait.ge @!p1 [sflag:s24], $0x4000  }
0x94: {  	[sflag:s24] =	ssyncset.done @!p1 $0x0  }
0x95: {  	[sflag:s24] =	ssyncadd.s32 @!p1 $0xFFFFC000;
	s24 =	simm.s32 @!p1 $0x6  }
0x96: {  	_ =	swait.ge @!p1 [sflag:s24], $0x4000  }
0x97: {  	p2 =	seq.s32 @!p1 s14, $0x1A;
	[sflag:s24] =	ssyncset.done @!p1 $0x0  }
0x98: {  	p2 =	por p1, !p2;
	[sflag:s24] =	ssyncadd.s32 @!p1 $0xFFFFC000  }
0x99: {  	[tilespmem:s22], [sflag:$0x8] =	stream.linear.gather @p2 [hbm4b:s12+s2], $0x300, $0x38;
	v63 =	vld [tilespmem:$0x0]  }
0x9a: {  	_ = 	snop  }
0x9b: {  	[tilespmem:s15], [sflag:$0x1] =	stream.indirect.gather [hbm4b:s11+s21], $0x80, s2, s21, $0xb8;
	v63 =	vld [tilespmem:$0x0]  }
0x9c: {  	_ = 	snop  }
0x9d: {  	[tilespmem:s26], [sflag:$0x2] =	stream.indirect.gather [hbm4b:s11+s21], $0x80, s8, s21, $0xb8;
	v63 =	vld [tilespmem:$0x0]  }
0x9e: {  	_ = 	snop  }
0x9f: {  	[tilespmem:s29], [sflag:$0x3] =	stream.indirect.gather [hbm4b:s11+s21], $0x80, s9, s21, $0xb8;
	v63 =	vld [tilespmem:$0x0]  }
0xa0: {  	_ =	swait.ge [sflag:s30], $0x4000  }
0xa1: {  	[sflag:s30] =	ssyncset.done $0x0  }
0xa2: {  	[sflag:s30] =	ssyncadd.s32 $0xFFFFC000  }
0xa3: {  	[spmem:s1] =	stream.indirect.scatter.add.f32 [tilespmem:s15], [sflag:$0x4], $0x80, s21, s21, $0xb8;
	v63 =	vld [tilespmem:$0x0]  }
0xa4: {  	_ =	swait.ge [sflag:s0], $0x4000  }
0xa5: {  	p1 =	por @!p1 $0x1, $0x1;
	[sflag:s0] =	ssyncset.done $0x0  }
0xa6: {  	p1 =	por @p2 $0x0, $0x0;
	[sflag:s0] =	ssyncadd.s32 $0xFFFFC000  }
0xa7: {  	[spmem:s1] =	stream.indirect.scatter.add.f32 [tilespmem:s26], [sflag:$0x5], $0x80, s10, s21, $0xb8;
	v63 =	vld [tilespmem:$0x0]  }
.Ltmp6:
0xa8: {  	_ = 	snop;
	(pc) =	sbr.rel @p1 .LBB2_8-.Ltmp6, $4  }
.Ltmp7:
0xa9: {  	_ =	swait.ge [sflag:s6], $0x4000;
	(pc) =	sbr.rel @!p1 .LBB2_7-.Ltmp7, $4  }
0xaa: {  	[sflag:s6] =	ssyncset.done $0x0  }
0xab: {  	s24 =	simm.s32 $0x8;
	[sflag:s6] =	ssyncadd.s32 $0xFFFFC000  }
0xac: {  	[spmem:s1] =	stream.indirect.scatter.add.f32 [tilespmem:s29], [sflag:$0x6], $0x80, s5, s21, $0xb8;
	v63 =	vld [tilespmem:$0x0]  }
0xad: {  	_ = 	snop  }
.LBB2_10:
0xae: {  	_ =	sfence.sel $0x180000  }
0xaf: {  	[bflag:$0x0] =	sbarrier.arrive $0xFFFF  }
0xb0: {  	_ =	strace $0x9000004A  }
0xb1: {  	s0 =	stileid.u32;
	[bflag:$0x2] =	sbarrier.arrive $0xFFFF  }
0xb2: {  	p0 =	sne.s32 s0, $0x0;
	s0 =	rddreg [dreg:$0x3]  }
0xb3: {  	s0 =	sadd.s32 @!p0 $0x100000, s0  }
0xb4: {  	[sflag:s0] =	ssyncadd.tile.s32 @!p0 $0x1;
	_ =	shalt  }
.Lfunc_end2:
_tile_overlayer_lowered:
.L_overlay_start_2:
0xb5: {  	(tag) =	ssettag $0x2  }
0xb6: {  	s0 =	rddreg [dreg:$0x0];
	s2 =	stileid.u32  }
0xb7: {  	s1 =	rddreg [dreg:$0x1];
	p0 =	sne.s32 s2, $0x0  }
0xb8: {  	s3 =	rddreg [dreg:$0x2];
	[bflag:$0x3] =	sbarrier.arrive $0xFFFF;
	s2 =	simm.s32 @!p0 $0x1C09  }
0xb9: {  	[timem:s3], [sflag:s2] =	dma.local @!p0 [hbm:s0], s1  }
0xba: {  	s0 =	simm.s32 @!p0 $0x9  }
0xbb: {  	_ =	swait.ge @!p0 [sflag:s0], s1  }
0xbc: {  	s1 =	ssub.s32 @!p0 $0x0, s1;
	[sflag:s0] =	ssyncset.done @!p0 $0x0  }
0xbd: {  	[sflag:s0] =	ssyncadd.s32 @!p0 s1  }
0xbe: {  	[bflag:$0x3] =	sbarrier.arrive $0xFFFF  }
0xbf: {  	_ =	shalt  }

</sc_bundles>
